<compile_context>
chip_gen: v7x
topology: tpu7x:2x2x1
jax: 0.10.2.dev20260603
libtpu: 0.0.44.dev20260713+nightly
codegen_flags: <defaults>
</compile_context>

<pallas_src>
import functools

import jax
import jax.numpy as jnp
from jax import lax
from jax.experimental import pallas as pl
from jax.experimental.pallas import tpu as pltpu
from jax.experimental.pallas import tpu_sc as plsc

N = 10000
E = 320000
D = 128
H = 128
C = 2
B = 64

AW = 144
NC = 2
NS = 16
NW = NC * NS
EPW = E // NW
CHUNK = 40
NCHUNK = EPW // CHUNK
NP = 10240
RPT = NP // NS

RB = 1000
NRB = N // RB
CP = 8
CW = 8


def _sc_aggregate(x, src_r, dst_r, const8):
    mesh = plsc.VectorSubcoreMesh(core_axis_name="c", subcore_axis_name="s")

    @functools.partial(
        pl.kernel,
        mesh=mesh,
        compiler_params=pltpu.CompilerParams(use_tc_tiling_on_sc=False),
        out_type=[jax.ShapeDtypeStruct((NC, NP, D), jnp.float32),
                  jax.ShapeDtypeStruct((NC, NP, CW), jnp.float32)],
        scratch_types=[
            pltpu.VMEM((NCHUNK, CHUNK), jnp.int32),
            pltpu.VMEM((NCHUNK, CHUNK), jnp.int32),
            pltpu.VMEM((CHUNK, D), jnp.float32),
            pltpu.VMEM((CHUNK, D), jnp.float32),
            pltpu.VMEM((CHUNK, D), jnp.float32),
            pltpu.VMEM((CHUNK, D), jnp.float32),
            pltpu.VMEM((2 * CHUNK, CW), jnp.float32),
            pltpu.VMEM_SHARED((NP, D), jnp.float32),
            pltpu.VMEM_SHARED((NP, CW), jnp.float32),
            pltpu.SemaphoreType.DMA,
            pltpu.SemaphoreType.DMA,
            pltpu.SemaphoreType.DMA,
            pltpu.SemaphoreType.DMA,
            pltpu.SemaphoreType.DMA,
        ],
    )
    def k(x_hbm, src_hbm, dst_hbm, c8_hbm, out_hbm, cnt_hbm, src_v, dst_v,
          buf0, buf1, buf2, buf3, obuf, acc_sh, cnt_sh, gs0, gs1, gs2, gs3, csem):
        c = lax.axis_index("c")
        s = lax.axis_index("s")
        wid = c * NS + s

        zero16 = jnp.zeros((16,), jnp.float32)

        pltpu.sync_copy(c8_hbm, obuf)
        zrows = obuf.at[pl.ds(0, CHUNK)]
        ones = obuf.at[pl.ds(CHUNK, CHUNK)]

        def zb(kk, carry):
            buf0[kk // (D // 16), pl.ds((kk % (D // 16)) * 16, 16)] = zero16
            return carry

        lax.fori_loop(0, CHUNK * (D // 16), zb, 0)

        def zacc(kk, carry):
            pltpu.sync_copy(buf0, acc_sh.at[pl.ds(s * RPT + kk * CHUNK, CHUNK)])
            pltpu.sync_copy(zrows, cnt_sh.at[pl.ds(s * RPT + kk * CHUNK, CHUNK)])
            return carry

        lax.fori_loop(0, RPT // CHUNK, zacc, 0)

        pltpu.sync_copy(src_hbm.at[wid], src_v)
        pltpu.sync_copy(dst_hbm.at[wid], dst_v)
        plsc.subcore_barrier()

        def issue(j, b_, sem_):
            pltpu.async_copy(x_hbm.at[src_v.at[j]], b_, sem_)

        def wait_g(b_, sem_):
            pltpu.make_async_copy(x_hbm.at[src_v.at[0]], b_, sem_).wait()

        def scat(j, b_):
            pltpu.sync_copy(b_, acc_sh.at[dst_v.at[j]], add=True)

        def cnt_issue(j):
            pltpu.async_copy(ones, cnt_sh.at[dst_v.at[j]], csem, add=True)

        def cnt_wait(kk=0, carry=0):
            pltpu.make_async_copy(ones, cnt_sh.at[dst_v.at[0]], csem).wait()
            return carry

        bufs = (buf0, buf1, buf2, buf3)
        gsems = (gs0, gs1, gs2, gs3)
        issue(0, buf0, gs0)
        issue(1, buf1, gs1)
        issue(2, buf2, gs2)
        issue(3, buf3, gs3)

        def turn(j, k, nxt):
            wait_g(bufs[k], gsems[k])
            scat(j, bufs[k])
            if nxt:
                issue(j + 4, bufs[k], gsems[k])
            cnt_issue(j)

        def body(i, carry):
            j = 4 * i
            turn(j, 0, True)
            turn(j + 1, 1, True)
            turn(j + 2, 2, True)
            turn(j + 3, 3, True)
            return carry

        lax.fori_loop(0, (NCHUNK - 6) // 4, body, 0)
        turn(NCHUNK - 6, 0, True)
        turn(NCHUNK - 5, 1, True)
        turn(NCHUNK - 4, 2, False)
        turn(NCHUNK - 3, 3, False)
        turn(NCHUNK - 2, 0, False)
        turn(NCHUNK - 1, 1, False)
        lax.fori_loop(0, NCHUNK, cnt_wait, 0)
        plsc.subcore_barrier()

        pltpu.sync_copy(acc_sh.at[pl.ds(s * RPT, RPT)],
                        out_hbm.at[c, pl.ds(s * RPT, RPT)])
        pltpu.sync_copy(cnt_sh.at[pl.ds(s * RPT, RPT)],
                        cnt_hbm.at[c, pl.ds(s * RPT, RPT)])

    return k(x, src_r, dst_r, const8)


def _tc_body(bounds_ref, pf_ref, pc_ref, x_ref, batch_ref, wlt_ref, wrt_ref,
             bl_ref, w2t_ref, b2_ref, out_ref, acc_ref):
    i = pl.program_id(0)

    @pl.when(i == 0)
    def _():
        acc_ref[...] = jnp.zeros_like(acc_ref)

    ssum = pf_ref[0] + pf_ref[1]
    pc = pc_ref[0] + pc_ref[1]
    cnt = pc[:, :1]
    mean = ssum / jnp.maximum(cnt, 1.0)
    z = jnp.dot(mean, wlt_ref[...], preferred_element_type=jnp.float32)
    z = z + jnp.dot(x_ref[...], wrt_ref[...], preferred_element_type=jnp.float32)
    z = z + bl_ref[...]

    bcol = batch_ref[0]
    gmin = bounds_ref[0, i]
    gmax = bounds_ref[1, i]
    for off in range(B):
        g = gmin + off

        @pl.when(g <= gmax)
        def _(g=g):
            zm = jnp.where(bcol == g, z, 0.0)
            contrib = jnp.max(zm, axis=0, keepdims=True)
            cur = acc_ref[pl.ds(g, 1), :]
            acc_ref[pl.ds(g, 1), :] = jnp.maximum(cur, contrib)

    @pl.when(i == NRB - 1)
    def _():
        pooled = acc_ref[...]
        logits = jnp.dot(pooled, w2t_ref[...],
                         preferred_element_type=jnp.float32) + b2_ref[...]
        col = lax.broadcasted_iota(jnp.int32, (B, CP), 1)
        logits = jnp.where(col < C, logits, -jnp.inf)
        mx = jnp.max(logits, axis=-1, keepdims=True)
        sh = logits - mx
        lse = jnp.log(jnp.sum(jnp.exp(sh), axis=-1, keepdims=True))
        out_ref[...] = (sh - lse)[:, :C]


def _tc_head(bounds, pfeat, pcnt, x, batch3, wlt, wrt, bl, w2t, b2p):
    grid_spec = pltpu.PrefetchScalarGridSpec(
        num_scalar_prefetch=1,
        grid=(NRB,),
        in_specs=[
            pl.BlockSpec((NC, RB, D), lambda i, b_: (0, i, 0)),
            pl.BlockSpec((NC, RB, CW), lambda i, b_: (0, i, 0)),
            pl.BlockSpec((RB, D), lambda i, b_: (i, 0)),
            pl.BlockSpec((1, RB, 1), lambda i, b_: (i, 0, 0)),
            pl.BlockSpec((D, H), lambda i, b_: (0, 0)),
            pl.BlockSpec((D, H), lambda i, b_: (0, 0)),
            pl.BlockSpec((1, H), lambda i, b_: (0, 0)),
            pl.BlockSpec((H, CP), lambda i, b_: (0, 0)),
            pl.BlockSpec((1, CP), lambda i, b_: (0, 0)),
        ],
        out_specs=pl.BlockSpec((B, C), lambda i, b_: (0, 0)),
        scratch_shapes=[pltpu.VMEM((B, H), jnp.float32)],
    )
    return pl.pallas_call(
        _tc_body,
        grid_spec=grid_spec,
        out_shape=jax.ShapeDtypeStruct((B, C), jnp.float32),
    )(bounds, pfeat, pcnt, x, batch3, wlt, wrt, bl, w2t, b2p)


def kernel(x, edge_index, batch, W_l, b_l, W_r, W2, b2):
    src_r = edge_index[0].reshape(NW, NCHUNK, CHUNK)
    dst_r = edge_index[1].reshape(NW, NCHUNK, CHUNK)

    const8 = jnp.concatenate(
        [jnp.zeros((CHUNK, CW), jnp.float32),
         jnp.zeros((CHUNK, CW), jnp.float32).at[:, 0].set(1.0)], axis=0)
    pfeat, pcnt = _sc_aggregate(x, src_r, dst_r, const8)

    batch2 = batch.reshape(NRB, RB)
    bounds = jnp.stack([batch2[:, 0], batch2[:, -1]])
    batch3 = batch.reshape(NRB, RB, 1)
    wlt = W_l.T
    wrt = W_r.T
    bl = b_l.reshape(1, H)
    w2t = jnp.zeros((H, CP), jnp.float32).at[:, :C].set(W2.T)
    b2p = jnp.zeros((1, CP), jnp.float32).at[0, :C].set(b2)

    return _tc_head(bounds, pfeat, pcnt, x, batch3, wlt, wrt, bl, w2t, b2p)

# --- scband reference (transcript-rebuilt; emitter-appended) ---
"""Pipeline reference for scband-upfdnet-52596169507566 (READ-ONLY COPY).

The authoritative reference and input builder live on the scoring server;
editing this copy changes nothing except your own understanding.
"""

import jax, jax.numpy as jnp
import numpy as np

N = 10000      # n_nodes
E = 320000     # n_edges
D = 128        # in_channels
H = 128        # hidden_channels
C = 2          # out_channels
B = 64         # num graphs in batch


def setup_inputs(seed: int = 0) -> dict:
    key = jax.random.key(seed)
    ks = jax.random.split(key, 8)
    x = jax.random.normal(ks[0], (N, D), dtype=jnp.float32)
    edge_index = jax.random.randint(ks[1], (2, E), 0, N, dtype=jnp.int32)
    batch = jnp.sort(jax.random.randint(ks[2], (N,), 0, B, dtype=jnp.int32))
    # SAGEConv params: lin_l (aggregated neighbors, with bias), lin_r (root, no bias)
    W_l = jax.random.normal(ks[3], (H, D), dtype=jnp.float32) * 0.05
    b_l = jnp.zeros((H,), dtype=jnp.float32)
    W_r = jax.random.normal(ks[4], (H, D), dtype=jnp.float32) * 0.05
    # lin2 params
    W2 = jax.random.normal(ks[5], (C, H), dtype=jnp.float32) * 0.05
    b2 = jnp.zeros((C,), dtype=jnp.float32)
    return {"x": x, "edge_index": edge_index, "batch": batch,
            "W_l": W_l, "b_l": b_l, "W_r": W_r, "W2": W2, "b2": b2}


def reference(x, edge_index, batch, W_l, b_l, W_r, W2, b2):
    src = edge_index[0]
    dst = edge_index[1]
    # SAGEConv with mean aggregation: h = lin_l(mean_{j in N(i)} x_j) + lin_r(x_i)
    msg = jnp.take(x, src, axis=0)
    aggr = jax.ops.segment_sum(msg, dst, num_segments=N)
    cnt = jax.ops.segment_sum(jnp.ones((E,), dtype=jnp.float32), dst, num_segments=N)
    mean = aggr / jnp.clip(cnt, 1.0)[:, None]
    h = mean @ W_l.T + b_l + x @ W_r.T
    h = jax.nn.relu(h)
    # global_max_pool over graph ids
    pooled = jax.ops.segment_max(h, batch, num_segments=B)
    pooled = jnp.where(jnp.isneginf(pooled), 0.0, pooled)
    out = pooled @ W2.T + b2
    return jax.nn.log_softmax(out, axis=-1)

if __name__ == "__main__":
    import jax
    _d = setup_inputs()
    print(jax.jit(kernel)(*tuple(_d.values())))

</pallas_src>

<mosaic_0001>
#map = affine_map<(d0, d1) -> (0, 0)>
#map1 = affine_map<(d0, d1) -> (0, 0, 0)>
module attributes {stable_mosaic.version = 14 : i64} {
  func.func @k(%arg0: i32, %arg1: i32, %arg2: memref<10000x128xf32, #tpu.memory_space<hbm>>, %arg3: memref<32x250x40xi32, #tpu.memory_space<hbm>>, %arg4: memref<32x250x40xi32, #tpu.memory_space<hbm>>, %arg5: memref<80x8xf32, #tpu.memory_space<hbm>>, %arg6: memref<2x10240x128xf32, #tpu.memory_space<hbm>>, %arg7: memref<2x10240x8xf32, #tpu.memory_space<hbm>>, %arg8: memref<250x40xi32, #tpu.memory_space<vmem>>, %arg9: memref<250x40xi32, #tpu.memory_space<vmem>>, %arg10: memref<40x128xf32, #tpu.memory_space<vmem>>, %arg11: memref<40x128xf32, #tpu.memory_space<vmem>>, %arg12: memref<40x128xf32, #tpu.memory_space<vmem>>, %arg13: memref<40x128xf32, #tpu.memory_space<vmem>>, %arg14: memref<80x8xf32, #tpu.memory_space<vmem>>, %arg15: memref<10240x128xf32, #tpu.memory_space<vmem_shared>>, %arg16: memref<10240x8xf32, #tpu.memory_space<vmem_shared>>, %arg17: memref<!tpu.dma_semaphore, #tpu.memory_space<semaphore_mem>>, %arg18: memref<!tpu.dma_semaphore, #tpu.memory_space<semaphore_mem>>, %arg19: memref<!tpu.dma_semaphore, #tpu.memory_space<semaphore_mem>>, %arg20: memref<!tpu.dma_semaphore, #tpu.memory_space<semaphore_mem>>, %arg21: memref<!tpu.dma_semaphore, #tpu.memory_space<semaphore_mem>>) attributes {dimension_semantics = [#tpu.dimension_semantics<core_parallel>, #tpu.dimension_semantics<subcore_parallel>], iteration_bounds = array<i64: 2, 16>, scalar_prefetch = 0 : i64, scratch_operands = 14 : i64, tpu.core_type = #tpu.core_type<sc_vector_subcore>, window_params = [{transform_indices = #map}, {transform_indices = #map1}, {transform_indices = #map1}, {transform_indices = #map}, {transform_indices = #map1}, {transform_indices = #map1}]} {
    %mul3A = arith.constant 16 : i32
    %mul3A_0 = arith.muli %arg0, %mul3A : i32
    %add3A = arith.addi %mul3A_0, %arg1 : i32
    %broadcast_in_dim3A = arith.constant 0.000000e+00 : f32
    %broadcast_in_dim3A_1 = vector.broadcast %broadcast_in_dim3A : f32 to vector<16xf32>
    "tpu.region"() ({
      %run_scoped3A_181 = tpu.sem_alloc : memref<!tpu.dma_semaphore, #tpu.memory_space<semaphore_mem>>
      tpu.enqueue_dma source(%arg5 : memref<80x8xf32, #tpu.memory_space<hbm>>) target(%arg14 : memref<80x8xf32, #tpu.memory_space<vmem>>) target_semaphore(%run_scoped3A_181 : memref<!tpu.dma_semaphore, #tpu.memory_space<semaphore_mem>>)
      tpu.wait_dma2 semaphore(%run_scoped3A_181 : memref<!tpu.dma_semaphore, #tpu.memory_space<semaphore_mem>>) src(%arg5 : memref<80x8xf32, #tpu.memory_space<hbm>>) dst(%arg14 : memref<80x8xf32, #tpu.memory_space<vmem>>)
      tpu.yield
    }) : () -> ()
    %scan3A = arith.constant 0 : i32
    %scan3A_2 = arith.constant 0 : i32
    %scan3A_3 = arith.constant 320 : i32
    %scan3A_4 = arith.addi %scan3A_2, %scan3A_3 : i32
    %scan3A_5 = arith.constant 1 : i32
    scf.for %scan3A_181 = %scan3A_2 to %scan3A_4 step %scan3A_5  : i32 {
      %jit3A = arith.constant 8 : i32
      %div3A = arith.divsi %scan3A_181, %jit3A : i32
      %sign3A = arith.constant 0 : i32
      %sign3A_182 = arith.cmpi sgt, %scan3A_181, %sign3A : i32
      %sign3A_183 = arith.extui %sign3A_182 : i1 to i32
      %sign3A_184 = arith.constant 0 : i32
      %sign3A_185 = arith.cmpi slt, %scan3A_181, %sign3A_184 : i32
      %sign3A_186 = arith.extui %sign3A_185 : i1 to i32
      %sign3A_187 = arith.subi %sign3A_183, %sign3A_186 : i32
      %sign3A_188 = arith.constant 0 : i32
      %sign3A_189 = arith.cmpi sgt, %jit3A, %sign3A_188 : i32
      %sign3A_190 = arith.extui %sign3A_189 : i1 to i32
      %sign3A_191 = arith.constant 0 : i32
      %sign3A_192 = arith.cmpi slt, %jit3A, %sign3A_191 : i32
      %sign3A_193 = arith.extui %sign3A_192 : i1 to i32
      %sign3A_194 = arith.subi %sign3A_190, %sign3A_193 : i32
      %ne3A = arith.cmpi ne, %sign3A_187, %sign3A_194 : i32
      %rem3A = arith.remsi %scan3A_181, %jit3A : i32
      %ne3A_195 = arith.constant 0 : i32
      %ne3A_196 = arith.cmpi ne, %rem3A, %ne3A_195 : i32
      %and3A = arith.andi %ne3A, %ne3A_196 : i1
      %sub3A = arith.constant 1 : i32
      %sub3A_197 = arith.subi %div3A, %sub3A : i32
      %select_n3A = arith.select %and3A, %sub3A_197, %div3A : i32
      %jit3A_198 = arith.constant 8 : i32
      %eq3A = arith.constant 0 : i32
      %eq3A_199 = arith.cmpi eq, %jit3A_198, %eq3A : i32
      %jit3A_200 = arith.constant 1 : i32
      %select_n3A_201 = arith.select %eq3A_199, %jit3A_200, %jit3A_198 : i32
      %rem3A_202 = arith.remsi %scan3A_181, %select_n3A_201 : i32
      %ne3A_203 = arith.constant 0 : i32
      %ne3A_204 = arith.cmpi ne, %rem3A_202, %ne3A_203 : i32
      %lt3A = arith.constant 0 : i32
      %lt3A_205 = arith.cmpi slt, %rem3A_202, %lt3A : i32
      %lt3A_206 = arith.constant 0 : i32
      %lt3A_207 = arith.cmpi slt, %select_n3A_201, %lt3A_206 : i32
      %ne3A_208 = arith.xori %lt3A_205, %lt3A_207 : i1
      %and3A_209 = arith.andi %ne3A_208, %ne3A_204 : i1
      %add3A_210 = arith.addi %rem3A_202, %select_n3A_201 : i32
      %select_n3A_211 = arith.select %and3A_209, %add3A_210, %rem3A_202 : i32
      %mul3A_212 = arith.constant 16 : i32
      %mul3A_213 = arith.muli %select_n3A_211, %mul3A_212 : i32
      %swap3A = arith.index_cast %select_n3A : i32 to index
      %swap3A_214 = arith.index_cast %mul3A_213 : i32 to index
      %swap3A_215 = tpu.vector_load %arg10[%swap3A, %swap3A_214] {strides = array<i32>} : memref<40x128xf32, #tpu.memory_space<vmem>>, vector<1x16xf32>,
      %swap3A_216 = vector.shape_cast %swap3A_215 : vector<1x16xf32> to vector<16xf32>
      %swap3A_217 = vector.shape_cast %broadcast_in_dim3A_1 : vector<16xf32> to vector<1x16xf32>
      tpu.vector_store %arg10[%swap3A, %swap3A_214], %swap3A_217 {strides = array<i32>} : memref<40x128xf32, #tpu.memory_space<vmem>>, vector<1x16xf32>,
    }
    %scan3A_6 = arith.constant 320 : i32
    %scan3A_7 = arith.constant 0 : i32
    %scan3A_8 = arith.constant 0 : i32
    %scan3A_9 = arith.constant 16 : i32
    %scan3A_10 = arith.addi %scan3A_8, %scan3A_9 : i32
    %scan3A_11 = arith.constant 1 : i32
    scf.for %scan3A_181 = %scan3A_8 to %scan3A_10 step %scan3A_11  : i32 {
      %mul3A_182 = arith.constant 640 : i32
      %mul3A_183 = arith.muli %arg1, %mul3A_182 : i32
      %mul3A_184 = arith.constant 40 : i32
      %mul3A_185 = arith.muli %scan3A_181, %mul3A_184 : i32
      %add3A_186 = arith.addi %mul3A_183, %mul3A_185 : i32
      "tpu.region"() ({
        %run_scoped3A_192 = tpu.sem_alloc : memref<!tpu.dma_semaphore, #tpu.memory_space<semaphore_mem>>
        %dma_start3A_193 = arith.constant 0 : i32
        %dma_start3A_194 = tpu.memref_slice %arg15[%add3A_186, %dma_start3A_193] : memref<10240x128xf32, #tpu.memory_space<vmem_shared>> -> memref<40x128xf32, #tpu.memory_space<vmem_shared>>
        %dma_start3A_195 = arith.constant 0 : i32
        %dma_start3A_196 = tpu.memref_slice %arg15[%add3A_186, %dma_start3A_195] : memref<10240x128xf32, #tpu.memory_space<vmem_shared>> -> memref<40x128xf32, #tpu.memory_space<vmem_shared>>
        tpu.enqueue_dma source(%arg10 : memref<40x128xf32, #tpu.memory_space<vmem>>) target(%dma_start3A_196 : memref<40x128xf32, #tpu.memory_space<vmem_shared>>) target_semaphore(%run_scoped3A_192 : memref<!tpu.dma_semaphore, #tpu.memory_space<semaphore_mem>>)
        %dma_wait3A_197 = arith.constant 0 : i32
        %dma_wait3A_198 = tpu.memref_slice %arg15[%add3A_186, %dma_wait3A_197] : memref<10240x128xf32, #tpu.memory_space<vmem_shared>> -> memref<40x128xf32, #tpu.memory_space<vmem_shared>>
        %dma_wait3A_199 = arith.constant 0 : i32
        %dma_wait3A_200 = tpu.memref_slice %arg15[%add3A_186, %dma_wait3A_199] : memref<10240x128xf32, #tpu.memory_space<vmem_shared>> -> memref<40x128xf32, #tpu.memory_space<vmem_shared>>
        tpu.wait_dma2 semaphore(%run_scoped3A_192 : memref<!tpu.dma_semaphore, #tpu.memory_space<semaphore_mem>>) src(%arg10 : memref<40x128xf32, #tpu.memory_space<vmem>>) dst(%dma_wait3A_200 : memref<40x128xf32, #tpu.memory_space<vmem_shared>>)
        tpu.yield
      }) : () -> ()
      %mul3A_187 = arith.constant 640 : i32
      %mul3A_188 = arith.muli %arg1, %mul3A_187 : i32
      %mul3A_189 = arith.constant 40 : i32
      %mul3A_190 = arith.muli %scan3A_181, %mul3A_189 : i32
      %add3A_191 = arith.addi %mul3A_188, %mul3A_190 : i32
      "tpu.region"() ({
        %run_scoped3A_192 = tpu.sem_alloc : memref<!tpu.dma_semaphore, #tpu.memory_space<semaphore_mem>>
        %dma_start3A_193 = arith.constant 0 : i32
        %dma_start3A_194 = arith.constant 0 : i32
        %dma_start3A_195 = tpu.memref_slice %arg14[%dma_start3A_193, %dma_start3A_194] : memref<80x8xf32, #tpu.memory_space<vmem>> -> memref<40x8xf32, #tpu.memory_space<vmem>>
        %dma_start3A_196 = arith.constant 0 : i32
        %dma_start3A_197 = tpu.memref_slice %arg16[%add3A_191, %dma_start3A_196] : memref<10240x8xf32, #tpu.memory_space<vmem_shared>> -> memref<40x8xf32, #tpu.memory_space<vmem_shared>>
        %dma_start3A_198 = arith.constant 0 : i32
        %dma_start3A_199 = tpu.memref_slice %arg16[%add3A_191, %dma_start3A_198] : memref<10240x8xf32, #tpu.memory_space<vmem_shared>> -> memref<40x8xf32, #tpu.memory_space<vmem_shared>>
        %dma_start3A_200 = arith.constant 0 : i32
        %dma_start3A_201 = arith.constant 0 : i32
        %dma_start3A_202 = tpu.memref_slice %arg14[%dma_start3A_200, %dma_start3A_201] : memref<80x8xf32, #tpu.memory_space<vmem>> -> memref<40x8xf32, #tpu.memory_space<vmem>>
        tpu.enqueue_dma source(%dma_start3A_202 : memref<40x8xf32, #tpu.memory_space<vmem>>) target(%dma_start3A_199 : memref<40x8xf32, #tpu.memory_space<vmem_shared>>) target_semaphore(%run_scoped3A_192 : memref<!tpu.dma_semaphore, #tpu.memory_space<semaphore_mem>>)
        %dma_wait3A_203 = arith.constant 0 : i32
        %dma_wait3A_204 = arith.constant 0 : i32
        %dma_wait3A_205 = tpu.memref_slice %arg14[%dma_wait3A_203, %dma_wait3A_204] : memref<80x8xf32, #tpu.memory_space<vmem>> -> memref<40x8xf32, #tpu.memory_space<vmem>>
        %dma_wait3A_206 = arith.constant 0 : i32
        %dma_wait3A_207 = tpu.memref_slice %arg16[%add3A_191, %dma_wait3A_206] : memref<10240x8xf32, #tpu.memory_space<vmem_shared>> -> memref<40x8xf32, #tpu.memory_space<vmem_shared>>
        %dma_wait3A_208 = arith.constant 0 : i32
        %dma_wait3A_209 = tpu.memref_slice %arg16[%add3A_191, %dma_wait3A_208] : memref<10240x8xf32, #tpu.memory_space<vmem_shared>> -> memref<40x8xf32, #tpu.memory_space<vmem_shared>>
        %dma_wait3A_210 = arith.constant 0 : i32
        %dma_wait3A_211 = arith.constant 0 : i32
        %dma_wait3A_212 = tpu.memref_slice %arg14[%dma_wait3A_210, %dma_wait3A_211] : memref<80x8xf32, #tpu.memory_space<vmem>> -> memref<40x8xf32, #tpu.memory_space<vmem>>
        tpu.wait_dma2 semaphore(%run_scoped3A_192 : memref<!tpu.dma_semaphore, #tpu.memory_space<semaphore_mem>>) src(%dma_wait3A_212 : memref<40x8xf32, #tpu.memory_space<vmem>>) dst(%dma_wait3A_209 : memref<40x8xf32, #tpu.memory_space<vmem_shared>>)
        tpu.yield
      }) : () -> ()
    }
    %scan3A_12 = arith.constant 16 : i32
    "tpu.region"() ({
      %run_scoped3A_181 = tpu.sem_alloc : memref<!tpu.dma_semaphore, #tpu.memory_space<semaphore_mem>>
      %dma_start3A_182 = arith.constant 0 : i32
      %dma_start3A_183 = arith.constant 0 : i32
      %dma_start3A_184 = tpu.memref_slice %arg3[%add3A, %dma_start3A_182, %dma_start3A_183] : memref<32x250x40xi32, #tpu.memory_space<hbm>> -> memref<1x250x40xi32, #tpu.memory_space<hbm>>
      %dma_start3A_185 = tpu.memref_squeeze %dma_start3A_184 : memref<1x250x40xi32, #tpu.memory_space<hbm>> -> memref<250x40xi32, #tpu.memory_space<hbm>>
      %dma_start3A_186 = arith.constant 0 : i32
      %dma_start3A_187 = arith.constant 0 : i32
      %dma_start3A_188 = tpu.memref_slice %arg3[%add3A, %dma_start3A_186, %dma_start3A_187] : memref<32x250x40xi32, #tpu.memory_space<hbm>> -> memref<1x250x40xi32, #tpu.memory_space<hbm>>
      %dma_start3A_189 = tpu.memref_squeeze %dma_start3A_188 : memref<1x250x40xi32, #tpu.memory_space<hbm>> -> memref<250x40xi32, #tpu.memory_space<hbm>>
      tpu.enqueue_dma source(%dma_start3A_189 : memref<250x40xi32, #tpu.memory_space<hbm>>) target(%arg8 : memref<250x40xi32, #tpu.memory_space<vmem>>) target_semaphore(%run_scoped3A_181 : memref<!tpu.dma_semaphore, #tpu.memory_space<semaphore_mem>>)
      %dma_wait3A_190 = arith.constant 0 : i32
      %dma_wait3A_191 = arith.constant 0 : i32
      %dma_wait3A_192 = tpu.memref_slice %arg3[%add3A, %dma_wait3A_190, %dma_wait3A_191] : memref<32x250x40xi32, #tpu.memory_space<hbm>> -> memref<1x250x40xi32, #tpu.memory_space<hbm>>
      %dma_wait3A_193 = tpu.memref_squeeze %dma_wait3A_192 : memref<1x250x40xi32, #tpu.memory_space<hbm>> -> memref<250x40xi32, #tpu.memory_space<hbm>>
      %dma_wait3A_194 = arith.constant 0 : i32
      %dma_wait3A_195 = arith.constant 0 : i32
      %dma_wait3A_196 = tpu.memref_slice %arg3[%add3A, %dma_wait3A_194, %dma_wait3A_195] : memref<32x250x40xi32, #tpu.memory_space<hbm>> -> memref<1x250x40xi32, #tpu.memory_space<hbm>>
      %dma_wait3A_197 = tpu.memref_squeeze %dma_wait3A_196 : memref<1x250x40xi32, #tpu.memory_space<hbm>> -> memref<250x40xi32, #tpu.memory_space<hbm>>
      tpu.wait_dma2 semaphore(%run_scoped3A_181 : memref<!tpu.dma_semaphore, #tpu.memory_space<semaphore_mem>>) src(%dma_wait3A_197 : memref<250x40xi32, #tpu.memory_space<hbm>>) dst(%arg8 : memref<250x40xi32, #tpu.memory_space<vmem>>)
      tpu.yield
    }) : () -> ()
    "tpu.region"() ({
      %run_scoped3A_181 = tpu.sem_alloc : memref<!tpu.dma_semaphore, #tpu.memory_space<semaphore_mem>>
      %dma_start3A_182 = arith.constant 0 : i32
      %dma_start3A_183 = arith.constant 0 : i32
      %dma_start3A_184 = tpu.memref_slice %arg4[%add3A, %dma_start3A_182, %dma_start3A_183] : memref<32x250x40xi32, #tpu.memory_space<hbm>> -> memref<1x250x40xi32, #tpu.memory_space<hbm>>
      %dma_start3A_185 = tpu.memref_squeeze %dma_start3A_184 : memref<1x250x40xi32, #tpu.memory_space<hbm>> -> memref<250x40xi32, #tpu.memory_space<hbm>>
      %dma_start3A_186 = arith.constant 0 : i32
      %dma_start3A_187 = arith.constant 0 : i32
      %dma_start3A_188 = tpu.memref_slice %arg4[%add3A, %dma_start3A_186, %dma_start3A_187] : memref<32x250x40xi32, #tpu.memory_space<hbm>> -> memref<1x250x40xi32, #tpu.memory_space<hbm>>
      %dma_start3A_189 = tpu.memref_squeeze %dma_start3A_188 : memref<1x250x40xi32, #tpu.memory_space<hbm>> -> memref<250x40xi32, #tpu.memory_space<hbm>>
      tpu.enqueue_dma source(%dma_start3A_189 : memref<250x40xi32, #tpu.memory_space<hbm>>) target(%arg9 : memref<250x40xi32, #tpu.memory_space<vmem>>) target_semaphore(%run_scoped3A_181 : memref<!tpu.dma_semaphore, #tpu.memory_space<semaphore_mem>>)
      %dma_wait3A_190 = arith.constant 0 : i32
      %dma_wait3A_191 = arith.constant 0 : i32
      %dma_wait3A_192 = tpu.memref_slice %arg4[%add3A, %dma_wait3A_190, %dma_wait3A_191] : memref<32x250x40xi32, #tpu.memory_space<hbm>> -> memref<1x250x40xi32, #tpu.memory_space<hbm>>
      %dma_wait3A_193 = tpu.memref_squeeze %dma_wait3A_192 : memref<1x250x40xi32, #tpu.memory_space<hbm>> -> memref<250x40xi32, #tpu.memory_space<hbm>>
      %dma_wait3A_194 = arith.constant 0 : i32
      %dma_wait3A_195 = arith.constant 0 : i32
      %dma_wait3A_196 = tpu.memref_slice %arg4[%add3A, %dma_wait3A_194, %dma_wait3A_195] : memref<32x250x40xi32, #tpu.memory_space<hbm>> -> memref<1x250x40xi32, #tpu.memory_space<hbm>>
      %dma_wait3A_197 = tpu.memref_squeeze %dma_wait3A_196 : memref<1x250x40xi32, #tpu.memory_space<hbm>> -> memref<250x40xi32, #tpu.memory_space<hbm>>
      tpu.wait_dma2 semaphore(%run_scoped3A_181 : memref<!tpu.dma_semaphore, #tpu.memory_space<semaphore_mem>>) src(%dma_wait3A_197 : memref<250x40xi32, #tpu.memory_space<hbm>>) dst(%arg9 : memref<250x40xi32, #tpu.memory_space<vmem>>)
      tpu.yield
    }) : () -> ()
    %barrier3A = arith.constant 0 : index
    tpu.barrier barrier_id(%barrier3A)
    %dma_start3A = arith.constant 0 : i32
    %dma_start3A_13 = arith.constant 0 : i32
    %dma_start3A_14 = tpu.memref_slice %arg8[%dma_start3A, %dma_start3A_13] : memref<250x40xi32, #tpu.memory_space<vmem>> -> memref<1x40xi32, #tpu.memory_space<vmem>>
    %dma_start3A_15 = tpu.memref_squeeze %dma_start3A_14 : memref<1x40xi32, #tpu.memory_space<vmem>> -> memref<40xi32, #tpu.memory_space<vmem>>
    %dma_start3A_16 = arith.constant 0 : i32
    %dma_start3A_17 = arith.constant 0 : i32
    %dma_start3A_18 = tpu.memref_slice %arg2[%dma_start3A_16, %dma_start3A_17] : memref<10000x128xf32, #tpu.memory_space<hbm>> -> memref<10000x128xf32, #tpu.memory_space<hbm>>
    tpu.enqueue_indirect_dma source(%dma_start3A_18 : memref<10000x128xf32, #tpu.memory_space<hbm>>) target(%arg10 : memref<40x128xf32, #tpu.memory_space<vmem>>) offsets(%dma_start3A_15 : memref<40xi32, #tpu.memory_space<vmem>>) semaphore(%arg17 : memref<!tpu.dma_semaphore, #tpu.memory_space<semaphore_mem>>)
    %dma_start3A_19 = arith.constant 1 : i32
    %dma_start3A_20 = arith.constant 0 : i32
    %dma_start3A_21 = tpu.memref_slice %arg8[%dma_start3A_19, %dma_start3A_20] : memref<250x40xi32, #tpu.memory_space<vmem>> -> memref<1x40xi32, #tpu.memory_space<vmem>>
    %dma_start3A_22 = tpu.memref_squeeze %dma_start3A_21 : memref<1x40xi32, #tpu.memory_space<vmem>> -> memref<40xi32, #tpu.memory_space<vmem>>
    %dma_start3A_23 = arith.constant 0 : i32
    %dma_start3A_24 = arith.constant 0 : i32
    %dma_start3A_25 = tpu.memref_slice %arg2[%dma_start3A_23, %dma_start3A_24] : memref<10000x128xf32, #tpu.memory_space<hbm>> -> memref<10000x128xf32, #tpu.memory_space<hbm>>
    tpu.enqueue_indirect_dma source(%dma_start3A_25 : memref<10000x128xf32, #tpu.memory_space<hbm>>) target(%arg11 : memref<40x128xf32, #tpu.memory_space<vmem>>) offsets(%dma_start3A_22 : memref<40xi32, #tpu.memory_space<vmem>>) semaphore(%arg18 : memref<!tpu.dma_semaphore, #tpu.memory_space<semaphore_mem>>)
    %dma_start3A_26 = arith.constant 2 : i32
    %dma_start3A_27 = arith.constant 0 : i32
    %dma_start3A_28 = tpu.memref_slice %arg8[%dma_start3A_26, %dma_start3A_27] : memref<250x40xi32, #tpu.memory_space<vmem>> -> memref<1x40xi32, #tpu.memory_space<vmem>>
    %dma_start3A_29 = tpu.memref_squeeze %dma_start3A_28 : memref<1x40xi32, #tpu.memory_space<vmem>> -> memref<40xi32, #tpu.memory_space<vmem>>
    %dma_start3A_30 = arith.constant 0 : i32
    %dma_start3A_31 = arith.constant 0 : i32
    %dma_start3A_32 = tpu.memref_slice %arg2[%dma_start3A_30, %dma_start3A_31] : memref<10000x128xf32, #tpu.memory_space<hbm>> -> memref<10000x128xf32, #tpu.memory_space<hbm>>
    tpu.enqueue_indirect_dma source(%dma_start3A_32 : memref<10000x128xf32, #tpu.memory_space<hbm>>) target(%arg12 : memref<40x128xf32, #tpu.memory_space<vmem>>) offsets(%dma_start3A_29 : memref<40xi32, #tpu.memory_space<vmem>>) semaphore(%arg19 : memref<!tpu.dma_semaphore, #tpu.memory_space<semaphore_mem>>)
    %dma_start3A_33 = arith.constant 3 : i32
    %dma_start3A_34 = arith.constant 0 : i32
    %dma_start3A_35 = tpu.memref_slice %arg8[%dma_start3A_33, %dma_start3A_34] : memref<250x40xi32, #tpu.memory_space<vmem>> -> memref<1x40xi32, #tpu.memory_space<vmem>>
    %dma_start3A_36 = tpu.memref_squeeze %dma_start3A_35 : memref<1x40xi32, #tpu.memory_space<vmem>> -> memref<40xi32, #tpu.memory_space<vmem>>
    %dma_start3A_37 = arith.constant 0 : i32
    %dma_start3A_38 = arith.constant 0 : i32
    %dma_start3A_39 = tpu.memref_slice %arg2[%dma_start3A_37, %dma_start3A_38] : memref<10000x128xf32, #tpu.memory_space<hbm>> -> memref<10000x128xf32, #tpu.memory_space<hbm>>
    tpu.enqueue_indirect_dma source(%dma_start3A_39 : memref<10000x128xf32, #tpu.memory_space<hbm>>) target(%arg13 : memref<40x128xf32, #tpu.memory_space<vmem>>) offsets(%dma_start3A_36 : memref<40xi32, #tpu.memory_space<vmem>>) semaphore(%arg20 : memref<!tpu.dma_semaphore, #tpu.memory_space<semaphore_mem>>)
    %scan3A_40 = arith.constant 0 : i32
    %scan3A_41 = arith.constant 0 : i32
    %scan3A_42 = arith.constant 61 : i32
    %scan3A_43 = arith.addi %scan3A_41, %scan3A_42 : i32
    %scan3A_44 = arith.constant 1 : i32
    scf.for %scan3A_181 = %scan3A_41 to %scan3A_43 step %scan3A_44  : i32 {
      %mul3A_182 = arith.constant 4 : i32
      %mul3A_183 = arith.muli %mul3A_182, %scan3A_181 : i32
      %dma_wait3A_184 = arith.constant 0 : i32
      %dma_wait3A_185 = arith.constant 0 : i32
      %dma_wait3A_186 = tpu.memref_slice %arg8[%dma_wait3A_184, %dma_wait3A_185] : memref<250x40xi32, #tpu.memory_space<vmem>> -> memref<1x40xi32, #tpu.memory_space<vmem>>
      %dma_wait3A_187 = tpu.memref_squeeze %dma_wait3A_186 : memref<1x40xi32, #tpu.memory_space<vmem>> -> memref<40xi32, #tpu.memory_space<vmem>>
      %dma_wait3A_188 = arith.constant 0 : i32
      %dma_wait3A_189 = arith.constant 0 : i32
      %dma_wait3A_190 = tpu.memref_slice %arg2[%dma_wait3A_188, %dma_wait3A_189] : memref<10000x128xf32, #tpu.memory_space<hbm>> -> memref<10000x128xf32, #tpu.memory_space<hbm>>
      tpu.wait_indirect_dma semaphore(%arg17 : memref<!tpu.dma_semaphore, #tpu.memory_space<semaphore_mem>>) src(%dma_wait3A_190 : memref<10000x128xf32, #tpu.memory_space<hbm>>) dst(%arg10 : memref<40x128xf32, #tpu.memory_space<vmem>>)
      "tpu.region"() ({
        %run_scoped3A_286 = tpu.sem_alloc : memref<!tpu.dma_semaphore, #tpu.memory_space<semaphore_mem>>
        %dma_start3A_287 = arith.constant 0 : i32
        %dma_start3A_288 = tpu.memref_slice %arg9[%mul3A_183, %dma_start3A_287] : memref<250x40xi32, #tpu.memory_space<vmem>> -> memref<1x40xi32, #tpu.memory_space<vmem>>
        %dma_start3A_289 = tpu.memref_squeeze %dma_start3A_288 : memref<1x40xi32, #tpu.memory_space<vmem>> -> memref<40xi32, #tpu.memory_space<vmem>>
        %dma_start3A_290 = arith.constant 0 : i32
        %dma_start3A_291 = arith.constant 0 : i32
        %dma_start3A_292 = tpu.memref_slice %arg15[%dma_start3A_290, %dma_start3A_291] : memref<10240x128xf32, #tpu.memory_space<vmem_shared>> -> memref<10240x128xf32, #tpu.memory_space<vmem_shared>>
        tpu.enqueue_indirect_dma source(%arg10 : memref<40x128xf32, #tpu.memory_space<vmem>>) target(%dma_start3A_292 : memref<10240x128xf32, #tpu.memory_space<vmem_shared>>) offsets(%dma_start3A_289 : memref<40xi32, #tpu.memory_space<vmem>>) semaphore(%run_scoped3A_286 : memref<!tpu.dma_semaphore, #tpu.memory_space<semaphore_mem>>) {add = true}
        %dma_wait3A_293 = arith.constant 0 : i32
        %dma_wait3A_294 = tpu.memref_slice %arg9[%mul3A_183, %dma_wait3A_293] : memref<250x40xi32, #tpu.memory_space<vmem>> -> memref<1x40xi32, #tpu.memory_space<vmem>>
        %dma_wait3A_295 = tpu.memref_squeeze %dma_wait3A_294 : memref<1x40xi32, #tpu.memory_space<vmem>> -> memref<40xi32, #tpu.memory_space<vmem>>
        %dma_wait3A_296 = arith.constant 0 : i32
        %dma_wait3A_297 = arith.constant 0 : i32
        %dma_wait3A_298 = tpu.memref_slice %arg15[%dma_wait3A_296, %dma_wait3A_297] : memref<10240x128xf32, #tpu.memory_space<vmem_shared>> -> memref<10240x128xf32, #tpu.memory_space<vmem_shared>>
        tpu.wait_indirect_dma semaphore(%run_scoped3A_286 : memref<!tpu.dma_semaphore, #tpu.memory_space<semaphore_mem>>) src(%arg10 : memref<40x128xf32, #tpu.memory_space<vmem>>) dst(%dma_wait3A_298 : memref<10240x128xf32, #tpu.memory_space<vmem_shared>>)
        tpu.yield
      }) : () -> ()
      %add3A_191 = arith.constant 4 : i32
      %add3A_192 = arith.addi %mul3A_183, %add3A_191 : i32
      %dma_start3A_193 = arith.constant 0 : i32
      %dma_start3A_194 = tpu.memref_slice %arg8[%add3A_192, %dma_start3A_193] : memref<250x40xi32, #tpu.memory_space<vmem>> -> memref<1x40xi32, #tpu.memory_space<vmem>>
      %dma_start3A_195 = tpu.memref_squeeze %dma_start3A_194 : memref<1x40xi32, #tpu.memory_space<vmem>> -> memref<40xi32, #tpu.memory_space<vmem>>
      %dma_start3A_196 = arith.constant 0 : i32
      %dma_start3A_197 = arith.constant 0 : i32
      %dma_start3A_198 = tpu.memref_slice %arg2[%dma_start3A_196, %dma_start3A_197] : memref<10000x128xf32, #tpu.memory_space<hbm>> -> memref<10000x128xf32, #tpu.memory_space<hbm>>
      tpu.enqueue_indirect_dma source(%dma_start3A_198 : memref<10000x128xf32, #tpu.memory_space<hbm>>) target(%arg10 : memref<40x128xf32, #tpu.memory_space<vmem>>) offsets(%dma_start3A_195 : memref<40xi32, #tpu.memory_space<vmem>>) semaphore(%arg17 : memref<!tpu.dma_semaphore, #tpu.memory_space<semaphore_mem>>)
      %dma_start3A_199 = arith.constant 40 : i32
      %dma_start3A_200 = arith.constant 0 : i32
      %dma_start3A_201 = tpu.memref_slice %arg14[%dma_start3A_199, %dma_start3A_200] : memref<80x8xf32, #tpu.memory_space<vmem>> -> memref<40x8xf32, #tpu.memory_space<vmem>>
      %dma_start3A_202 = arith.constant 0 : i32
      %dma_start3A_203 = tpu.memref_slice %arg9[%mul3A_183, %dma_start3A_202] : memref<250x40xi32, #tpu.memory_space<vmem>> -> memref<1x40xi32, #tpu.memory_space<vmem>>
      %dma_start3A_204 = tpu.memref_squeeze %dma_start3A_203 : memref<1x40xi32, #tpu.memory_space<vmem>> -> memref<40xi32, #tpu.memory_space<vmem>>
      %dma_start3A_205 = arith.constant 0 : i32
      %dma_start3A_206 = arith.constant 0 : i32
      %dma_start3A_207 = tpu.memref_slice %arg16[%dma_start3A_205, %dma_start3A_206] : memref<10240x8xf32, #tpu.memory_space<vmem_shared>> -> memref<10240x8xf32, #tpu.memory_space<vmem_shared>>
      tpu.enqueue_indirect_dma source(%dma_start3A_201 : memref<40x8xf32, #tpu.memory_space<vmem>>) target(%dma_start3A_207 : memref<10240x8xf32, #tpu.memory_space<vmem_shared>>) offsets(%dma_start3A_204 : memref<40xi32, #tpu.memory_space<vmem>>) semaphore(%arg21 : memref<!tpu.dma_semaphore, #tpu.memory_space<semaphore_mem>>) {add = true}
      %add3A_208 = arith.constant 1 : i32
      %add3A_209 = arith.addi %mul3A_183, %add3A_208 : i32
      %dma_wait3A_210 = arith.constant 0 : i32
      %dma_wait3A_211 = arith.constant 0 : i32
      %dma_wait3A_212 = tpu.memref_slice %arg8[%dma_wait3A_210, %dma_wait3A_211] : memref<250x40xi32, #tpu.memory_space<vmem>> -> memref<1x40xi32, #tpu.memory_space<vmem>>
      %dma_wait3A_213 = tpu.memref_squeeze %dma_wait3A_212 : memref<1x40xi32, #tpu.memory_space<vmem>> -> memref<40xi32, #tpu.memory_space<vmem>>
      %dma_wait3A_214 = arith.constant 0 : i32
      %dma_wait3A_215 = arith.constant 0 : i32
      %dma_wait3A_216 = tpu.memref_slice %arg2[%dma_wait3A_214, %dma_wait3A_215] : memref<10000x128xf32, #tpu.memory_space<hbm>> -> memref<10000x128xf32, #tpu.memory_space<hbm>>
      tpu.wait_indirect_dma semaphore(%arg18 : memref<!tpu.dma_semaphore, #tpu.memory_space<semaphore_mem>>) src(%dma_wait3A_216 : memref<10000x128xf32, #tpu.memory_space<hbm>>) dst(%arg11 : memref<40x128xf32, #tpu.memory_space<vmem>>)
      "tpu.region"() ({
        %run_scoped3A_286 = tpu.sem_alloc : memref<!tpu.dma_semaphore, #tpu.memory_space<semaphore_mem>>
        %dma_start3A_287 = arith.constant 0 : i32
        %dma_start3A_288 = tpu.memref_slice %arg9[%add3A_209, %dma_start3A_287] : memref<250x40xi32, #tpu.memory_space<vmem>> -> memref<1x40xi32, #tpu.memory_space<vmem>>
        %dma_start3A_289 = tpu.memref_squeeze %dma_start3A_288 : memref<1x40xi32, #tpu.memory_space<vmem>> -> memref<40xi32, #tpu.memory_space<vmem>>
        %dma_start3A_290 = arith.constant 0 : i32
        %dma_start3A_291 = arith.constant 0 : i32
        %dma_start3A_292 = tpu.memref_slice %arg15[%dma_start3A_290, %dma_start3A_291] : memref<10240x128xf32, #tpu.memory_space<vmem_shared>> -> memref<10240x128xf32, #tpu.memory_space<vmem_shared>>
        tpu.enqueue_indirect_dma source(%arg11 : memref<40x128xf32, #tpu.memory_space<vmem>>) target(%dma_start3A_292 : memref<10240x128xf32, #tpu.memory_space<vmem_shared>>) offsets(%dma_start3A_289 : memref<40xi32, #tpu.memory_space<vmem>>) semaphore(%run_scoped3A_286 : memref<!tpu.dma_semaphore, #tpu.memory_space<semaphore_mem>>) {add = true}
        %dma_wait3A_293 = arith.constant 0 : i32
        %dma_wait3A_294 = tpu.memref_slice %arg9[%add3A_209, %dma_wait3A_293] : memref<250x40xi32, #tpu.memory_space<vmem>> -> memref<1x40xi32, #tpu.memory_space<vmem>>
        %dma_wait3A_295 = tpu.memref_squeeze %dma_wait3A_294 : memref<1x40xi32, #tpu.memory_space<vmem>> -> memref<40xi32, #tpu.memory_space<vmem>>
        %dma_wait3A_296 = arith.constant 0 : i32
        %dma_wait3A_297 = arith.constant 0 : i32
        %dma_wait3A_298 = tpu.memref_slice %arg15[%dma_wait3A_296, %dma_wait3A_297] : memref<10240x128xf32, #tpu.memory_space<vmem_shared>> -> memref<10240x128xf32, #tpu.memory_space<vmem_shared>>
        tpu.wait_indirect_dma semaphore(%run_scoped3A_286 : memref<!tpu.dma_semaphore, #tpu.memory_space<semaphore_mem>>) src(%arg11 : memref<40x128xf32, #tpu.memory_space<vmem>>) dst(%dma_wait3A_298 : memref<10240x128xf32, #tpu.memory_space<vmem_shared>>)
        tpu.yield
      }) : () -> ()
      %add3A_217 = arith.constant 4 : i32
      %add3A_218 = arith.addi %add3A_209, %add3A_217 : i32
      %dma_start3A_219 = arith.constant 0 : i32
      %dma_start3A_220 = tpu.memref_slice %arg8[%add3A_218, %dma_start3A_219] : memref<250x40xi32, #tpu.memory_space<vmem>> -> memref<1x40xi32, #tpu.memory_space<vmem>>
      %dma_start3A_221 = tpu.memref_squeeze %dma_start3A_220 : memref<1x40xi32, #tpu.memory_space<vmem>> -> memref<40xi32, #tpu.memory_space<vmem>>
      %dma_start3A_222 = arith.constant 0 : i32
      %dma_start3A_223 = arith.constant 0 : i32
      %dma_start3A_224 = tpu.memref_slice %arg2[%dma_start3A_222, %dma_start3A_223] : memref<10000x128xf32, #tpu.memory_space<hbm>> -> memref<10000x128xf32, #tpu.memory_space<hbm>>
      tpu.enqueue_indirect_dma source(%dma_start3A_224 : memref<10000x128xf32, #tpu.memory_space<hbm>>) target(%arg11 : memref<40x128xf32, #tpu.memory_space<vmem>>) offsets(%dma_start3A_221 : memref<40xi32, #tpu.memory_space<vmem>>) semaphore(%arg18 : memref<!tpu.dma_semaphore, #tpu.memory_space<semaphore_mem>>)
      %dma_start3A_225 = arith.constant 40 : i32
      %dma_start3A_226 = arith.constant 0 : i32
      %dma_start3A_227 = tpu.memref_slice %arg14[%dma_start3A_225, %dma_start3A_226] : memref<80x8xf32, #tpu.memory_space<vmem>> -> memref<40x8xf32, #tpu.memory_space<vmem>>
      %dma_start3A_228 = arith.constant 0 : i32
      %dma_start3A_229 = tpu.memref_slice %arg9[%add3A_209, %dma_start3A_228] : memref<250x40xi32, #tpu.memory_space<vmem>> -> memref<1x40xi32, #tpu.memory_space<vmem>>
      %dma_start3A_230 = tpu.memref_squeeze %dma_start3A_229 : memref<1x40xi32, #tpu.memory_space<vmem>> -> memref<40xi32, #tpu.memory_space<vmem>>
      %dma_start3A_231 = arith.constant 0 : i32
      %dma_start3A_232 = arith.constant 0 : i32
      %dma_start3A_233 = tpu.memref_slice %arg16[%dma_start3A_231, %dma_start3A_232] : memref<10240x8xf32, #tpu.memory_space<vmem_shared>> -> memref<10240x8xf32, #tpu.memory_space<vmem_shared>>
      tpu.enqueue_indirect_dma source(%dma_start3A_227 : memref<40x8xf32, #tpu.memory_space<vmem>>) target(%dma_start3A_233 : memref<10240x8xf32, #tpu.memory_space<vmem_shared>>) offsets(%dma_start3A_230 : memref<40xi32, #tpu.memory_space<vmem>>) semaphore(%arg21 : memref<!tpu.dma_semaphore, #tpu.memory_space<semaphore_mem>>) {add = true}
      %add3A_234 = arith.constant 2 : i32
      %add3A_235 = arith.addi %mul3A_183, %add3A_234 : i32
      %dma_wait3A_236 = arith.constant 0 : i32
      %dma_wait3A_237 = arith.constant 0 : i32
      %dma_wait3A_238 = tpu.memref_slice %arg8[%dma_wait3A_236, %dma_wait3A_237] : memref<250x40xi32, #tpu.memory_space<vmem>> -> memref<1x40xi32, #tpu.memory_space<vmem>>
      %dma_wait3A_239 = tpu.memref_squeeze %dma_wait3A_238 : memref<1x40xi32, #tpu.memory_space<vmem>> -> memref<40xi32, #tpu.memory_space<vmem>>
      %dma_wait3A_240 = arith.constant 0 : i32
      %dma_wait3A_241 = arith.constant 0 : i32
      %dma_wait3A_242 = tpu.memref_slice %arg2[%dma_wait3A_240, %dma_wait3A_241] : memref<10000x128xf32, #tpu.memory_space<hbm>> -> memref<10000x128xf32, #tpu.memory_space<hbm>>
      tpu.wait_indirect_dma semaphore(%arg19 : memref<!tpu.dma_semaphore, #tpu.memory_space<semaphore_mem>>) src(%dma_wait3A_242 : memref<10000x128xf32, #tpu.memory_space<hbm>>) dst(%arg12 : memref<40x128xf32, #tpu.memory_space<vmem>>)
      "tpu.region"() ({
        %run_scoped3A_286 = tpu.sem_alloc : memref<!tpu.dma_semaphore, #tpu.memory_space<semaphore_mem>>
        %dma_start3A_287 = arith.constant 0 : i32
        %dma_start3A_288 = tpu.memref_slice %arg9[%add3A_235, %dma_start3A_287] : memref<250x40xi32, #tpu.memory_space<vmem>> -> memref<1x40xi32, #tpu.memory_space<vmem>>
        %dma_start3A_289 = tpu.memref_squeeze %dma_start3A_288 : memref<1x40xi32, #tpu.memory_space<vmem>> -> memref<40xi32, #tpu.memory_space<vmem>>
        %dma_start3A_290 = arith.constant 0 : i32
        %dma_start3A_291 = arith.constant 0 : i32
        %dma_start3A_292 = tpu.memref_slice %arg15[%dma_start3A_290, %dma_start3A_291] : memref<10240x128xf32, #tpu.memory_space<vmem_shared>> -> memref<10240x128xf32, #tpu.memory_space<vmem_shared>>
        tpu.enqueue_indirect_dma source(%arg12 : memref<40x128xf32, #tpu.memory_space<vmem>>) target(%dma_start3A_292 : memref<10240x128xf32, #tpu.memory_space<vmem_shared>>) offsets(%dma_start3A_289 : memref<40xi32, #tpu.memory_space<vmem>>) semaphore(%run_scoped3A_286 : memref<!tpu.dma_semaphore, #tpu.memory_space<semaphore_mem>>) {add = true}
        %dma_wait3A_293 = arith.constant 0 : i32
        %dma_wait3A_294 = tpu.memref_slice %arg9[%add3A_235, %dma_wait3A_293] : memref<250x40xi32, #tpu.memory_space<vmem>> -> memref<1x40xi32, #tpu.memory_space<vmem>>
        %dma_wait3A_295 = tpu.memref_squeeze %dma_wait3A_294 : memref<1x40xi32, #tpu.memory_space<vmem>> -> memref<40xi32, #tpu.memory_space<vmem>>
        %dma_wait3A_296 = arith.constant 0 : i32
        %dma_wait3A_297 = arith.constant 0 : i32
        %dma_wait3A_298 = tpu.memref_slice %arg15[%dma_wait3A_296, %dma_wait3A_297] : memref<10240x128xf32, #tpu.memory_space<vmem_shared>> -> memref<10240x128xf32, #tpu.memory_space<vmem_shared>>
        tpu.wait_indirect_dma semaphore(%run_scoped3A_286 : memref<!tpu.dma_semaphore, #tpu.memory_space<semaphore_mem>>) src(%arg12 : memref<40x128xf32, #tpu.memory_space<vmem>>) dst(%dma_wait3A_298 : memref<10240x128xf32, #tpu.memory_space<vmem_shared>>)
        tpu.yield
      }) : () -> ()
      %add3A_243 = arith.constant 4 : i32
      %add3A_244 = arith.addi %add3A_235, %add3A_243 : i32
      %dma_start3A_245 = arith.constant 0 : i32
      %dma_start3A_246 = tpu.memref_slice %arg8[%add3A_244, %dma_start3A_245] : memref<250x40xi32, #tpu.memory_space<vmem>> -> memref<1x40xi32, #tpu.memory_space<vmem>>
      %dma_start3A_247 = tpu.memref_squeeze %dma_start3A_246 : memref<1x40xi32, #tpu.memory_space<vmem>> -> memref<40xi32, #tpu.memory_space<vmem>>
      %dma_start3A_248 = arith.constant 0 : i32
      %dma_start3A_249 = arith.constant 0 : i32
      %dma_start3A_250 = tpu.memref_slice %arg2[%dma_start3A_248, %dma_start3A_249] : memref<10000x128xf32, #tpu.memory_space<hbm>> -> memref<10000x128xf32, #tpu.memory_space<hbm>>
      tpu.enqueue_indirect_dma source(%dma_start3A_250 : memref<10000x128xf32, #tpu.memory_space<hbm>>) target(%arg12 : memref<40x128xf32, #tpu.memory_space<vmem>>) offsets(%dma_start3A_247 : memref<40xi32, #tpu.memory_space<vmem>>) semaphore(%arg19 : memref<!tpu.dma_semaphore, #tpu.memory_space<semaphore_mem>>)
      %dma_start3A_251 = arith.constant 40 : i32
      %dma_start3A_252 = arith.constant 0 : i32
      %dma_start3A_253 = tpu.memref_slice %arg14[%dma_start3A_251, %dma_start3A_252] : memref<80x8xf32, #tpu.memory_space<vmem>> -> memref<40x8xf32, #tpu.memory_space<vmem>>
      %dma_start3A_254 = arith.constant 0 : i32
      %dma_start3A_255 = tpu.memref_slice %arg9[%add3A_235, %dma_start3A_254] : memref<250x40xi32, #tpu.memory_space<vmem>> -> memref<1x40xi32, #tpu.memory_space<vmem>>
      %dma_start3A_256 = tpu.memref_squeeze %dma_start3A_255 : memref<1x40xi32, #tpu.memory_space<vmem>> -> memref<40xi32, #tpu.memory_space<vmem>>
      %dma_start3A_257 = arith.constant 0 : i32
      %dma_start3A_258 = arith.constant 0 : i32
      %dma_start3A_259 = tpu.memref_slice %arg16[%dma_start3A_257, %dma_start3A_258] : memref<10240x8xf32, #tpu.memory_space<vmem_shared>> -> memref<10240x8xf32, #tpu.memory_space<vmem_shared>>
      tpu.enqueue_indirect_dma source(%dma_start3A_253 : memref<40x8xf32, #tpu.memory_space<vmem>>) target(%dma_start3A_259 : memref<10240x8xf32, #tpu.memory_space<vmem_shared>>) offsets(%dma_start3A_256 : memref<40xi32, #tpu.memory_space<vmem>>) semaphore(%arg21 : memref<!tpu.dma_semaphore, #tpu.memory_space<semaphore_mem>>) {add = true}
      %add3A_260 = arith.constant 3 : i32
      %add3A_261 = arith.addi %mul3A_183, %add3A_260 : i32
      %dma_wait3A_262 = arith.constant 0 : i32
      %dma_wait3A_263 = arith.constant 0 : i32
      %dma_wait3A_264 = tpu.memref_slice %arg8[%dma_wait3A_262, %dma_wait3A_263] : memref<250x40xi32, #tpu.memory_space<vmem>> -> memref<1x40xi32, #tpu.memory_space<vmem>>
      %dma_wait3A_265 = tpu.memref_squeeze %dma_wait3A_264 : memref<1x40xi32, #tpu.memory_space<vmem>> -> memref<40xi32, #tpu.memory_space<vmem>>
      %dma_wait3A_266 = arith.constant 0 : i32
      %dma_wait3A_267 = arith.constant 0 : i32
      %dma_wait3A_268 = tpu.memref_slice %arg2[%dma_wait3A_266, %dma_wait3A_267] : memref<10000x128xf32, #tpu.memory_space<hbm>> -> memref<10000x128xf32, #tpu.memory_space<hbm>>
      tpu.wait_indirect_dma semaphore(%arg20 : memref<!tpu.dma_semaphore, #tpu.memory_space<semaphore_mem>>) src(%dma_wait3A_268 : memref<10000x128xf32, #tpu.memory_space<hbm>>) dst(%arg13 : memref<40x128xf32, #tpu.memory_space<vmem>>)
      "tpu.region"() ({
        %run_scoped3A_286 = tpu.sem_alloc : memref<!tpu.dma_semaphore, #tpu.memory_space<semaphore_mem>>
        %dma_start3A_287 = arith.constant 0 : i32
        %dma_start3A_288 = tpu.memref_slice %arg9[%add3A_261, %dma_start3A_287] : memref<250x40xi32, #tpu.memory_space<vmem>> -> memref<1x40xi32, #tpu.memory_space<vmem>>
        %dma_start3A_289 = tpu.memref_squeeze %dma_start3A_288 : memref<1x40xi32, #tpu.memory_space<vmem>> -> memref<40xi32, #tpu.memory_space<vmem>>
        %dma_start3A_290 = arith.constant 0 : i32
        %dma_start3A_291 = arith.constant 0 : i32
        %dma_start3A_292 = tpu.memref_slice %arg15[%dma_start3A_290, %dma_start3A_291] : memref<10240x128xf32, #tpu.memory_space<vmem_shared>> -> memref<10240x128xf32, #tpu.memory_space<vmem_shared>>
        tpu.enqueue_indirect_dma source(%arg13 : memref<40x128xf32, #tpu.memory_space<vmem>>) target(%dma_start3A_292 : memref<10240x128xf32, #tpu.memory_space<vmem_shared>>) offsets(%dma_start3A_289 : memref<40xi32, #tpu.memory_space<vmem>>) semaphore(%run_scoped3A_286 : memref<!tpu.dma_semaphore, #tpu.memory_space<semaphore_mem>>) {add = true}
        %dma_wait3A_293 = arith.constant 0 : i32
        %dma_wait3A_294 = tpu.memref_slice %arg9[%add3A_261, %dma_wait3A_293] : memref<250x40xi32, #tpu.memory_space<vmem>> -> memref<1x40xi32, #tpu.memory_space<vmem>>
        %dma_wait3A_295 = tpu.memref_squeeze %dma_wait3A_294 : memref<1x40xi32, #tpu.memory_space<vmem>> -> memref<40xi32, #tpu.memory_space<vmem>>
        %dma_wait3A_296 = arith.constant 0 : i32
        %dma_wait3A_297 = arith.constant 0 : i32
        %dma_wait3A_298 = tpu.memref_slice %arg15[%dma_wait3A_296, %dma_wait3A_297] : memref<10240x128xf32, #tpu.memory_space<vmem_shared>> -> memref<10240x128xf32, #tpu.memory_space<vmem_shared>>
        tpu.wait_indirect_dma semaphore(%run_scoped3A_286 : memref<!tpu.dma_semaphore, #tpu.memory_space<semaphore_mem>>) src(%arg13 : memref<40x128xf32, #tpu.memory_space<vmem>>) dst(%dma_wait3A_298 : memref<10240x128xf32, #tpu.memory_space<vmem_shared>>)
        tpu.yield
      }) : () -> ()
      %add3A_269 = arith.constant 4 : i32
      %add3A_270 = arith.addi %add3A_261, %add3A_269 : i32
      %dma_start3A_271 = arith.constant 0 : i32
      %dma_start3A_272 = tpu.memref_slice %arg8[%add3A_270, %dma_start3A_271] : memref<250x40xi32, #tpu.memory_space<vmem>> -> memref<1x40xi32, #tpu.memory_space<vmem>>
      %dma_start3A_273 = tpu.memref_squeeze %dma_start3A_272 : memref<1x40xi32, #tpu.memory_space<vmem>> -> memref<40xi32, #tpu.memory_space<vmem>>
      %dma_start3A_274 = arith.constant 0 : i32
      %dma_start3A_275 = arith.constant 0 : i32
      %dma_start3A_276 = tpu.memref_slice %arg2[%dma_start3A_274, %dma_start3A_275] : memref<10000x128xf32, #tpu.memory_space<hbm>> -> memref<10000x128xf32, #tpu.memory_space<hbm>>
      tpu.enqueue_indirect_dma source(%dma_start3A_276 : memref<10000x128xf32, #tpu.memory_space<hbm>>) target(%arg13 : memref<40x128xf32, #tpu.memory_space<vmem>>) offsets(%dma_start3A_273 : memref<40xi32, #tpu.memory_space<vmem>>) semaphore(%arg20 : memref<!tpu.dma_semaphore, #tpu.memory_space<semaphore_mem>>)
      %dma_start3A_277 = arith.constant 40 : i32
      %dma_start3A_278 = arith.constant 0 : i32
      %dma_start3A_279 = tpu.memref_slice %arg14[%dma_start3A_277, %dma_start3A_278] : memref<80x8xf32, #tpu.memory_space<vmem>> -> memref<40x8xf32, #tpu.memory_space<vmem>>
      %dma_start3A_280 = arith.constant 0 : i32
      %dma_start3A_281 = tpu.memref_slice %arg9[%add3A_261, %dma_start3A_280] : memref<250x40xi32, #tpu.memory_space<vmem>> -> memref<1x40xi32, #tpu.memory_space<vmem>>
      %dma_start3A_282 = tpu.memref_squeeze %dma_start3A_281 : memref<1x40xi32, #tpu.memory_space<vmem>> -> memref<40xi32, #tpu.memory_space<vmem>>
      %dma_start3A_283 = arith.constant 0 : i32
      %dma_start3A_284 = arith.constant 0 : i32
      %dma_start3A_285 = tpu.memref_slice %arg16[%dma_start3A_283, %dma_start3A_284] : memref<10240x8xf32, #tpu.memory_space<vmem_shared>> -> memref<10240x8xf32, #tpu.memory_space<vmem_shared>>
      tpu.enqueue_indirect_dma source(%dma_start3A_279 : memref<40x8xf32, #tpu.memory_space<vmem>>) target(%dma_start3A_285 : memref<10240x8xf32, #tpu.memory_space<vmem_shared>>) offsets(%dma_start3A_282 : memref<40xi32, #tpu.memory_space<vmem>>) semaphore(%arg21 : memref<!tpu.dma_semaphore, #tpu.memory_space<semaphore_mem>>) {add = true}
    }
    %scan3A_45 = arith.constant 61 : i32
    %dma_wait3A = arith.constant 0 : i32
    %dma_wait3A_46 = arith.constant 0 : i32
    %dma_wait3A_47 = tpu.memref_slice %arg8[%dma_wait3A, %dma_wait3A_46] : memref<250x40xi32, #tpu.memory_space<vmem>> -> memref<1x40xi32, #tpu.memory_space<vmem>>
    %dma_wait3A_48 = tpu.memref_squeeze %dma_wait3A_47 : memref<1x40xi32, #tpu.memory_space<vmem>> -> memref<40xi32, #tpu.memory_space<vmem>>
    %dma_wait3A_49 = arith.constant 0 : i32
    %dma_wait3A_50 = arith.constant 0 : i32
    %dma_wait3A_51 = tpu.memref_slice %arg2[%dma_wait3A_49, %dma_wait3A_50] : memref<10000x128xf32, #tpu.memory_space<hbm>> -> memref<10000x128xf32, #tpu.memory_space<hbm>>
    tpu.wait_indirect_dma semaphore(%arg17 : memref<!tpu.dma_semaphore, #tpu.memory_space<semaphore_mem>>) src(%dma_wait3A_51 : memref<10000x128xf32, #tpu.memory_space<hbm>>) dst(%arg10 : memref<40x128xf32, #tpu.memory_space<vmem>>)
    %run_scoped3A = arith.constant 244 : i32
    "tpu.region"() ({
      %run_scoped3A_181 = tpu.sem_alloc : memref<!tpu.dma_semaphore, #tpu.memory_space<semaphore_mem>>
      %dma_start3A_182 = arith.constant 0 : i32
      %dma_start3A_183 = tpu.memref_slice %arg9[%run_scoped3A, %dma_start3A_182] : memref<250x40xi32, #tpu.memory_space<vmem>> -> memref<1x40xi32, #tpu.memory_space<vmem>>
      %dma_start3A_184 = tpu.memref_squeeze %dma_start3A_183 : memref<1x40xi32, #tpu.memory_space<vmem>> -> memref<40xi32, #tpu.memory_space<vmem>>
      %dma_start3A_185 = arith.constant 0 : i32
      %dma_start3A_186 = arith.constant 0 : i32
      %dma_start3A_187 = tpu.memref_slice %arg15[%dma_start3A_185, %dma_start3A_186] : memref<10240x128xf32, #tpu.memory_space<vmem_shared>> -> memref<10240x128xf32, #tpu.memory_space<vmem_shared>>
      tpu.enqueue_indirect_dma source(%arg10 : memref<40x128xf32, #tpu.memory_space<vmem>>) target(%dma_start3A_187 : memref<10240x128xf32, #tpu.memory_space<vmem_shared>>) offsets(%dma_start3A_184 : memref<40xi32, #tpu.memory_space<vmem>>) semaphore(%run_scoped3A_181 : memref<!tpu.dma_semaphore, #tpu.memory_space<semaphore_mem>>) {add = true}
      %dma_wait3A_188 = arith.constant 0 : i32
      %dma_wait3A_189 = tpu.memref_slice %arg9[%run_scoped3A, %dma_wait3A_188] : memref<250x40xi32, #tpu.memory_space<vmem>> -> memref<1x40xi32, #tpu.memory_space<vmem>>
      %dma_wait3A_190 = tpu.memref_squeeze %dma_wait3A_189 : memref<1x40xi32, #tpu.memory_space<vmem>> -> memref<40xi32, #tpu.memory_space<vmem>>
      %dma_wait3A_191 = arith.constant 0 : i32
      %dma_wait3A_192 = arith.constant 0 : i32
      %dma_wait3A_193 = tpu.memref_slice %arg15[%dma_wait3A_191, %dma_wait3A_192] : memref<10240x128xf32, #tpu.memory_space<vmem_shared>> -> memref<10240x128xf32, #tpu.memory_space<vmem_shared>>
      tpu.wait_indirect_dma semaphore(%run_scoped3A_181 : memref<!tpu.dma_semaphore, #tpu.memory_space<semaphore_mem>>) src(%arg10 : memref<40x128xf32, #tpu.memory_space<vmem>>) dst(%dma_wait3A_193 : memref<10240x128xf32, #tpu.memory_space<vmem_shared>>)
      tpu.yield
    }) : () -> ()
    %dma_start3A_52 = arith.constant 248 : i32
    %dma_start3A_53 = arith.constant 0 : i32
    %dma_start3A_54 = tpu.memref_slice %arg8[%dma_start3A_52, %dma_start3A_53] : memref<250x40xi32, #tpu.memory_space<vmem>> -> memref<1x40xi32, #tpu.memory_space<vmem>>
    %dma_start3A_55 = tpu.memref_squeeze %dma_start3A_54 : memref<1x40xi32, #tpu.memory_space<vmem>> -> memref<40xi32, #tpu.memory_space<vmem>>
    %dma_start3A_56 = arith.constant 0 : i32
    %dma_start3A_57 = arith.constant 0 : i32
    %dma_start3A_58 = tpu.memref_slice %arg2[%dma_start3A_56, %dma_start3A_57] : memref<10000x128xf32, #tpu.memory_space<hbm>> -> memref<10000x128xf32, #tpu.memory_space<hbm>>
    tpu.enqueue_indirect_dma source(%dma_start3A_58 : memref<10000x128xf32, #tpu.memory_space<hbm>>) target(%arg10 : memref<40x128xf32, #tpu.memory_space<vmem>>) offsets(%dma_start3A_55 : memref<40xi32, #tpu.memory_space<vmem>>) semaphore(%arg17 : memref<!tpu.dma_semaphore, #tpu.memory_space<semaphore_mem>>)
    %dma_start3A_59 = arith.constant 244 : i32
    %dma_start3A_60 = arith.constant 40 : i32
    %dma_start3A_61 = arith.constant 0 : i32
    %dma_start3A_62 = tpu.memref_slice %arg14[%dma_start3A_60, %dma_start3A_61] : memref<80x8xf32, #tpu.memory_space<vmem>> -> memref<40x8xf32, #tpu.memory_space<vmem>>
    %dma_start3A_63 = arith.constant 0 : i32
    %dma_start3A_64 = tpu.memref_slice %arg9[%dma_start3A_59, %dma_start3A_63] : memref<250x40xi32, #tpu.memory_space<vmem>> -> memref<1x40xi32, #tpu.memory_space<vmem>>
    %dma_start3A_65 = tpu.memref_squeeze %dma_start3A_64 : memref<1x40xi32, #tpu.memory_space<vmem>> -> memref<40xi32, #tpu.memory_space<vmem>>
    %dma_start3A_66 = arith.constant 0 : i32
    %dma_start3A_67 = arith.constant 0 : i32
    %dma_start3A_68 = tpu.memref_slice %arg16[%dma_start3A_66, %dma_start3A_67] : memref<10240x8xf32, #tpu.memory_space<vmem_shared>> -> memref<10240x8xf32, #tpu.memory_space<vmem_shared>>
    tpu.enqueue_indirect_dma source(%dma_start3A_62 : memref<40x8xf32, #tpu.memory_space<vmem>>) target(%dma_start3A_68 : memref<10240x8xf32, #tpu.memory_space<vmem_shared>>) offsets(%dma_start3A_65 : memref<40xi32, #tpu.memory_space<vmem>>) semaphore(%arg21 : memref<!tpu.dma_semaphore, #tpu.memory_space<semaphore_mem>>) {add = true}
    %dma_wait3A_69 = arith.constant 0 : i32
    %dma_wait3A_70 = arith.constant 0 : i32
    %dma_wait3A_71 = tpu.memref_slice %arg8[%dma_wait3A_69, %dma_wait3A_70] : memref<250x40xi32, #tpu.memory_space<vmem>> -> memref<1x40xi32, #tpu.memory_space<vmem>>
    %dma_wait3A_72 = tpu.memref_squeeze %dma_wait3A_71 : memref<1x40xi32, #tpu.memory_space<vmem>> -> memref<40xi32, #tpu.memory_space<vmem>>
    %dma_wait3A_73 = arith.constant 0 : i32
    %dma_wait3A_74 = arith.constant 0 : i32
    %dma_wait3A_75 = tpu.memref_slice %arg2[%dma_wait3A_73, %dma_wait3A_74] : memref<10000x128xf32, #tpu.memory_space<hbm>> -> memref<10000x128xf32, #tpu.memory_space<hbm>>
    tpu.wait_indirect_dma semaphore(%arg18 : memref<!tpu.dma_semaphore, #tpu.memory_space<semaphore_mem>>) src(%dma_wait3A_75 : memref<10000x128xf32, #tpu.memory_space<hbm>>) dst(%arg11 : memref<40x128xf32, #tpu.memory_space<vmem>>)
    %run_scoped3A_76 = arith.constant 245 : i32
    "tpu.region"() ({
      %run_scoped3A_181 = tpu.sem_alloc : memref<!tpu.dma_semaphore, #tpu.memory_space<semaphore_mem>>
      %dma_start3A_182 = arith.constant 0 : i32
      %dma_start3A_183 = tpu.memref_slice %arg9[%run_scoped3A_76, %dma_start3A_182] : memref<250x40xi32, #tpu.memory_space<vmem>> -> memref<1x40xi32, #tpu.memory_space<vmem>>
      %dma_start3A_184 = tpu.memref_squeeze %dma_start3A_183 : memref<1x40xi32, #tpu.memory_space<vmem>> -> memref<40xi32, #tpu.memory_space<vmem>>
      %dma_start3A_185 = arith.constant 0 : i32
      %dma_start3A_186 = arith.constant 0 : i32
      %dma_start3A_187 = tpu.memref_slice %arg15[%dma_start3A_185, %dma_start3A_186] : memref<10240x128xf32, #tpu.memory_space<vmem_shared>> -> memref<10240x128xf32, #tpu.memory_space<vmem_shared>>
      tpu.enqueue_indirect_dma source(%arg11 : memref<40x128xf32, #tpu.memory_space<vmem>>) target(%dma_start3A_187 : memref<10240x128xf32, #tpu.memory_space<vmem_shared>>) offsets(%dma_start3A_184 : memref<40xi32, #tpu.memory_space<vmem>>) semaphore(%run_scoped3A_181 : memref<!tpu.dma_semaphore, #tpu.memory_space<semaphore_mem>>) {add = true}
      %dma_wait3A_188 = arith.constant 0 : i32
      %dma_wait3A_189 = tpu.memref_slice %arg9[%run_scoped3A_76, %dma_wait3A_188] : memref<250x40xi32, #tpu.memory_space<vmem>> -> memref<1x40xi32, #tpu.memory_space<vmem>>
      %dma_wait3A_190 = tpu.memref_squeeze %dma_wait3A_189 : memref<1x40xi32, #tpu.memory_space<vmem>> -> memref<40xi32, #tpu.memory_space<vmem>>
      %dma_wait3A_191 = arith.constant 0 : i32
      %dma_wait3A_192 = arith.constant 0 : i32
      %dma_wait3A_193 = tpu.memref_slice %arg15[%dma_wait3A_191, %dma_wait3A_192] : memref<10240x128xf32, #tpu.memory_space<vmem_shared>> -> memref<10240x128xf32, #tpu.memory_space<vmem_shared>>
      tpu.wait_indirect_dma semaphore(%run_scoped3A_181 : memref<!tpu.dma_semaphore, #tpu.memory_space<semaphore_mem>>) src(%arg11 : memref<40x128xf32, #tpu.memory_space<vmem>>) dst(%dma_wait3A_193 : memref<10240x128xf32, #tpu.memory_space<vmem_shared>>)
      tpu.yield
    }) : () -> ()
    %dma_start3A_77 = arith.constant 249 : i32
    %dma_start3A_78 = arith.constant 0 : i32
    %dma_start3A_79 = tpu.memref_slice %arg8[%dma_start3A_77, %dma_start3A_78] : memref<250x40xi32, #tpu.memory_space<vmem>> -> memref<1x40xi32, #tpu.memory_space<vmem>>
    %dma_start3A_80 = tpu.memref_squeeze %dma_start3A_79 : memref<1x40xi32, #tpu.memory_space<vmem>> -> memref<40xi32, #tpu.memory_space<vmem>>
    %dma_start3A_81 = arith.constant 0 : i32
    %dma_start3A_82 = arith.constant 0 : i32
    %dma_start3A_83 = tpu.memref_slice %arg2[%dma_start3A_81, %dma_start3A_82] : memref<10000x128xf32, #tpu.memory_space<hbm>> -> memref<10000x128xf32, #tpu.memory_space<hbm>>
    tpu.enqueue_indirect_dma source(%dma_start3A_83 : memref<10000x128xf32, #tpu.memory_space<hbm>>) target(%arg11 : memref<40x128xf32, #tpu.memory_space<vmem>>) offsets(%dma_start3A_80 : memref<40xi32, #tpu.memory_space<vmem>>) semaphore(%arg18 : memref<!tpu.dma_semaphore, #tpu.memory_space<semaphore_mem>>)
    %dma_start3A_84 = arith.constant 245 : i32
    %dma_start3A_85 = arith.constant 40 : i32
    %dma_start3A_86 = arith.constant 0 : i32
    %dma_start3A_87 = tpu.memref_slice %arg14[%dma_start3A_85, %dma_start3A_86] : memref<80x8xf32, #tpu.memory_space<vmem>> -> memref<40x8xf32, #tpu.memory_space<vmem>>
    %dma_start3A_88 = arith.constant 0 : i32
    %dma_start3A_89 = tpu.memref_slice %arg9[%dma_start3A_84, %dma_start3A_88] : memref<250x40xi32, #tpu.memory_space<vmem>> -> memref<1x40xi32, #tpu.memory_space<vmem>>
    %dma_start3A_90 = tpu.memref_squeeze %dma_start3A_89 : memref<1x40xi32, #tpu.memory_space<vmem>> -> memref<40xi32, #tpu.memory_space<vmem>>
    %dma_start3A_91 = arith.constant 0 : i32
    %dma_start3A_92 = arith.constant 0 : i32
    %dma_start3A_93 = tpu.memref_slice %arg16[%dma_start3A_91, %dma_start3A_92] : memref<10240x8xf32, #tpu.memory_space<vmem_shared>> -> memref<10240x8xf32, #tpu.memory_space<vmem_shared>>
    tpu.enqueue_indirect_dma source(%dma_start3A_87 : memref<40x8xf32, #tpu.memory_space<vmem>>) target(%dma_start3A_93 : memref<10240x8xf32, #tpu.memory_space<vmem_shared>>) offsets(%dma_start3A_90 : memref<40xi32, #tpu.memory_space<vmem>>) semaphore(%arg21 : memref<!tpu.dma_semaphore, #tpu.memory_space<semaphore_mem>>) {add = true}
    %dma_wait3A_94 = arith.constant 0 : i32
    %dma_wait3A_95 = arith.constant 0 : i32
    %dma_wait3A_96 = tpu.memref_slice %arg8[%dma_wait3A_94, %dma_wait3A_95] : memref<250x40xi32, #tpu.memory_space<vmem>> -> memref<1x40xi32, #tpu.memory_space<vmem>>
    %dma_wait3A_97 = tpu.memref_squeeze %dma_wait3A_96 : memref<1x40xi32, #tpu.memory_space<vmem>> -> memref<40xi32, #tpu.memory_space<vmem>>
    %dma_wait3A_98 = arith.constant 0 : i32
    %dma_wait3A_99 = arith.constant 0 : i32
    %dma_wait3A_100 = tpu.memref_slice %arg2[%dma_wait3A_98, %dma_wait3A_99] : memref<10000x128xf32, #tpu.memory_space<hbm>> -> memref<10000x128xf32, #tpu.memory_space<hbm>>
    tpu.wait_indirect_dma semaphore(%arg19 : memref<!tpu.dma_semaphore, #tpu.memory_space<semaphore_mem>>) src(%dma_wait3A_100 : memref<10000x128xf32, #tpu.memory_space<hbm>>) dst(%arg12 : memref<40x128xf32, #tpu.memory_space<vmem>>)
    %run_scoped3A_101 = arith.constant 246 : i32
    "tpu.region"() ({
      %run_scoped3A_181 = tpu.sem_alloc : memref<!tpu.dma_semaphore, #tpu.memory_space<semaphore_mem>>
      %dma_start3A_182 = arith.constant 0 : i32
      %dma_start3A_183 = tpu.memref_slice %arg9[%run_scoped3A_101, %dma_start3A_182] : memref<250x40xi32, #tpu.memory_space<vmem>> -> memref<1x40xi32, #tpu.memory_space<vmem>>
      %dma_start3A_184 = tpu.memref_squeeze %dma_start3A_183 : memref<1x40xi32, #tpu.memory_space<vmem>> -> memref<40xi32, #tpu.memory_space<vmem>>
      %dma_start3A_185 = arith.constant 0 : i32
      %dma_start3A_186 = arith.constant 0 : i32
      %dma_start3A_187 = tpu.memref_slice %arg15[%dma_start3A_185, %dma_start3A_186] : memref<10240x128xf32, #tpu.memory_space<vmem_shared>> -> memref<10240x128xf32, #tpu.memory_space<vmem_shared>>
      tpu.enqueue_indirect_dma source(%arg12 : memref<40x128xf32, #tpu.memory_space<vmem>>) target(%dma_start3A_187 : memref<10240x128xf32, #tpu.memory_space<vmem_shared>>) offsets(%dma_start3A_184 : memref<40xi32, #tpu.memory_space<vmem>>) semaphore(%run_scoped3A_181 : memref<!tpu.dma_semaphore, #tpu.memory_space<semaphore_mem>>) {add = true}
      %dma_wait3A_188 = arith.constant 0 : i32
      %dma_wait3A_189 = tpu.memref_slice %arg9[%run_scoped3A_101, %dma_wait3A_188] : memref<250x40xi32, #tpu.memory_space<vmem>> -> memref<1x40xi32, #tpu.memory_space<vmem>>
      %dma_wait3A_190 = tpu.memref_squeeze %dma_wait3A_189 : memref<1x40xi32, #tpu.memory_space<vmem>> -> memref<40xi32, #tpu.memory_space<vmem>>
      %dma_wait3A_191 = arith.constant 0 : i32
      %dma_wait3A_192 = arith.constant 0 : i32
      %dma_wait3A_193 = tpu.memref_slice %arg15[%dma_wait3A_191, %dma_wait3A_192] : memref<10240x128xf32, #tpu.memory_space<vmem_shared>> -> memref<10240x128xf32, #tpu.memory_space<vmem_shared>>
      tpu.wait_indirect_dma semaphore(%run_scoped3A_181 : memref<!tpu.dma_semaphore, #tpu.memory_space<semaphore_mem>>) src(%arg12 : memref<40x128xf32, #tpu.memory_space<vmem>>) dst(%dma_wait3A_193 : memref<10240x128xf32, #tpu.memory_space<vmem_shared>>)
      tpu.yield
    }) : () -> ()
    %dma_start3A_102 = arith.constant 246 : i32
    %dma_start3A_103 = arith.constant 40 : i32
    %dma_start3A_104 = arith.constant 0 : i32
    %dma_start3A_105 = tpu.memref_slice %arg14[%dma_start3A_103, %dma_start3A_104] : memref<80x8xf32, #tpu.memory_space<vmem>> -> memref<40x8xf32, #tpu.memory_space<vmem>>
    %dma_start3A_106 = arith.constant 0 : i32
    %dma_start3A_107 = tpu.memref_slice %arg9[%dma_start3A_102, %dma_start3A_106] : memref<250x40xi32, #tpu.memory_space<vmem>> -> memref<1x40xi32, #tpu.memory_space<vmem>>
    %dma_start3A_108 = tpu.memref_squeeze %dma_start3A_107 : memref<1x40xi32, #tpu.memory_space<vmem>> -> memref<40xi32, #tpu.memory_space<vmem>>
    %dma_start3A_109 = arith.constant 0 : i32
    %dma_start3A_110 = arith.constant 0 : i32
    %dma_start3A_111 = tpu.memref_slice %arg16[%dma_start3A_109, %dma_start3A_110] : memref<10240x8xf32, #tpu.memory_space<vmem_shared>> -> memref<10240x8xf32, #tpu.memory_space<vmem_shared>>
    tpu.enqueue_indirect_dma source(%dma_start3A_105 : memref<40x8xf32, #tpu.memory_space<vmem>>) target(%dma_start3A_111 : memref<10240x8xf32, #tpu.memory_space<vmem_shared>>) offsets(%dma_start3A_108 : memref<40xi32, #tpu.memory_space<vmem>>) semaphore(%arg21 : memref<!tpu.dma_semaphore, #tpu.memory_space<semaphore_mem>>) {add = true}
    %dma_wait3A_112 = arith.constant 0 : i32
    %dma_wait3A_113 = arith.constant 0 : i32
    %dma_wait3A_114 = tpu.memref_slice %arg8[%dma_wait3A_112, %dma_wait3A_113] : memref<250x40xi32, #tpu.memory_space<vmem>> -> memref<1x40xi32, #tpu.memory_space<vmem>>
    %dma_wait3A_115 = tpu.memref_squeeze %dma_wait3A_114 : memref<1x40xi32, #tpu.memory_space<vmem>> -> memref<40xi32, #tpu.memory_space<vmem>>
    %dma_wait3A_116 = arith.constant 0 : i32
    %dma_wait3A_117 = arith.constant 0 : i32
    %dma_wait3A_118 = tpu.memref_slice %arg2[%dma_wait3A_116, %dma_wait3A_117] : memref<10000x128xf32, #tpu.memory_space<hbm>> -> memref<10000x128xf32, #tpu.memory_space<hbm>>
    tpu.wait_indirect_dma semaphore(%arg20 : memref<!tpu.dma_semaphore, #tpu.memory_space<semaphore_mem>>) src(%dma_wait3A_118 : memref<10000x128xf32, #tpu.memory_space<hbm>>) dst(%arg13 : memref<40x128xf32, #tpu.memory_space<vmem>>)
    %run_scoped3A_119 = arith.constant 247 : i32
    "tpu.region"() ({
      %run_scoped3A_181 = tpu.sem_alloc : memref<!tpu.dma_semaphore, #tpu.memory_space<semaphore_mem>>
      %dma_start3A_182 = arith.constant 0 : i32
      %dma_start3A_183 = tpu.memref_slice %arg9[%run_scoped3A_119, %dma_start3A_182] : memref<250x40xi32, #tpu.memory_space<vmem>> -> memref<1x40xi32, #tpu.memory_space<vmem>>
      %dma_start3A_184 = tpu.memref_squeeze %dma_start3A_183 : memref<1x40xi32, #tpu.memory_space<vmem>> -> memref<40xi32, #tpu.memory_space<vmem>>
      %dma_start3A_185 = arith.constant 0 : i32
      %dma_start3A_186 = arith.constant 0 : i32
      %dma_start3A_187 = tpu.memref_slice %arg15[%dma_start3A_185, %dma_start3A_186] : memref<10240x128xf32, #tpu.memory_space<vmem_shared>> -> memref<10240x128xf32, #tpu.memory_space<vmem_shared>>
      tpu.enqueue_indirect_dma source(%arg13 : memref<40x128xf32, #tpu.memory_space<vmem>>) target(%dma_start3A_187 : memref<10240x128xf32, #tpu.memory_space<vmem_shared>>) offsets(%dma_start3A_184 : memref<40xi32, #tpu.memory_space<vmem>>) semaphore(%run_scoped3A_181 : memref<!tpu.dma_semaphore, #tpu.memory_space<semaphore_mem>>) {add = true}
      %dma_wait3A_188 = arith.constant 0 : i32
      %dma_wait3A_189 = tpu.memref_slice %arg9[%run_scoped3A_119, %dma_wait3A_188] : memref<250x40xi32, #tpu.memory_space<vmem>> -> memref<1x40xi32, #tpu.memory_space<vmem>>
      %dma_wait3A_190 = tpu.memref_squeeze %dma_wait3A_189 : memref<1x40xi32, #tpu.memory_space<vmem>> -> memref<40xi32, #tpu.memory_space<vmem>>
      %dma_wait3A_191 = arith.constant 0 : i32
      %dma_wait3A_192 = arith.constant 0 : i32
      %dma_wait3A_193 = tpu.memref_slice %arg15[%dma_wait3A_191, %dma_wait3A_192] : memref<10240x128xf32, #tpu.memory_space<vmem_shared>> -> memref<10240x128xf32, #tpu.memory_space<vmem_shared>>
      tpu.wait_indirect_dma semaphore(%run_scoped3A_181 : memref<!tpu.dma_semaphore, #tpu.memory_space<semaphore_mem>>) src(%arg13 : memref<40x128xf32, #tpu.memory_space<vmem>>) dst(%dma_wait3A_193 : memref<10240x128xf32, #tpu.memory_space<vmem_shared>>)
      tpu.yield
    }) : () -> ()
    %dma_start3A_120 = arith.constant 247 : i32
    %dma_start3A_121 = arith.constant 40 : i32
    %dma_start3A_122 = arith.constant 0 : i32
    %dma_start3A_123 = tpu.memref_slice %arg14[%dma_start3A_121, %dma_start3A_122] : memref<80x8xf32, #tpu.memory_space<vmem>> -> memref<40x8xf32, #tpu.memory_space<vmem>>
    %dma_start3A_124 = arith.constant 0 : i32
    %dma_start3A_125 = tpu.memref_slice %arg9[%dma_start3A_120, %dma_start3A_124] : memref<250x40xi32, #tpu.memory_space<vmem>> -> memref<1x40xi32, #tpu.memory_space<vmem>>
    %dma_start3A_126 = tpu.memref_squeeze %dma_start3A_125 : memref<1x40xi32, #tpu.memory_space<vmem>> -> memref<40xi32, #tpu.memory_space<vmem>>
    %dma_start3A_127 = arith.constant 0 : i32
    %dma_start3A_128 = arith.constant 0 : i32
    %dma_start3A_129 = tpu.memref_slice %arg16[%dma_start3A_127, %dma_start3A_128] : memref<10240x8xf32, #tpu.memory_space<vmem_shared>> -> memref<10240x8xf32, #tpu.memory_space<vmem_shared>>
    tpu.enqueue_indirect_dma source(%dma_start3A_123 : memref<40x8xf32, #tpu.memory_space<vmem>>) target(%dma_start3A_129 : memref<10240x8xf32, #tpu.memory_space<vmem_shared>>) offsets(%dma_start3A_126 : memref<40xi32, #tpu.memory_space<vmem>>) semaphore(%arg21 : memref<!tpu.dma_semaphore, #tpu.memory_space<semaphore_mem>>) {add = true}
    %dma_wait3A_130 = arith.constant 0 : i32
    %dma_wait3A_131 = arith.constant 0 : i32
    %dma_wait3A_132 = tpu.memref_slice %arg8[%dma_wait3A_130, %dma_wait3A_131] : memref<250x40xi32, #tpu.memory_space<vmem>> -> memref<1x40xi32, #tpu.memory_space<vmem>>
    %dma_wait3A_133 = tpu.memref_squeeze %dma_wait3A_132 : memref<1x40xi32, #tpu.memory_space<vmem>> -> memref<40xi32, #tpu.memory_space<vmem>>
    %dma_wait3A_134 = arith.constant 0 : i32
    %dma_wait3A_135 = arith.constant 0 : i32
    %dma_wait3A_136 = tpu.memref_slice %arg2[%dma_wait3A_134, %dma_wait3A_135] : memref<10000x128xf32, #tpu.memory_space<hbm>> -> memref<10000x128xf32, #tpu.memory_space<hbm>>
    tpu.wait_indirect_dma semaphore(%arg17 : memref<!tpu.dma_semaphore, #tpu.memory_space<semaphore_mem>>) src(%dma_wait3A_136 : memref<10000x128xf32, #tpu.memory_space<hbm>>) dst(%arg10 : memref<40x128xf32, #tpu.memory_space<vmem>>)
    %run_scoped3A_137 = arith.constant 248 : i32
    "tpu.region"() ({
      %run_scoped3A_181 = tpu.sem_alloc : memref<!tpu.dma_semaphore, #tpu.memory_space<semaphore_mem>>
      %dma_start3A_182 = arith.constant 0 : i32
      %dma_start3A_183 = tpu.memref_slice %arg9[%run_scoped3A_137, %dma_start3A_182] : memref<250x40xi32, #tpu.memory_space<vmem>> -> memref<1x40xi32, #tpu.memory_space<vmem>>
      %dma_start3A_184 = tpu.memref_squeeze %dma_start3A_183 : memref<1x40xi32, #tpu.memory_space<vmem>> -> memref<40xi32, #tpu.memory_space<vmem>>
      %dma_start3A_185 = arith.constant 0 : i32
      %dma_start3A_186 = arith.constant 0 : i32
      %dma_start3A_187 = tpu.memref_slice %arg15[%dma_start3A_185, %dma_start3A_186] : memref<10240x128xf32, #tpu.memory_space<vmem_shared>> -> memref<10240x128xf32, #tpu.memory_space<vmem_shared>>
      tpu.enqueue_indirect_dma source(%arg10 : memref<40x128xf32, #tpu.memory_space<vmem>>) target(%dma_start3A_187 : memref<10240x128xf32, #tpu.memory_space<vmem_shared>>) offsets(%dma_start3A_184 : memref<40xi32, #tpu.memory_space<vmem>>) semaphore(%run_scoped3A_181 : memref<!tpu.dma_semaphore, #tpu.memory_space<semaphore_mem>>) {add = true}
      %dma_wait3A_188 = arith.constant 0 : i32
      %dma_wait3A_189 = tpu.memref_slice %arg9[%run_scoped3A_137, %dma_wait3A_188] : memref<250x40xi32, #tpu.memory_space<vmem>> -> memref<1x40xi32, #tpu.memory_space<vmem>>
      %dma_wait3A_190 = tpu.memref_squeeze %dma_wait3A_189 : memref<1x40xi32, #tpu.memory_space<vmem>> -> memref<40xi32, #tpu.memory_space<vmem>>
      %dma_wait3A_191 = arith.constant 0 : i32
      %dma_wait3A_192 = arith.constant 0 : i32
      %dma_wait3A_193 = tpu.memref_slice %arg15[%dma_wait3A_191, %dma_wait3A_192] : memref<10240x128xf32, #tpu.memory_space<vmem_shared>> -> memref<10240x128xf32, #tpu.memory_space<vmem_shared>>
      tpu.wait_indirect_dma semaphore(%run_scoped3A_181 : memref<!tpu.dma_semaphore, #tpu.memory_space<semaphore_mem>>) src(%arg10 : memref<40x128xf32, #tpu.memory_space<vmem>>) dst(%dma_wait3A_193 : memref<10240x128xf32, #tpu.memory_space<vmem_shared>>)
      tpu.yield
    }) : () -> ()
    %dma_start3A_138 = arith.constant 248 : i32
    %dma_start3A_139 = arith.constant 40 : i32
    %dma_start3A_140 = arith.constant 0 : i32
    %dma_start3A_141 = tpu.memref_slice %arg14[%dma_start3A_139, %dma_start3A_140] : memref<80x8xf32, #tpu.memory_space<vmem>> -> memref<40x8xf32, #tpu.memory_space<vmem>>
    %dma_start3A_142 = arith.constant 0 : i32
    %dma_start3A_143 = tpu.memref_slice %arg9[%dma_start3A_138, %dma_start3A_142] : memref<250x40xi32, #tpu.memory_space<vmem>> -> memref<1x40xi32, #tpu.memory_space<vmem>>
    %dma_start3A_144 = tpu.memref_squeeze %dma_start3A_143 : memref<1x40xi32, #tpu.memory_space<vmem>> -> memref<40xi32, #tpu.memory_space<vmem>>
    %dma_start3A_145 = arith.constant 0 : i32
    %dma_start3A_146 = arith.constant 0 : i32
    %dma_start3A_147 = tpu.memref_slice %arg16[%dma_start3A_145, %dma_start3A_146] : memref<10240x8xf32, #tpu.memory_space<vmem_shared>> -> memref<10240x8xf32, #tpu.memory_space<vmem_shared>>
    tpu.enqueue_indirect_dma source(%dma_start3A_141 : memref<40x8xf32, #tpu.memory_space<vmem>>) target(%dma_start3A_147 : memref<10240x8xf32, #tpu.memory_space<vmem_shared>>) offsets(%dma_start3A_144 : memref<40xi32, #tpu.memory_space<vmem>>) semaphore(%arg21 : memref<!tpu.dma_semaphore, #tpu.memory_space<semaphore_mem>>) {add = true}
    %dma_wait3A_148 = arith.constant 0 : i32
    %dma_wait3A_149 = arith.constant 0 : i32
    %dma_wait3A_150 = tpu.memref_slice %arg8[%dma_wait3A_148, %dma_wait3A_149] : memref<250x40xi32, #tpu.memory_space<vmem>> -> memref<1x40xi32, #tpu.memory_space<vmem>>
    %dma_wait3A_151 = tpu.memref_squeeze %dma_wait3A_150 : memref<1x40xi32, #tpu.memory_space<vmem>> -> memref<40xi32, #tpu.memory_space<vmem>>
    %dma_wait3A_152 = arith.constant 0 : i32
    %dma_wait3A_153 = arith.constant 0 : i32
    %dma_wait3A_154 = tpu.memref_slice %arg2[%dma_wait3A_152, %dma_wait3A_153] : memref<10000x128xf32, #tpu.memory_space<hbm>> -> memref<10000x128xf32, #tpu.memory_space<hbm>>
    tpu.wait_indirect_dma semaphore(%arg18 : memref<!tpu.dma_semaphore, #tpu.memory_space<semaphore_mem>>) src(%dma_wait3A_154 : memref<10000x128xf32, #tpu.memory_space<hbm>>) dst(%arg11 : memref<40x128xf32, #tpu.memory_space<vmem>>)
    %run_scoped3A_155 = arith.constant 249 : i32
    "tpu.region"() ({
      %run_scoped3A_181 = tpu.sem_alloc : memref<!tpu.dma_semaphore, #tpu.memory_space<semaphore_mem>>
      %dma_start3A_182 = arith.constant 0 : i32
      %dma_start3A_183 = tpu.memref_slice %arg9[%run_scoped3A_155, %dma_start3A_182] : memref<250x40xi32, #tpu.memory_space<vmem>> -> memref<1x40xi32, #tpu.memory_space<vmem>>
      %dma_start3A_184 = tpu.memref_squeeze %dma_start3A_183 : memref<1x40xi32, #tpu.memory_space<vmem>> -> memref<40xi32, #tpu.memory_space<vmem>>
      %dma_start3A_185 = arith.constant 0 : i32
      %dma_start3A_186 = arith.constant 0 : i32
      %dma_start3A_187 = tpu.memref_slice %arg15[%dma_start3A_185, %dma_start3A_186] : memref<10240x128xf32, #tpu.memory_space<vmem_shared>> -> memref<10240x128xf32, #tpu.memory_space<vmem_shared>>
      tpu.enqueue_indirect_dma source(%arg11 : memref<40x128xf32, #tpu.memory_space<vmem>>) target(%dma_start3A_187 : memref<10240x128xf32, #tpu.memory_space<vmem_shared>>) offsets(%dma_start3A_184 : memref<40xi32, #tpu.memory_space<vmem>>) semaphore(%run_scoped3A_181 : memref<!tpu.dma_semaphore, #tpu.memory_space<semaphore_mem>>) {add = true}
      %dma_wait3A_188 = arith.constant 0 : i32
      %dma_wait3A_189 = tpu.memref_slice %arg9[%run_scoped3A_155, %dma_wait3A_188] : memref<250x40xi32, #tpu.memory_space<vmem>> -> memref<1x40xi32, #tpu.memory_space<vmem>>
      %dma_wait3A_190 = tpu.memref_squeeze %dma_wait3A_189 : memref<1x40xi32, #tpu.memory_space<vmem>> -> memref<40xi32, #tpu.memory_space<vmem>>
      %dma_wait3A_191 = arith.constant 0 : i32
      %dma_wait3A_192 = arith.constant 0 : i32
      %dma_wait3A_193 = tpu.memref_slice %arg15[%dma_wait3A_191, %dma_wait3A_192] : memref<10240x128xf32, #tpu.memory_space<vmem_shared>> -> memref<10240x128xf32, #tpu.memory_space<vmem_shared>>
      tpu.wait_indirect_dma semaphore(%run_scoped3A_181 : memref<!tpu.dma_semaphore, #tpu.memory_space<semaphore_mem>>) src(%arg11 : memref<40x128xf32, #tpu.memory_space<vmem>>) dst(%dma_wait3A_193 : memref<10240x128xf32, #tpu.memory_space<vmem_shared>>)
      tpu.yield
    }) : () -> ()
    %dma_start3A_156 = arith.constant 249 : i32
    %dma_start3A_157 = arith.constant 40 : i32
    %dma_start3A_158 = arith.constant 0 : i32
    %dma_start3A_159 = tpu.memref_slice %arg14[%dma_start3A_157, %dma_start3A_158] : memref<80x8xf32, #tpu.memory_space<vmem>> -> memref<40x8xf32, #tpu.memory_space<vmem>>
    %dma_start3A_160 = arith.constant 0 : i32
    %dma_start3A_161 = tpu.memref_slice %arg9[%dma_start3A_156, %dma_start3A_160] : memref<250x40xi32, #tpu.memory_space<vmem>> -> memref<1x40xi32, #tpu.memory_space<vmem>>
    %dma_start3A_162 = tpu.memref_squeeze %dma_start3A_161 : memref<1x40xi32, #tpu.memory_space<vmem>> -> memref<40xi32, #tpu.memory_space<vmem>>
    %dma_start3A_163 = arith.constant 0 : i32
    %dma_start3A_164 = arith.constant 0 : i32
    %dma_start3A_165 = tpu.memref_slice %arg16[%dma_start3A_163, %dma_start3A_164] : memref<10240x8xf32, #tpu.memory_space<vmem_shared>> -> memref<10240x8xf32, #tpu.memory_space<vmem_shared>>
    tpu.enqueue_indirect_dma source(%dma_start3A_159 : memref<40x8xf32, #tpu.memory_space<vmem>>) target(%dma_start3A_165 : memref<10240x8xf32, #tpu.memory_space<vmem_shared>>) offsets(%dma_start3A_162 : memref<40xi32, #tpu.memory_space<vmem>>) semaphore(%arg21 : memref<!tpu.dma_semaphore, #tpu.memory_space<semaphore_mem>>) {add = true}
    %scan3A_166 = arith.constant 0 : i32
    %scan3A_167 = arith.constant 0 : i32
    %scan3A_168 = arith.constant 250 : i32
    %scan3A_169 = arith.addi %scan3A_167, %scan3A_168 : i32
    %scan3A_170 = arith.constant 1 : i32
    scf.for %scan3A_181 = %scan3A_167 to %scan3A_169 step %scan3A_170  : i32 {
      %dma_wait3A_182 = arith.constant 0 : i32
      %dma_wait3A_183 = arith.constant 40 : i32
      %dma_wait3A_184 = arith.constant 0 : i32
      %dma_wait3A_185 = tpu.memref_slice %arg14[%dma_wait3A_183, %dma_wait3A_184] : memref<80x8xf32, #tpu.memory_space<vmem>> -> memref<40x8xf32, #tpu.memory_space<vmem>>
      %dma_wait3A_186 = arith.constant 0 : i32
      %dma_wait3A_187 = tpu.memref_slice %arg9[%dma_wait3A_182, %dma_wait3A_186] : memref<250x40xi32, #tpu.memory_space<vmem>> -> memref<1x40xi32, #tpu.memory_space<vmem>>
      %dma_wait3A_188 = tpu.memref_squeeze %dma_wait3A_187 : memref<1x40xi32, #tpu.memory_space<vmem>> -> memref<40xi32, #tpu.memory_space<vmem>>
      %dma_wait3A_189 = arith.constant 0 : i32
      %dma_wait3A_190 = arith.constant 0 : i32
      %dma_wait3A_191 = tpu.memref_slice %arg16[%dma_wait3A_189, %dma_wait3A_190] : memref<10240x8xf32, #tpu.memory_space<vmem_shared>> -> memref<10240x8xf32, #tpu.memory_space<vmem_shared>>
      tpu.wait_indirect_dma semaphore(%arg21 : memref<!tpu.dma_semaphore, #tpu.memory_space<semaphore_mem>>) src(%dma_wait3A_185 : memref<40x8xf32, #tpu.memory_space<vmem>>) dst(%dma_wait3A_191 : memref<10240x8xf32, #tpu.memory_space<vmem_shared>>)
    }
    %scan3A_171 = arith.constant 250 : i32
    %barrier3A_172 = arith.constant 0 : index
    tpu.barrier barrier_id(%barrier3A_172)
    %mul3A_173 = arith.constant 640 : i32
    %mul3A_174 = arith.muli %arg1, %mul3A_173 : i32
    %mul3A_175 = arith.constant 640 : i32
    %mul3A_176 = arith.muli %arg1, %mul3A_175 : i32
    "tpu.region"() ({
      %run_scoped3A_181 = tpu.sem_alloc : memref<!tpu.dma_semaphore, #tpu.memory_space<semaphore_mem>>
      %dma_start3A_182 = arith.constant 0 : i32
      %dma_start3A_183 = tpu.memref_slice %arg6[%arg0, %mul3A_176, %dma_start3A_182] : memref<2x10240x128xf32, #tpu.memory_space<hbm>> -> memref<1x640x128xf32, #tpu.memory_space<hbm>>
      %dma_start3A_184 = tpu.memref_squeeze %dma_start3A_183 : memref<1x640x128xf32, #tpu.memory_space<hbm>> -> memref<640x128xf32, #tpu.memory_space<hbm>>
      %dma_start3A_185 = arith.constant 0 : i32
      %dma_start3A_186 = tpu.memref_slice %arg15[%mul3A_174, %dma_start3A_185] : memref<10240x128xf32, #tpu.memory_space<vmem_shared>> -> memref<640x128xf32, #tpu.memory_space<vmem_shared>>
      tpu.enqueue_dma source(%dma_start3A_186 : memref<640x128xf32, #tpu.memory_space<vmem_shared>>) target(%dma_start3A_184 : memref<640x128xf32, #tpu.memory_space<hbm>>) target_semaphore(%run_scoped3A_181 : memref<!tpu.dma_semaphore, #tpu.memory_space<semaphore_mem>>)
      %dma_wait3A_187 = arith.constant 0 : i32
      %dma_wait3A_188 = tpu.memref_slice %arg6[%arg0, %mul3A_176, %dma_wait3A_187] : memref<2x10240x128xf32, #tpu.memory_space<hbm>> -> memref<1x640x128xf32, #tpu.memory_space<hbm>>
      %dma_wait3A_189 = tpu.memref_squeeze %dma_wait3A_188 : memref<1x640x128xf32, #tpu.memory_space<hbm>> -> memref<640x128xf32, #tpu.memory_space<hbm>>
      %dma_wait3A_190 = arith.constant 0 : i32
      %dma_wait3A_191 = tpu.memref_slice %arg15[%mul3A_174, %dma_wait3A_190] : memref<10240x128xf32, #tpu.memory_space<vmem_shared>> -> memref<640x128xf32, #tpu.memory_space<vmem_shared>>
      tpu.wait_dma2 semaphore(%run_scoped3A_181 : memref<!tpu.dma_semaphore, #tpu.memory_space<semaphore_mem>>) src(%dma_wait3A_191 : memref<640x128xf32, #tpu.memory_space<vmem_shared>>) dst(%dma_wait3A_189 : memref<640x128xf32, #tpu.memory_space<hbm>>)
      tpu.yield
    }) : () -> ()
    %mul3A_177 = arith.constant 640 : i32
    %mul3A_178 = arith.muli %arg1, %mul3A_177 : i32
    %mul3A_179 = arith.constant 640 : i32
    %mul3A_180 = arith.muli %arg1, %mul3A_179 : i32
    "tpu.region"() ({
      %run_scoped3A_181 = tpu.sem_alloc : memref<!tpu.dma_semaphore, #tpu.memory_space<semaphore_mem>>
      %dma_start3A_182 = arith.constant 0 : i32
      %dma_start3A_183 = tpu.memref_slice %arg7[%arg0, %mul3A_180, %dma_start3A_182] : memref<2x10240x8xf32, #tpu.memory_space<hbm>> -> memref<1x640x8xf32, #tpu.memory_space<hbm>>
      %dma_start3A_184 = tpu.memref_squeeze %dma_start3A_183 : memref<1x640x8xf32, #tpu.memory_space<hbm>> -> memref<640x8xf32, #tpu.memory_space<hbm>>
      %dma_start3A_185 = arith.constant 0 : i32
      %dma_start3A_186 = tpu.memref_slice %arg16[%mul3A_178, %dma_start3A_185] : memref<10240x8xf32, #tpu.memory_space<vmem_shared>> -> memref<640x8xf32, #tpu.memory_space<vmem_shared>>
      tpu.enqueue_dma source(%dma_start3A_186 : memref<640x8xf32, #tpu.memory_space<vmem_shared>>) target(%dma_start3A_184 : memref<640x8xf32, #tpu.memory_space<hbm>>) target_semaphore(%run_scoped3A_181 : memref<!tpu.dma_semaphore, #tpu.memory_space<semaphore_mem>>)
      %dma_wait3A_187 = arith.constant 0 : i32
      %dma_wait3A_188 = tpu.memref_slice %arg7[%arg0, %mul3A_180, %dma_wait3A_187] : memref<2x10240x8xf32, #tpu.memory_space<hbm>> -> memref<1x640x8xf32, #tpu.memory_space<hbm>>
      %dma_wait3A_189 = tpu.memref_squeeze %dma_wait3A_188 : memref<1x640x8xf32, #tpu.memory_space<hbm>> -> memref<640x8xf32, #tpu.memory_space<hbm>>
      %dma_wait3A_190 = arith.constant 0 : i32
      %dma_wait3A_191 = tpu.memref_slice %arg16[%mul3A_178, %dma_wait3A_190] : memref<10240x8xf32, #tpu.memory_space<vmem_shared>> -> memref<640x8xf32, #tpu.memory_space<vmem_shared>>
      tpu.wait_dma2 semaphore(%run_scoped3A_181 : memref<!tpu.dma_semaphore, #tpu.memory_space<semaphore_mem>>) src(%dma_wait3A_191 : memref<640x8xf32, #tpu.memory_space<vmem_shared>>) dst(%dma_wait3A_189 : memref<640x8xf32, #tpu.memory_space<hbm>>)
      tpu.yield
    }) : () -> ()
    return
  }
}

module attributes {stable_mosaic.version = 14 : i64} {
  func.func @_tc_body(%arg0: i32, %arg1: memref<2x10xi32, #tpu.memory_space<smem>>, %arg2: memref<2x1000x128xf32, #tpu.memory_space<vmem>>, %arg3: memref<2x1000x8xf32, #tpu.memory_space<vmem>>, %arg4: memref<1000x128xf32, #tpu.memory_space<vmem>>, %arg5: memref<1x1000x1xi32, #tpu.memory_space<vmem>>, %arg6: memref<128x128xf32, #tpu.memory_space<vmem>>, %arg7: memref<128x128xf32, #tpu.memory_space<vmem>>, %arg8: memref<1x128xf32, #tpu.memory_space<vmem>>, %arg9: memref<128x8xf32, #tpu.memory_space<vmem>>, %arg10: memref<1x8xf32, #tpu.memory_space<vmem>>, %arg11: memref<64x2xf32, #tpu.memory_space<vmem>>, %arg12: memref<64x128xf32, #tpu.memory_space<vmem>>) attributes {dimension_semantics = [#tpu.dimension_semantics<arbitrary>], iteration_bounds = array<i64: 10>, scalar_prefetch = 1 : i64, scratch_operands = 1 : i64, tpu.core_type = #tpu.core_type<tc>, window_params = [{transform_indices = @transform_0, window_bounds = array<i64: 2, 1000, 128>}, {transform_indices = @transform_1, window_bounds = array<i64: 2, 1000, 8>}, {transform_indices = @transform_2, window_bounds = array<i64: 1000, 128>}, {transform_indices = @transform_3, window_bounds = array<i64: 1, 1000, 1>}, {pipeline_mode = #tpu.pipeline_mode<synchronous>, transform_indices = @transform_4, window_bounds = array<i64: 128, 128>}, {pipeline_mode = #tpu.pipeline_mode<synchronous>, transform_indices = @transform_5, window_bounds = array<i64: 128, 128>}, {pipeline_mode = #tpu.pipeline_mode<synchronous>, transform_indices = @transform_6, window_bounds = array<i64: 1, 128>}, {pipeline_mode = #tpu.pipeline_mode<synchronous>, transform_indices = @transform_7, window_bounds = array<i64: 128, 8>}, {pipeline_mode = #tpu.pipeline_mode<synchronous>, transform_indices = @transform_8, window_bounds = array<i64: 1, 8>}, {pipeline_mode = #tpu.pipeline_mode<synchronous>, transform_indices = @transform_9, window_bounds = array<i64: 64, 2>}]} {
    %eq3A = arith.constant 0 : i32
    %eq3A_0 = arith.cmpi eq, %arg0, %eq3A : i32
    %convert_element_type3A = arith.extui %eq3A_0 : i1 to i32
    %cond3A = arith.constant 0 : i32
    %cond3A_1 = arith.cmpi ne, %convert_element_type3A, %cond3A : i32
    scf.if %cond3A_1 {
      %broadcast_in_dim3A = arith.constant 0.000000e+00 : f32
      %broadcast_in_dim3A_442 = vector.broadcast %broadcast_in_dim3A : f32 to vector<64x128xf32>
      %swap3A = arith.constant 0 : index
      %swap3A_443 = arith.constant 0 : index
      %swap3A_444 = vector.load %arg12[%swap3A, %swap3A_443] : memref<64x128xf32, #tpu.memory_space<vmem>>, vector<64x128xf32>
      tpu.vector_store %arg12[%swap3A, %swap3A_443], %broadcast_in_dim3A_442 {strides = array<i32>} : memref<64x128xf32, #tpu.memory_space<vmem>>, vector<64x128xf32>,
    } else {
    }
    %get3A = arith.constant 0 : index
    %get3A_2 = arith.constant 0 : index
    %get3A_3 = arith.constant 0 : index
    %get3A_4 = vector.load %arg2[%get3A, %get3A_2, %get3A_3] : memref<2x1000x128xf32, #tpu.memory_space<vmem>>, vector<1x1000x128xf32>
    %get3A_5 = vector.shape_cast %get3A_4 : vector<1x1000x128xf32> to vector<1000x128xf32>
    %get3A_6 = arith.constant 1 : index
    %get3A_7 = arith.constant 0 : index
    %get3A_8 = arith.constant 0 : index
    %get3A_9 = vector.load %arg2[%get3A_6, %get3A_7, %get3A_8] : memref<2x1000x128xf32, #tpu.memory_space<vmem>>, vector<1x1000x128xf32>
    %get3A_10 = vector.shape_cast %get3A_9 : vector<1x1000x128xf32> to vector<1000x128xf32>
    %add3A = arith.addf %get3A_5, %get3A_10 : vector<1000x128xf32>
    %get3A_11 = arith.constant 0 : index
    %get3A_12 = arith.constant 0 : index
    %get3A_13 = arith.constant 0 : index
    %get3A_14 = vector.load %arg3[%get3A_11, %get3A_12, %get3A_13] : memref<2x1000x8xf32, #tpu.memory_space<vmem>>, vector<1x1000x8xf32>
    %get3A_15 = vector.shape_cast %get3A_14 : vector<1x1000x8xf32> to vector<1000x8xf32>
    %get3A_16 = arith.constant 1 : index
    %get3A_17 = arith.constant 0 : index
    %get3A_18 = arith.constant 0 : index
    %get3A_19 = vector.load %arg3[%get3A_16, %get3A_17, %get3A_18] : memref<2x1000x8xf32, #tpu.memory_space<vmem>>, vector<1x1000x8xf32>
    %get3A_20 = vector.shape_cast %get3A_19 : vector<1x1000x8xf32> to vector<1000x8xf32>
    %add3A_21 = arith.addf %get3A_15, %get3A_20 : vector<1000x8xf32>
    %slice3A = vector.extract_strided_slice %add3A_21 {offsets = [0, 0], sizes = [1000, 1], strides = [1, 1]} : vector<1000x8xf32> to vector<1000x1xf32>
    %max3A = arith.constant 1.000000e+00 : f32
    %max3A_22 = vector.broadcast %max3A : f32 to vector<1000x1xf32>
    %max3A_23 = arith.maximumf %slice3A, %max3A_22 : vector<1000x1xf32>
    %div3A = vector.broadcast %max3A_23 : vector<1000x1xf32> to vector<1000x128xf32>
    %div3A_24 = arith.divf %add3A, %div3A : vector<1000x128xf32>
    %get3A_25 = arith.constant 0 : index
    %get3A_26 = arith.constant 0 : index
    %get3A_27 = vector.load %arg6[%get3A_25, %get3A_26] : memref<128x128xf32, #tpu.memory_space<vmem>>, vector<128x128xf32>
    %dot_general3A = arith.constant dense<0.000000e+00> : vector<1000x128xf32>
    %dot_general3A_28 = tpu.matmul %div3A_24, %get3A_27, %dot_general3A {dimension_numbers = #tpu.dot_dimension_numbers<[1], [0], [0], [1], [0, 0, 1, 1], [], []>, transpose_lhs_hint = false} : vector<1000x128xf32>, vector<128x128xf32>, vector<1000x128xf32> -> vector<1000x128xf32>
    %get3A_29 = arith.constant 0 : index
    %get3A_30 = arith.constant 0 : index
    %get3A_31 = vector.load %arg4[%get3A_29, %get3A_30] : memref<1000x128xf32, #tpu.memory_space<vmem>>, vector<1000x128xf32>
    %get3A_32 = arith.constant 0 : index
    %get3A_33 = arith.constant 0 : index
    %get3A_34 = vector.load %arg7[%get3A_32, %get3A_33] : memref<128x128xf32, #tpu.memory_space<vmem>>, vector<128x128xf32>
    %dot_general3A_35 = arith.constant dense<0.000000e+00> : vector<1000x128xf32>
    %dot_general3A_36 = tpu.matmul %get3A_31, %get3A_34, %dot_general3A_35 {dimension_numbers = #tpu.dot_dimension_numbers<[1], [0], [0], [1], [0, 0, 1, 1], [], []>, transpose_lhs_hint = false} : vector<1000x128xf32>, vector<128x128xf32>, vector<1000x128xf32> -> vector<1000x128xf32>
    %add3A_37 = arith.addf %dot_general3A_28, %dot_general3A_36 : vector<1000x128xf32>
    %get3A_38 = arith.constant 0 : index
    %get3A_39 = arith.constant 0 : index
    %get3A_40 = vector.load %arg8[%get3A_38, %get3A_39] : memref<1x128xf32, #tpu.memory_space<vmem>>, vector<1x128xf32>
    %add3A_41 = vector.broadcast %get3A_40 : vector<1x128xf32> to vector<1000x128xf32>
    %add3A_42 = arith.addf %add3A_37, %add3A_41 : vector<1000x128xf32>
    %get3A_43 = arith.constant 0 : index
    %get3A_44 = arith.constant 0 : index
    %get3A_45 = arith.constant 0 : index
    %get3A_46 = vector.load %arg5[%get3A_43, %get3A_44, %get3A_45] : memref<1x1000x1xi32, #tpu.memory_space<vmem>>, vector<1x1000x1xi32>
    %get3A_47 = vector.shape_cast %get3A_46 : vector<1x1000x1xi32> to vector<1000x1xi32>
    %get3A_48 = arith.constant 0 : index
    %get3A_49 = arith.index_cast %arg0 : i32 to index
    %get3A_50 = memref.load %arg1[%get3A_48, %get3A_49] : memref<2x10xi32, #tpu.memory_space<smem>>
    %get3A_51 = arith.constant 1 : index
    %get3A_52 = arith.index_cast %arg0 : i32 to index
    %get3A_53 = memref.load %arg1[%get3A_51, %get3A_52] : memref<2x10xi32, #tpu.memory_space<smem>>
    %add3A_54 = arith.constant 0 : i32
    %add3A_55 = arith.addi %get3A_50, %add3A_54 : i32
    %le3A = arith.cmpi sle, %add3A_55, %get3A_53 : i32
    %convert_element_type3A_56 = arith.extui %le3A : i1 to i32
    %cond3A_57 = arith.constant 0 : i32
    %cond3A_58 = arith.cmpi ne, %convert_element_type3A_56, %cond3A_57 : i32
    scf.if %cond3A_58 {
      %eq3A_442 = vector.broadcast %add3A_55 : i32 to vector<1000x1xi32>
      %eq3A_443 = arith.cmpi eq, %get3A_47, %eq3A_442 : vector<1000x1xi32>
      %jit3A = arith.constant 0.000000e+00 : f32
      %broadcast_in_dim3A = vector.shape_cast %eq3A_443 : vector<1000x1xi1> to vector<1000x1xi1>
      %broadcast_in_dim3A_444 = vector.broadcast %broadcast_in_dim3A : vector<1000x1xi1> to vector<1000x128xi1>
      %broadcast_in_dim3A_445 = vector.broadcast %jit3A : f32 to vector<1000x128xf32>
      %select_n3A = arith.select %broadcast_in_dim3A_444, %add3A_42, %broadcast_in_dim3A_445 : vector<1000x128xi1>, vector<1000x128xf32>
      %reduce_max3A = arith.constant dense<0xFF800000> : vector<128xf32>
      %reduce_max3A_446 = vector.multi_reduction <maximumf>, %select_n3A, %reduce_max3A [0] : vector<1000x128xf32> to vector<128xf32>
      %broadcast_in_dim3A_447 = vector.shape_cast %reduce_max3A_446 : vector<128xf32> to vector<1x128xf32>
      %get3A_448 = arith.index_cast %add3A_55 : i32 to index
      %get3A_449 = arith.constant 0 : index
      %get3A_450 = vector.load %arg12[%get3A_448, %get3A_449] : memref<64x128xf32, #tpu.memory_space<vmem>>, vector<1x128xf32>
      %max3A_451 = arith.maximumf %get3A_450, %broadcast_in_dim3A_447 : vector<1x128xf32>
      %swap3A = arith.index_cast %add3A_55 : i32 to index
      %swap3A_452 = arith.constant 0 : index
      %swap3A_453 = vector.load %arg12[%swap3A, %swap3A_452] : memref<64x128xf32, #tpu.memory_space<vmem>>, vector<1x128xf32>
      tpu.vector_store %arg12[%swap3A, %swap3A_452], %max3A_451 {strides = array<i32>} : memref<64x128xf32, #tpu.memory_space<vmem>>, vector<1x128xf32>,
    } else {
    }
    %add3A_59 = arith.constant 1 : i32
    %add3A_60 = arith.addi %get3A_50, %add3A_59 : i32
    %le3A_61 = arith.cmpi sle, %add3A_60, %get3A_53 : i32
    %convert_element_type3A_62 = arith.extui %le3A_61 : i1 to i32
    %cond3A_63 = arith.constant 0 : i32
    %cond3A_64 = arith.cmpi ne, %convert_element_type3A_62, %cond3A_63 : i32
    scf.if %cond3A_64 {
      %eq3A_442 = vector.broadcast %add3A_60 : i32 to vector<1000x1xi32>
      %eq3A_443 = arith.cmpi eq, %get3A_47, %eq3A_442 : vector<1000x1xi32>
      %jit3A = arith.constant 0.000000e+00 : f32
      %broadcast_in_dim3A = vector.shape_cast %eq3A_443 : vector<1000x1xi1> to vector<1000x1xi1>
      %broadcast_in_dim3A_444 = vector.broadcast %broadcast_in_dim3A : vector<1000x1xi1> to vector<1000x128xi1>
      %broadcast_in_dim3A_445 = vector.broadcast %jit3A : f32 to vector<1000x128xf32>
      %select_n3A = arith.select %broadcast_in_dim3A_444, %add3A_42, %broadcast_in_dim3A_445 : vector<1000x128xi1>, vector<1000x128xf32>
      %reduce_max3A = arith.constant dense<0xFF800000> : vector<128xf32>
      %reduce_max3A_446 = vector.multi_reduction <maximumf>, %select_n3A, %reduce_max3A [0] : vector<1000x128xf32> to vector<128xf32>
      %broadcast_in_dim3A_447 = vector.shape_cast %reduce_max3A_446 : vector<128xf32> to vector<1x128xf32>
      %get3A_448 = arith.index_cast %add3A_60 : i32 to index
      %get3A_449 = arith.constant 0 : index
      %get3A_450 = vector.load %arg12[%get3A_448, %get3A_449] : memref<64x128xf32, #tpu.memory_space<vmem>>, vector<1x128xf32>
      %max3A_451 = arith.maximumf %get3A_450, %broadcast_in_dim3A_447 : vector<1x128xf32>
      %swap3A = arith.index_cast %add3A_60 : i32 to index
      %swap3A_452 = arith.constant 0 : index
      %swap3A_453 = vector.load %arg12[%swap3A, %swap3A_452] : memref<64x128xf32, #tpu.memory_space<vmem>>, vector<1x128xf32>
      tpu.vector_store %arg12[%swap3A, %swap3A_452], %max3A_451 {strides = array<i32>} : memref<64x128xf32, #tpu.memory_space<vmem>>, vector<1x128xf32>,
    } else {
    }
    %add3A_65 = arith.constant 2 : i32
    %add3A_66 = arith.addi %get3A_50, %add3A_65 : i32
    %le3A_67 = arith.cmpi sle, %add3A_66, %get3A_53 : i32
    %convert_element_type3A_68 = arith.extui %le3A_67 : i1 to i32
    %cond3A_69 = arith.constant 0 : i32
    %cond3A_70 = arith.cmpi ne, %convert_element_type3A_68, %cond3A_69 : i32
    scf.if %cond3A_70 {
      %eq3A_442 = vector.broadcast %add3A_66 : i32 to vector<1000x1xi32>
      %eq3A_443 = arith.cmpi eq, %get3A_47, %eq3A_442 : vector<1000x1xi32>
      %jit3A = arith.constant 0.000000e+00 : f32
      %broadcast_in_dim3A = vector.shape_cast %eq3A_443 : vector<1000x1xi1> to vector<1000x1xi1>
      %broadcast_in_dim3A_444 = vector.broadcast %broadcast_in_dim3A : vector<1000x1xi1> to vector<1000x128xi1>
      %broadcast_in_dim3A_445 = vector.broadcast %jit3A : f32 to vector<1000x128xf32>
      %select_n3A = arith.select %broadcast_in_dim3A_444, %add3A_42, %broadcast_in_dim3A_445 : vector<1000x128xi1>, vector<1000x128xf32>
      %reduce_max3A = arith.constant dense<0xFF800000> : vector<128xf32>
      %reduce_max3A_446 = vector.multi_reduction <maximumf>, %select_n3A, %reduce_max3A [0] : vector<1000x128xf32> to vector<128xf32>
      %broadcast_in_dim3A_447 = vector.shape_cast %reduce_max3A_446 : vector<128xf32> to vector<1x128xf32>
      %get3A_448 = arith.index_cast %add3A_66 : i32 to index
      %get3A_449 = arith.constant 0 : index
      %get3A_450 = vector.load %arg12[%get3A_448, %get3A_449] : memref<64x128xf32, #tpu.memory_space<vmem>>, vector<1x128xf32>
      %max3A_451 = arith.maximumf %get3A_450, %broadcast_in_dim3A_447 : vector<1x128xf32>
      %swap3A = arith.index_cast %add3A_66 : i32 to index
      %swap3A_452 = arith.constant 0 : index
      %swap3A_453 = vector.load %arg12[%swap3A, %swap3A_452] : memref<64x128xf32, #tpu.memory_space<vmem>>, vector<1x128xf32>
      tpu.vector_store %arg12[%swap3A, %swap3A_452], %max3A_451 {strides = array<i32>} : memref<64x128xf32, #tpu.memory_space<vmem>>, vector<1x128xf32>,
    } else {
    }
    %add3A_71 = arith.constant 3 : i32
    %add3A_72 = arith.addi %get3A_50, %add3A_71 : i32
    %le3A_73 = arith.cmpi sle, %add3A_72, %get3A_53 : i32
    %convert_element_type3A_74 = arith.extui %le3A_73 : i1 to i32
    %cond3A_75 = arith.constant 0 : i32
    %cond3A_76 = arith.cmpi ne, %convert_element_type3A_74, %cond3A_75 : i32
    scf.if %cond3A_76 {
      %eq3A_442 = vector.broadcast %add3A_72 : i32 to vector<1000x1xi32>
      %eq3A_443 = arith.cmpi eq, %get3A_47, %eq3A_442 : vector<1000x1xi32>
      %jit3A = arith.constant 0.000000e+00 : f32
      %broadcast_in_dim3A = vector.shape_cast %eq3A_443 : vector<1000x1xi1> to vector<1000x1xi1>
      %broadcast_in_dim3A_444 = vector.broadcast %broadcast_in_dim3A : vector<1000x1xi1> to vector<1000x128xi1>
      %broadcast_in_dim3A_445 = vector.broadcast %jit3A : f32 to vector<1000x128xf32>
      %select_n3A = arith.select %broadcast_in_dim3A_444, %add3A_42, %broadcast_in_dim3A_445 : vector<1000x128xi1>, vector<1000x128xf32>
      %reduce_max3A = arith.constant dense<0xFF800000> : vector<128xf32>
      %reduce_max3A_446 = vector.multi_reduction <maximumf>, %select_n3A, %reduce_max3A [0] : vector<1000x128xf32> to vector<128xf32>
      %broadcast_in_dim3A_447 = vector.shape_cast %reduce_max3A_446 : vector<128xf32> to vector<1x128xf32>
      %get3A_448 = arith.index_cast %add3A_72 : i32 to index
      %get3A_449 = arith.constant 0 : index
      %get3A_450 = vector.load %arg12[%get3A_448, %get3A_449] : memref<64x128xf32, #tpu.memory_space<vmem>>, vector<1x128xf32>
      %max3A_451 = arith.maximumf %get3A_450, %broadcast_in_dim3A_447 : vector<1x128xf32>
      %swap3A = arith.index_cast %add3A_72 : i32 to index
      %swap3A_452 = arith.constant 0 : index
      %swap3A_453 = vector.load %arg12[%swap3A, %swap3A_452] : memref<64x128xf32, #tpu.memory_space<vmem>>, vector<1x128xf32>
      tpu.vector_store %arg12[%swap3A, %swap3A_452], %max3A_451 {strides = array<i32>} : memref<64x128xf32, #tpu.memory_space<vmem>>, vector<1x128xf32>,
    } else {
    }
    %add3A_77 = arith.constant 4 : i32
    %add3A_78 = arith.addi %get3A_50, %add3A_77 : i32
    %le3A_79 = arith.cmpi sle, %add3A_78, %get3A_53 : i32
    %convert_element_type3A_80 = arith.extui %le3A_79 : i1 to i32
    %cond3A_81 = arith.constant 0 : i32
    %cond3A_82 = arith.cmpi ne, %convert_element_type3A_80, %cond3A_81 : i32
    scf.if %cond3A_82 {
      %eq3A_442 = vector.broadcast %add3A_78 : i32 to vector<1000x1xi32>
      %eq3A_443 = arith.cmpi eq, %get3A_47, %eq3A_442 : vector<1000x1xi32>
      %jit3A = arith.constant 0.000000e+00 : f32
      %broadcast_in_dim3A = vector.shape_cast %eq3A_443 : vector<1000x1xi1> to vector<1000x1xi1>
      %broadcast_in_dim3A_444 = vector.broadcast %broadcast_in_dim3A : vector<1000x1xi1> to vector<1000x128xi1>
      %broadcast_in_dim3A_445 = vector.broadcast %jit3A : f32 to vector<1000x128xf32>
      %select_n3A = arith.select %broadcast_in_dim3A_444, %add3A_42, %broadcast_in_dim3A_445 : vector<1000x128xi1>, vector<1000x128xf32>
      %reduce_max3A = arith.constant dense<0xFF800000> : vector<128xf32>
      %reduce_max3A_446 = vector.multi_reduction <maximumf>, %select_n3A, %reduce_max3A [0] : vector<1000x128xf32> to vector<128xf32>
      %broadcast_in_dim3A_447 = vector.shape_cast %reduce_max3A_446 : vector<128xf32> to vector<1x128xf32>
      %get3A_448 = arith.index_cast %add3A_78 : i32 to index
      %get3A_449 = arith.constant 0 : index
      %get3A_450 = vector.load %arg12[%get3A_448, %get3A_449] : memref<64x128xf32, #tpu.memory_space<vmem>>, vector<1x128xf32>
      %max3A_451 = arith.maximumf %get3A_450, %broadcast_in_dim3A_447 : vector<1x128xf32>
      %swap3A = arith.index_cast %add3A_78 : i32 to index
      %swap3A_452 = arith.constant 0 : index
      %swap3A_453 = vector.load %arg12[%swap3A, %swap3A_452] : memref<64x128xf32, #tpu.memory_space<vmem>>, vector<1x128xf32>
      tpu.vector_store %arg12[%swap3A, %swap3A_452], %max3A_451 {strides = array<i32>} : memref<64x128xf32, #tpu.memory_space<vmem>>, vector<1x128xf32>,
    } else {
    }
    %add3A_83 = arith.constant 5 : i32
    %add3A_84 = arith.addi %get3A_50, %add3A_83 : i32
    %le3A_85 = arith.cmpi sle, %add3A_84, %get3A_53 : i32
    %convert_element_type3A_86 = arith.extui %le3A_85 : i1 to i32
    %cond3A_87 = arith.constant 0 : i32
    %cond3A_88 = arith.cmpi ne, %convert_element_type3A_86, %cond3A_87 : i32
    scf.if %cond3A_88 {
      %eq3A_442 = vector.broadcast %add3A_84 : i32 to vector<1000x1xi32>
      %eq3A_443 = arith.cmpi eq, %get3A_47, %eq3A_442 : vector<1000x1xi32>
      %jit3A = arith.constant 0.000000e+00 : f32
      %broadcast_in_dim3A = vector.shape_cast %eq3A_443 : vector<1000x1xi1> to vector<1000x1xi1>
      %broadcast_in_dim3A_444 = vector.broadcast %broadcast_in_dim3A : vector<1000x1xi1> to vector<1000x128xi1>
      %broadcast_in_dim3A_445 = vector.broadcast %jit3A : f32 to vector<1000x128xf32>
      %select_n3A = arith.select %broadcast_in_dim3A_444, %add3A_42, %broadcast_in_dim3A_445 : vector<1000x128xi1>, vector<1000x128xf32>
      %reduce_max3A = arith.constant dense<0xFF800000> : vector<128xf32>
      %reduce_max3A_446 = vector.multi_reduction <maximumf>, %select_n3A, %reduce_max3A [0] : vector<1000x128xf32> to vector<128xf32>
      %broadcast_in_dim3A_447 = vector.shape_cast %reduce_max3A_446 : vector<128xf32> to vector<1x128xf32>
      %get3A_448 = arith.index_cast %add3A_84 : i32 to index
      %get3A_449 = arith.constant 0 : index
      %get3A_450 = vector.load %arg12[%get3A_448, %get3A_449] : memref<64x128xf32, #tpu.memory_space<vmem>>, vector<1x128xf32>
      %max3A_451 = arith.maximumf %get3A_450, %broadcast_in_dim3A_447 : vector<1x128xf32>
      %swap3A = arith.index_cast %add3A_84 : i32 to index
      %swap3A_452 = arith.constant 0 : index
      %swap3A_453 = vector.load %arg12[%swap3A, %swap3A_452] : memref<64x128xf32, #tpu.memory_space<vmem>>, vector<1x128xf32>
      tpu.vector_store %arg12[%swap3A, %swap3A_452], %max3A_451 {strides = array<i32>} : memref<64x128xf32, #tpu.memory_space<vmem>>, vector<1x128xf32>,
    } else {
    }
    %add3A_89 = arith.constant 6 : i32
    %add3A_90 = arith.addi %get3A_50, %add3A_89 : i32
    %le3A_91 = arith.cmpi sle, %add3A_90, %get3A_53 : i32
    %convert_element_type3A_92 = arith.extui %le3A_91 : i1 to i32
    %cond3A_93 = arith.constant 0 : i32
    %cond3A_94 = arith.cmpi ne, %convert_element_type3A_92, %cond3A_93 : i32
    scf.if %cond3A_94 {
      %eq3A_442 = vector.broadcast %add3A_90 : i32 to vector<1000x1xi32>
      %eq3A_443 = arith.cmpi eq, %get3A_47, %eq3A_442 : vector<1000x1xi32>
      %jit3A = arith.constant 0.000000e+00 : f32
      %broadcast_in_dim3A = vector.shape_cast %eq3A_443 : vector<1000x1xi1> to vector<1000x1xi1>
      %broadcast_in_dim3A_444 = vector.broadcast %broadcast_in_dim3A : vector<1000x1xi1> to vector<1000x128xi1>
      %broadcast_in_dim3A_445 = vector.broadcast %jit3A : f32 to vector<1000x128xf32>
      %select_n3A = arith.select %broadcast_in_dim3A_444, %add3A_42, %broadcast_in_dim3A_445 : vector<1000x128xi1>, vector<1000x128xf32>
      %reduce_max3A = arith.constant dense<0xFF800000> : vector<128xf32>
      %reduce_max3A_446 = vector.multi_reduction <maximumf>, %select_n3A, %reduce_max3A [0] : vector<1000x128xf32> to vector<128xf32>
      %broadcast_in_dim3A_447 = vector.shape_cast %reduce_max3A_446 : vector<128xf32> to vector<1x128xf32>
      %get3A_448 = arith.index_cast %add3A_90 : i32 to index
      %get3A_449 = arith.constant 0 : index
      %get3A_450 = vector.load %arg12[%get3A_448, %get3A_449] : memref<64x128xf32, #tpu.memory_space<vmem>>, vector<1x128xf32>
      %max3A_451 = arith.maximumf %get3A_450, %broadcast_in_dim3A_447 : vector<1x128xf32>
      %swap3A = arith.index_cast %add3A_90 : i32 to index
      %swap3A_452 = arith.constant 0 : index
      %swap3A_453 = vector.load %arg12[%swap3A, %swap3A_452] : memref<64x128xf32, #tpu.memory_space<vmem>>, vector<1x128xf32>
      tpu.vector_store %arg12[%swap3A, %swap3A_452], %max3A_451 {strides = array<i32>} : memref<64x128xf32, #tpu.memory_space<vmem>>, vector<1x128xf32>,
    } else {
    }
    %add3A_95 = arith.constant 7 : i32
    %add3A_96 = arith.addi %get3A_50, %add3A_95 : i32
    %le3A_97 = arith.cmpi sle, %add3A_96, %get3A_53 : i32
    %convert_element_type3A_98 = arith.extui %le3A_97 : i1 to i32
    %cond3A_99 = arith.constant 0 : i32
    %cond3A_100 = arith.cmpi ne, %convert_element_type3A_98, %cond3A_99 : i32
    scf.if %cond3A_100 {
      %eq3A_442 = vector.broadcast %add3A_96 : i32 to vector<1000x1xi32>
      %eq3A_443 = arith.cmpi eq, %get3A_47, %eq3A_442 : vector<1000x1xi32>
      %jit3A = arith.constant 0.000000e+00 : f32
      %broadcast_in_dim3A = vector.shape_cast %eq3A_443 : vector<1000x1xi1> to vector<1000x1xi1>
      %broadcast_in_dim3A_444 = vector.broadcast %broadcast_in_dim3A : vector<1000x1xi1> to vector<1000x128xi1>
      %broadcast_in_dim3A_445 = vector.broadcast %jit3A : f32 to vector<1000x128xf32>
      %select_n3A = arith.select %broadcast_in_dim3A_444, %add3A_42, %broadcast_in_dim3A_445 : vector<1000x128xi1>, vector<1000x128xf32>
      %reduce_max3A = arith.constant dense<0xFF800000> : vector<128xf32>
      %reduce_max3A_446 = vector.multi_reduction <maximumf>, %select_n3A, %reduce_max3A [0] : vector<1000x128xf32> to vector<128xf32>
      %broadcast_in_dim3A_447 = vector.shape_cast %reduce_max3A_446 : vector<128xf32> to vector<1x128xf32>
      %get3A_448 = arith.index_cast %add3A_96 : i32 to index
      %get3A_449 = arith.constant 0 : index
      %get3A_450 = vector.load %arg12[%get3A_448, %get3A_449] : memref<64x128xf32, #tpu.memory_space<vmem>>, vector<1x128xf32>
      %max3A_451 = arith.maximumf %get3A_450, %broadcast_in_dim3A_447 : vector<1x128xf32>
      %swap3A = arith.index_cast %add3A_96 : i32 to index
      %swap3A_452 = arith.constant 0 : index
      %swap3A_453 = vector.load %arg12[%swap3A, %swap3A_452] : memref<64x128xf32, #tpu.memory_space<vmem>>, vector<1x128xf32>
      tpu.vector_store %arg12[%swap3A, %swap3A_452], %max3A_451 {strides = array<i32>} : memref<64x128xf32, #tpu.memory_space<vmem>>, vector<1x128xf32>,
    } else {
    }
    %add3A_101 = arith.constant 8 : i32
    %add3A_102 = arith.addi %get3A_50, %add3A_101 : i32
    %le3A_103 = arith.cmpi sle, %add3A_102, %get3A_53 : i32
    %convert_element_type3A_104 = arith.extui %le3A_103 : i1 to i32
    %cond3A_105 = arith.constant 0 : i32
    %cond3A_106 = arith.cmpi ne, %convert_element_type3A_104, %cond3A_105 : i32
    scf.if %cond3A_106 {
      %eq3A_442 = vector.broadcast %add3A_102 : i32 to vector<1000x1xi32>
      %eq3A_443 = arith.cmpi eq, %get3A_47, %eq3A_442 : vector<1000x1xi32>
      %jit3A = arith.constant 0.000000e+00 : f32
      %broadcast_in_dim3A = vector.shape_cast %eq3A_443 : vector<1000x1xi1> to vector<1000x1xi1>
      %broadcast_in_dim3A_444 = vector.broadcast %broadcast_in_dim3A : vector<1000x1xi1> to vector<1000x128xi1>
      %broadcast_in_dim3A_445 = vector.broadcast %jit3A : f32 to vector<1000x128xf32>
      %select_n3A = arith.select %broadcast_in_dim3A_444, %add3A_42, %broadcast_in_dim3A_445 : vector<1000x128xi1>, vector<1000x128xf32>
      %reduce_max3A = arith.constant dense<0xFF800000> : vector<128xf32>
      %reduce_max3A_446 = vector.multi_reduction <maximumf>, %select_n3A, %reduce_max3A [0] : vector<1000x128xf32> to vector<128xf32>
      %broadcast_in_dim3A_447 = vector.shape_cast %reduce_max3A_446 : vector<128xf32> to vector<1x128xf32>
      %get3A_448 = arith.index_cast %add3A_102 : i32 to index
      %get3A_449 = arith.constant 0 : index
      %get3A_450 = vector.load %arg12[%get3A_448, %get3A_449] : memref<64x128xf32, #tpu.memory_space<vmem>>, vector<1x128xf32>
      %max3A_451 = arith.maximumf %get3A_450, %broadcast_in_dim3A_447 : vector<1x128xf32>
      %swap3A = arith.index_cast %add3A_102 : i32 to index
      %swap3A_452 = arith.constant 0 : index
      %swap3A_453 = vector.load %arg12[%swap3A, %swap3A_452] : memref<64x128xf32, #tpu.memory_space<vmem>>, vector<1x128xf32>
      tpu.vector_store %arg12[%swap3A, %swap3A_452], %max3A_451 {strides = array<i32>} : memref<64x128xf32, #tpu.memory_space<vmem>>, vector<1x128xf32>,
    } else {
    }
    %add3A_107 = arith.constant 9 : i32
    %add3A_108 = arith.addi %get3A_50, %add3A_107 : i32
    %le3A_109 = arith.cmpi sle, %add3A_108, %get3A_53 : i32
    %convert_element_type3A_110 = arith.extui %le3A_109 : i1 to i32
    %cond3A_111 = arith.constant 0 : i32
    %cond3A_112 = arith.cmpi ne, %convert_element_type3A_110, %cond3A_111 : i32
    scf.if %cond3A_112 {
      %eq3A_442 = vector.broadcast %add3A_108 : i32 to vector<1000x1xi32>
      %eq3A_443 = arith.cmpi eq, %get3A_47, %eq3A_442 : vector<1000x1xi32>
      %jit3A = arith.constant 0.000000e+00 : f32
      %broadcast_in_dim3A = vector.shape_cast %eq3A_443 : vector<1000x1xi1> to vector<1000x1xi1>
      %broadcast_in_dim3A_444 = vector.broadcast %broadcast_in_dim3A : vector<1000x1xi1> to vector<1000x128xi1>
      %broadcast_in_dim3A_445 = vector.broadcast %jit3A : f32 to vector<1000x128xf32>
      %select_n3A = arith.select %broadcast_in_dim3A_444, %add3A_42, %broadcast_in_dim3A_445 : vector<1000x128xi1>, vector<1000x128xf32>
      %reduce_max3A = arith.constant dense<0xFF800000> : vector<128xf32>
      %reduce_max3A_446 = vector.multi_reduction <maximumf>, %select_n3A, %reduce_max3A [0] : vector<1000x128xf32> to vector<128xf32>
      %broadcast_in_dim3A_447 = vector.shape_cast %reduce_max3A_446 : vector<128xf32> to vector<1x128xf32>
      %get3A_448 = arith.index_cast %add3A_108 : i32 to index
      %get3A_449 = arith.constant 0 : index
      %get3A_450 = vector.load %arg12[%get3A_448, %get3A_449] : memref<64x128xf32, #tpu.memory_space<vmem>>, vector<1x128xf32>
      %max3A_451 = arith.maximumf %get3A_450, %broadcast_in_dim3A_447 : vector<1x128xf32>
      %swap3A = arith.index_cast %add3A_108 : i32 to index
      %swap3A_452 = arith.constant 0 : index
      %swap3A_453 = vector.load %arg12[%swap3A, %swap3A_452] : memref<64x128xf32, #tpu.memory_space<vmem>>, vector<1x128xf32>
      tpu.vector_store %arg12[%swap3A, %swap3A_452], %max3A_451 {strides = array<i32>} : memref<64x128xf32, #tpu.memory_space<vmem>>, vector<1x128xf32>,
    } else {
    }
    %add3A_113 = arith.constant 10 : i32
    %add3A_114 = arith.addi %get3A_50, %add3A_113 : i32
    %le3A_115 = arith.cmpi sle, %add3A_114, %get3A_53 : i32
    %convert_element_type3A_116 = arith.extui %le3A_115 : i1 to i32
    %cond3A_117 = arith.constant 0 : i32
    %cond3A_118 = arith.cmpi ne, %convert_element_type3A_116, %cond3A_117 : i32
    scf.if %cond3A_118 {
      %eq3A_442 = vector.broadcast %add3A_114 : i32 to vector<1000x1xi32>
      %eq3A_443 = arith.cmpi eq, %get3A_47, %eq3A_442 : vector<1000x1xi32>
      %jit3A = arith.constant 0.000000e+00 : f32
      %broadcast_in_dim3A = vector.shape_cast %eq3A_443 : vector<1000x1xi1> to vector<1000x1xi1>
      %broadcast_in_dim3A_444 = vector.broadcast %broadcast_in_dim3A : vector<1000x1xi1> to vector<1000x128xi1>
      %broadcast_in_dim3A_445 = vector.broadcast %jit3A : f32 to vector<1000x128xf32>
      %select_n3A = arith.select %broadcast_in_dim3A_444, %add3A_42, %broadcast_in_dim3A_445 : vector<1000x128xi1>, vector<1000x128xf32>
      %reduce_max3A = arith.constant dense<0xFF800000> : vector<128xf32>
      %reduce_max3A_446 = vector.multi_reduction <maximumf>, %select_n3A, %reduce_max3A [0] : vector<1000x128xf32> to vector<128xf32>
      %broadcast_in_dim3A_447 = vector.shape_cast %reduce_max3A_446 : vector<128xf32> to vector<1x128xf32>
      %get3A_448 = arith.index_cast %add3A_114 : i32 to index
      %get3A_449 = arith.constant 0 : index
      %get3A_450 = vector.load %arg12[%get3A_448, %get3A_449] : memref<64x128xf32, #tpu.memory_space<vmem>>, vector<1x128xf32>
      %max3A_451 = arith.maximumf %get3A_450, %broadcast_in_dim3A_447 : vector<1x128xf32>
      %swap3A = arith.index_cast %add3A_114 : i32 to index
      %swap3A_452 = arith.constant 0 : index
      %swap3A_453 = vector.load %arg12[%swap3A, %swap3A_452] : memref<64x128xf32, #tpu.memory_space<vmem>>, vector<1x128xf32>
      tpu.vector_store %arg12[%swap3A, %swap3A_452], %max3A_451 {strides = array<i32>} : memref<64x128xf32, #tpu.memory_space<vmem>>, vector<1x128xf32>,
    } else {
    }
    %add3A_119 = arith.constant 11 : i32
    %add3A_120 = arith.addi %get3A_50, %add3A_119 : i32
    %le3A_121 = arith.cmpi sle, %add3A_120, %get3A_53 : i32
    %convert_element_type3A_122 = arith.extui %le3A_121 : i1 to i32
    %cond3A_123 = arith.constant 0 : i32
    %cond3A_124 = arith.cmpi ne, %convert_element_type3A_122, %cond3A_123 : i32
    scf.if %cond3A_124 {
      %eq3A_442 = vector.broadcast %add3A_120 : i32 to vector<1000x1xi32>
      %eq3A_443 = arith.cmpi eq, %get3A_47, %eq3A_442 : vector<1000x1xi32>
      %jit3A = arith.constant 0.000000e+00 : f32
      %broadcast_in_dim3A = vector.shape_cast %eq3A_443 : vector<1000x1xi1> to vector<1000x1xi1>
      %broadcast_in_dim3A_444 = vector.broadcast %broadcast_in_dim3A : vector<1000x1xi1> to vector<1000x128xi1>
      %broadcast_in_dim3A_445 = vector.broadcast %jit3A : f32 to vector<1000x128xf32>
      %select_n3A = arith.select %broadcast_in_dim3A_444, %add3A_42, %broadcast_in_dim3A_445 : vector<1000x128xi1>, vector<1000x128xf32>
      %reduce_max3A = arith.constant dense<0xFF800000> : vector<128xf32>
      %reduce_max3A_446 = vector.multi_reduction <maximumf>, %select_n3A, %reduce_max3A [0] : vector<1000x128xf32> to vector<128xf32>
      %broadcast_in_dim3A_447 = vector.shape_cast %reduce_max3A_446 : vector<128xf32> to vector<1x128xf32>
      %get3A_448 = arith.index_cast %add3A_120 : i32 to index
      %get3A_449 = arith.constant 0 : index
      %get3A_450 = vector.load %arg12[%get3A_448, %get3A_449] : memref<64x128xf32, #tpu.memory_space<vmem>>, vector<1x128xf32>
      %max3A_451 = arith.maximumf %get3A_450, %broadcast_in_dim3A_447 : vector<1x128xf32>
      %swap3A = arith.index_cast %add3A_120 : i32 to index
      %swap3A_452 = arith.constant 0 : index
      %swap3A_453 = vector.load %arg12[%swap3A, %swap3A_452] : memref<64x128xf32, #tpu.memory_space<vmem>>, vector<1x128xf32>
      tpu.vector_store %arg12[%swap3A, %swap3A_452], %max3A_451 {strides = array<i32>} : memref<64x128xf32, #tpu.memory_space<vmem>>, vector<1x128xf32>,
    } else {
    }
    %add3A_125 = arith.constant 12 : i32
    %add3A_126 = arith.addi %get3A_50, %add3A_125 : i32
    %le3A_127 = arith.cmpi sle, %add3A_126, %get3A_53 : i32
    %convert_element_type3A_128 = arith.extui %le3A_127 : i1 to i32
    %cond3A_129 = arith.constant 0 : i32
    %cond3A_130 = arith.cmpi ne, %convert_element_type3A_128, %cond3A_129 : i32
    scf.if %cond3A_130 {
      %eq3A_442 = vector.broadcast %add3A_126 : i32 to vector<1000x1xi32>
      %eq3A_443 = arith.cmpi eq, %get3A_47, %eq3A_442 : vector<1000x1xi32>
      %jit3A = arith.constant 0.000000e+00 : f32
      %broadcast_in_dim3A = vector.shape_cast %eq3A_443 : vector<1000x1xi1> to vector<1000x1xi1>
      %broadcast_in_dim3A_444 = vector.broadcast %broadcast_in_dim3A : vector<1000x1xi1> to vector<1000x128xi1>
      %broadcast_in_dim3A_445 = vector.broadcast %jit3A : f32 to vector<1000x128xf32>
      %select_n3A = arith.select %broadcast_in_dim3A_444, %add3A_42, %broadcast_in_dim3A_445 : vector<1000x128xi1>, vector<1000x128xf32>
      %reduce_max3A = arith.constant dense<0xFF800000> : vector<128xf32>
      %reduce_max3A_446 = vector.multi_reduction <maximumf>, %select_n3A, %reduce_max3A [0] : vector<1000x128xf32> to vector<128xf32>
      %broadcast_in_dim3A_447 = vector.shape_cast %reduce_max3A_446 : vector<128xf32> to vector<1x128xf32>
      %get3A_448 = arith.index_cast %add3A_126 : i32 to index
      %get3A_449 = arith.constant 0 : index
      %get3A_450 = vector.load %arg12[%get3A_448, %get3A_449] : memref<64x128xf32, #tpu.memory_space<vmem>>, vector<1x128xf32>
      %max3A_451 = arith.maximumf %get3A_450, %broadcast_in_dim3A_447 : vector<1x128xf32>
      %swap3A = arith.index_cast %add3A_126 : i32 to index
      %swap3A_452 = arith.constant 0 : index
      %swap3A_453 = vector.load %arg12[%swap3A, %swap3A_452] : memref<64x128xf32, #tpu.memory_space<vmem>>, vector<1x128xf32>
      tpu.vector_store %arg12[%swap3A, %swap3A_452], %max3A_451 {strides = array<i32>} : memref<64x128xf32, #tpu.memory_space<vmem>>, vector<1x128xf32>,
    } else {
    }
    %add3A_131 = arith.constant 13 : i32
    %add3A_132 = arith.addi %get3A_50, %add3A_131 : i32
    %le3A_133 = arith.cmpi sle, %add3A_132, %get3A_53 : i32
    %convert_element_type3A_134 = arith.extui %le3A_133 : i1 to i32
    %cond3A_135 = arith.constant 0 : i32
    %cond3A_136 = arith.cmpi ne, %convert_element_type3A_134, %cond3A_135 : i32
    scf.if %cond3A_136 {
      %eq3A_442 = vector.broadcast %add3A_132 : i32 to vector<1000x1xi32>
      %eq3A_443 = arith.cmpi eq, %get3A_47, %eq3A_442 : vector<1000x1xi32>
      %jit3A = arith.constant 0.000000e+00 : f32
      %broadcast_in_dim3A = vector.shape_cast %eq3A_443 : vector<1000x1xi1> to vector<1000x1xi1>
      %broadcast_in_dim3A_444 = vector.broadcast %broadcast_in_dim3A : vector<1000x1xi1> to vector<1000x128xi1>
      %broadcast_in_dim3A_445 = vector.broadcast %jit3A : f32 to vector<1000x128xf32>
      %select_n3A = arith.select %broadcast_in_dim3A_444, %add3A_42, %broadcast_in_dim3A_445 : vector<1000x128xi1>, vector<1000x128xf32>
      %reduce_max3A = arith.constant dense<0xFF800000> : vector<128xf32>
      %reduce_max3A_446 = vector.multi_reduction <maximumf>, %select_n3A, %reduce_max3A [0] : vector<1000x128xf32> to vector<128xf32>
      %broadcast_in_dim3A_447 = vector.shape_cast %reduce_max3A_446 : vector<128xf32> to vector<1x128xf32>
      %get3A_448 = arith.index_cast %add3A_132 : i32 to index
      %get3A_449 = arith.constant 0 : index
      %get3A_450 = vector.load %arg12[%get3A_448, %get3A_449] : memref<64x128xf32, #tpu.memory_space<vmem>>, vector<1x128xf32>
      %max3A_451 = arith.maximumf %get3A_450, %broadcast_in_dim3A_447 : vector<1x128xf32>
      %swap3A = arith.index_cast %add3A_132 : i32 to index
      %swap3A_452 = arith.constant 0 : index
      %swap3A_453 = vector.load %arg12[%swap3A, %swap3A_452] : memref<64x128xf32, #tpu.memory_space<vmem>>, vector<1x128xf32>
      tpu.vector_store %arg12[%swap3A, %swap3A_452], %max3A_451 {strides = array<i32>} : memref<64x128xf32, #tpu.memory_space<vmem>>, vector<1x128xf32>,
    } else {
    }
    %add3A_137 = arith.constant 14 : i32
    %add3A_138 = arith.addi %get3A_50, %add3A_137 : i32
    %le3A_139 = arith.cmpi sle, %add3A_138, %get3A_53 : i32
    %convert_element_type3A_140 = arith.extui %le3A_139 : i1 to i32
    %cond3A_141 = arith.constant 0 : i32
    %cond3A_142 = arith.cmpi ne, %convert_element_type3A_140, %cond3A_141 : i32
    scf.if %cond3A_142 {
      %eq3A_442 = vector.broadcast %add3A_138 : i32 to vector<1000x1xi32>
      %eq3A_443 = arith.cmpi eq, %get3A_47, %eq3A_442 : vector<1000x1xi32>
      %jit3A = arith.constant 0.000000e+00 : f32
      %broadcast_in_dim3A = vector.shape_cast %eq3A_443 : vector<1000x1xi1> to vector<1000x1xi1>
      %broadcast_in_dim3A_444 = vector.broadcast %broadcast_in_dim3A : vector<1000x1xi1> to vector<1000x128xi1>
      %broadcast_in_dim3A_445 = vector.broadcast %jit3A : f32 to vector<1000x128xf32>
      %select_n3A = arith.select %broadcast_in_dim3A_444, %add3A_42, %broadcast_in_dim3A_445 : vector<1000x128xi1>, vector<1000x128xf32>
      %reduce_max3A = arith.constant dense<0xFF800000> : vector<128xf32>
      %reduce_max3A_446 = vector.multi_reduction <maximumf>, %select_n3A, %reduce_max3A [0] : vector<1000x128xf32> to vector<128xf32>
      %broadcast_in_dim3A_447 = vector.shape_cast %reduce_max3A_446 : vector<128xf32> to vector<1x128xf32>
      %get3A_448 = arith.index_cast %add3A_138 : i32 to index
      %get3A_449 = arith.constant 0 : index
      %get3A_450 = vector.load %arg12[%get3A_448, %get3A_449] : memref<64x128xf32, #tpu.memory_space<vmem>>, vector<1x128xf32>
      %max3A_451 = arith.maximumf %get3A_450, %broadcast_in_dim3A_447 : vector<1x128xf32>
      %swap3A = arith.index_cast %add3A_138 : i32 to index
      %swap3A_452 = arith.constant 0 : index
      %swap3A_453 = vector.load %arg12[%swap3A, %swap3A_452] : memref<64x128xf32, #tpu.memory_space<vmem>>, vector<1x128xf32>
      tpu.vector_store %arg12[%swap3A, %swap3A_452], %max3A_451 {strides = array<i32>} : memref<64x128xf32, #tpu.memory_space<vmem>>, vector<1x128xf32>,
    } else {
    }
    %add3A_143 = arith.constant 15 : i32
    %add3A_144 = arith.addi %get3A_50, %add3A_143 : i32
    %le3A_145 = arith.cmpi sle, %add3A_144, %get3A_53 : i32
    %convert_element_type3A_146 = arith.extui %le3A_145 : i1 to i32
    %cond3A_147 = arith.constant 0 : i32
    %cond3A_148 = arith.cmpi ne, %convert_element_type3A_146, %cond3A_147 : i32
    scf.if %cond3A_148 {
      %eq3A_442 = vector.broadcast %add3A_144 : i32 to vector<1000x1xi32>
      %eq3A_443 = arith.cmpi eq, %get3A_47, %eq3A_442 : vector<1000x1xi32>
      %jit3A = arith.constant 0.000000e+00 : f32
      %broadcast_in_dim3A = vector.shape_cast %eq3A_443 : vector<1000x1xi1> to vector<1000x1xi1>
      %broadcast_in_dim3A_444 = vector.broadcast %broadcast_in_dim3A : vector<1000x1xi1> to vector<1000x128xi1>
      %broadcast_in_dim3A_445 = vector.broadcast %jit3A : f32 to vector<1000x128xf32>
      %select_n3A = arith.select %broadcast_in_dim3A_444, %add3A_42, %broadcast_in_dim3A_445 : vector<1000x128xi1>, vector<1000x128xf32>
      %reduce_max3A = arith.constant dense<0xFF800000> : vector<128xf32>
      %reduce_max3A_446 = vector.multi_reduction <maximumf>, %select_n3A, %reduce_max3A [0] : vector<1000x128xf32> to vector<128xf32>
      %broadcast_in_dim3A_447 = vector.shape_cast %reduce_max3A_446 : vector<128xf32> to vector<1x128xf32>
      %get3A_448 = arith.index_cast %add3A_144 : i32 to index
      %get3A_449 = arith.constant 0 : index
      %get3A_450 = vector.load %arg12[%get3A_448, %get3A_449] : memref<64x128xf32, #tpu.memory_space<vmem>>, vector<1x128xf32>
      %max3A_451 = arith.maximumf %get3A_450, %broadcast_in_dim3A_447 : vector<1x128xf32>
      %swap3A = arith.index_cast %add3A_144 : i32 to index
      %swap3A_452 = arith.constant 0 : index
      %swap3A_453 = vector.load %arg12[%swap3A, %swap3A_452] : memref<64x128xf32, #tpu.memory_space<vmem>>, vector<1x128xf32>
      tpu.vector_store %arg12[%swap3A, %swap3A_452], %max3A_451 {strides = array<i32>} : memref<64x128xf32, #tpu.memory_space<vmem>>, vector<1x128xf32>,
    } else {
    }
    %add3A_149 = arith.constant 16 : i32
    %add3A_150 = arith.addi %get3A_50, %add3A_149 : i32
    %le3A_151 = arith.cmpi sle, %add3A_150, %get3A_53 : i32
    %convert_element_type3A_152 = arith.extui %le3A_151 : i1 to i32
    %cond3A_153 = arith.constant 0 : i32
    %cond3A_154 = arith.cmpi ne, %convert_element_type3A_152, %cond3A_153 : i32
    scf.if %cond3A_154 {
      %eq3A_442 = vector.broadcast %add3A_150 : i32 to vector<1000x1xi32>
      %eq3A_443 = arith.cmpi eq, %get3A_47, %eq3A_442 : vector<1000x1xi32>
      %jit3A = arith.constant 0.000000e+00 : f32
      %broadcast_in_dim3A = vector.shape_cast %eq3A_443 : vector<1000x1xi1> to vector<1000x1xi1>
      %broadcast_in_dim3A_444 = vector.broadcast %broadcast_in_dim3A : vector<1000x1xi1> to vector<1000x128xi1>
      %broadcast_in_dim3A_445 = vector.broadcast %jit3A : f32 to vector<1000x128xf32>
      %select_n3A = arith.select %broadcast_in_dim3A_444, %add3A_42, %broadcast_in_dim3A_445 : vector<1000x128xi1>, vector<1000x128xf32>
      %reduce_max3A = arith.constant dense<0xFF800000> : vector<128xf32>
      %reduce_max3A_446 = vector.multi_reduction <maximumf>, %select_n3A, %reduce_max3A [0] : vector<1000x128xf32> to vector<128xf32>
      %broadcast_in_dim3A_447 = vector.shape_cast %reduce_max3A_446 : vector<128xf32> to vector<1x128xf32>
      %get3A_448 = arith.index_cast %add3A_150 : i32 to index
      %get3A_449 = arith.constant 0 : index
      %get3A_450 = vector.load %arg12[%get3A_448, %get3A_449] : memref<64x128xf32, #tpu.memory_space<vmem>>, vector<1x128xf32>
      %max3A_451 = arith.maximumf %get3A_450, %broadcast_in_dim3A_447 : vector<1x128xf32>
      %swap3A = arith.index_cast %add3A_150 : i32 to index
      %swap3A_452 = arith.constant 0 : index
      %swap3A_453 = vector.load %arg12[%swap3A, %swap3A_452] : memref<64x128xf32, #tpu.memory_space<vmem>>, vector<1x128xf32>
      tpu.vector_store %arg12[%swap3A, %swap3A_452], %max3A_451 {strides = array<i32>} : memref<64x128xf32, #tpu.memory_space<vmem>>, vector<1x128xf32>,
    } else {
    }
    %add3A_155 = arith.constant 17 : i32
    %add3A_156 = arith.addi %get3A_50, %add3A_155 : i32
    %le3A_157 = arith.cmpi sle, %add3A_156, %get3A_53 : i32
    %convert_element_type3A_158 = arith.extui %le3A_157 : i1 to i32
    %cond3A_159 = arith.constant 0 : i32
    %cond3A_160 = arith.cmpi ne, %convert_element_type3A_158, %cond3A_159 : i32
    scf.if %cond3A_160 {
      %eq3A_442 = vector.broadcast %add3A_156 : i32 to vector<1000x1xi32>
      %eq3A_443 = arith.cmpi eq, %get3A_47, %eq3A_442 : vector<1000x1xi32>
      %jit3A = arith.constant 0.000000e+00 : f32
      %broadcast_in_dim3A = vector.shape_cast %eq3A_443 : vector<1000x1xi1> to vector<1000x1xi1>
      %broadcast_in_dim3A_444 = vector.broadcast %broadcast_in_dim3A : vector<1000x1xi1> to vector<1000x128xi1>
      %broadcast_in_dim3A_445 = vector.broadcast %jit3A : f32 to vector<1000x128xf32>
      %select_n3A = arith.select %broadcast_in_dim3A_444, %add3A_42, %broadcast_in_dim3A_445 : vector<1000x128xi1>, vector<1000x128xf32>
      %reduce_max3A = arith.constant dense<0xFF800000> : vector<128xf32>
      %reduce_max3A_446 = vector.multi_reduction <maximumf>, %select_n3A, %reduce_max3A [0] : vector<1000x128xf32> to vector<128xf32>
      %broadcast_in_dim3A_447 = vector.shape_cast %reduce_max3A_446 : vector<128xf32> to vector<1x128xf32>
      %get3A_448 = arith.index_cast %add3A_156 : i32 to index
      %get3A_449 = arith.constant 0 : index
      %get3A_450 = vector.load %arg12[%get3A_448, %get3A_449] : memref<64x128xf32, #tpu.memory_space<vmem>>, vector<1x128xf32>
      %max3A_451 = arith.maximumf %get3A_450, %broadcast_in_dim3A_447 : vector<1x128xf32>
      %swap3A = arith.index_cast %add3A_156 : i32 to index
      %swap3A_452 = arith.constant 0 : index
      %swap3A_453 = vector.load %arg12[%swap3A, %swap3A_452] : memref<64x128xf32, #tpu.memory_space<vmem>>, vector<1x128xf32>
      tpu.vector_store %arg12[%swap3A, %swap3A_452], %max3A_451 {strides = array<i32>} : memref<64x128xf32, #tpu.memory_space<vmem>>, vector<1x128xf32>,
    } else {
    }
    %add3A_161 = arith.constant 18 : i32
    %add3A_162 = arith.addi %get3A_50, %add3A_161 : i32
    %le3A_163 = arith.cmpi sle, %add3A_162, %get3A_53 : i32
    %convert_element_type3A_164 = arith.extui %le3A_163 : i1 to i32
    %cond3A_165 = arith.constant 0 : i32
    %cond3A_166 = arith.cmpi ne, %convert_element_type3A_164, %cond3A_165 : i32
    scf.if %cond3A_166 {
      %eq3A_442 = vector.broadcast %add3A_162 : i32 to vector<1000x1xi32>
      %eq3A_443 = arith.cmpi eq, %get3A_47, %eq3A_442 : vector<1000x1xi32>
      %jit3A = arith.constant 0.000000e+00 : f32
      %broadcast_in_dim3A = vector.shape_cast %eq3A_443 : vector<1000x1xi1> to vector<1000x1xi1>
      %broadcast_in_dim3A_444 = vector.broadcast %broadcast_in_dim3A : vector<1000x1xi1> to vector<1000x128xi1>
      %broadcast_in_dim3A_445 = vector.broadcast %jit3A : f32 to vector<1000x128xf32>
      %select_n3A = arith.select %broadcast_in_dim3A_444, %add3A_42, %broadcast_in_dim3A_445 : vector<1000x128xi1>, vector<1000x128xf32>
      %reduce_max3A = arith.constant dense<0xFF800000> : vector<128xf32>
      %reduce_max3A_446 = vector.multi_reduction <maximumf>, %select_n3A, %reduce_max3A [0] : vector<1000x128xf32> to vector<128xf32>
      %broadcast_in_dim3A_447 = vector.shape_cast %reduce_max3A_446 : vector<128xf32> to vector<1x128xf32>
      %get3A_448 = arith.index_cast %add3A_162 : i32 to index
      %get3A_449 = arith.constant 0 : index
      %get3A_450 = vector.load %arg12[%get3A_448, %get3A_449] : memref<64x128xf32, #tpu.memory_space<vmem>>, vector<1x128xf32>
      %max3A_451 = arith.maximumf %get3A_450, %broadcast_in_dim3A_447 : vector<1x128xf32>
      %swap3A = arith.index_cast %add3A_162 : i32 to index
      %swap3A_452 = arith.constant 0 : index
      %swap3A_453 = vector.load %arg12[%swap3A, %swap3A_452] : memref<64x128xf32, #tpu.memory_space<vmem>>, vector<1x128xf32>
      tpu.vector_store %arg12[%swap3A, %swap3A_452], %max3A_451 {strides = array<i32>} : memref<64x128xf32, #tpu.memory_space<vmem>>, vector<1x128xf32>,
    } else {
    }
    %add3A_167 = arith.constant 19 : i32
    %add3A_168 = arith.addi %get3A_50, %add3A_167 : i32
    %le3A_169 = arith.cmpi sle, %add3A_168, %get3A_53 : i32
    %convert_element_type3A_170 = arith.extui %le3A_169 : i1 to i32
    %cond3A_171 = arith.constant 0 : i32
    %cond3A_172 = arith.cmpi ne, %convert_element_type3A_170, %cond3A_171 : i32
    scf.if %cond3A_172 {
      %eq3A_442 = vector.broadcast %add3A_168 : i32 to vector<1000x1xi32>
      %eq3A_443 = arith.cmpi eq, %get3A_47, %eq3A_442 : vector<1000x1xi32>
      %jit3A = arith.constant 0.000000e+00 : f32
      %broadcast_in_dim3A = vector.shape_cast %eq3A_443 : vector<1000x1xi1> to vector<1000x1xi1>
      %broadcast_in_dim3A_444 = vector.broadcast %broadcast_in_dim3A : vector<1000x1xi1> to vector<1000x128xi1>
      %broadcast_in_dim3A_445 = vector.broadcast %jit3A : f32 to vector<1000x128xf32>
      %select_n3A = arith.select %broadcast_in_dim3A_444, %add3A_42, %broadcast_in_dim3A_445 : vector<1000x128xi1>, vector<1000x128xf32>
      %reduce_max3A = arith.constant dense<0xFF800000> : vector<128xf32>
      %reduce_max3A_446 = vector.multi_reduction <maximumf>, %select_n3A, %reduce_max3A [0] : vector<1000x128xf32> to vector<128xf32>
      %broadcast_in_dim3A_447 = vector.shape_cast %reduce_max3A_446 : vector<128xf32> to vector<1x128xf32>
      %get3A_448 = arith.index_cast %add3A_168 : i32 to index
      %get3A_449 = arith.constant 0 : index
      %get3A_450 = vector.load %arg12[%get3A_448, %get3A_449] : memref<64x128xf32, #tpu.memory_space<vmem>>, vector<1x128xf32>
      %max3A_451 = arith.maximumf %get3A_450, %broadcast_in_dim3A_447 : vector<1x128xf32>
      %swap3A = arith.index_cast %add3A_168 : i32 to index
      %swap3A_452 = arith.constant 0 : index
      %swap3A_453 = vector.load %arg12[%swap3A, %swap3A_452] : memref<64x128xf32, #tpu.memory_space<vmem>>, vector<1x128xf32>
      tpu.vector_store %arg12[%swap3A, %swap3A_452], %max3A_451 {strides = array<i32>} : memref<64x128xf32, #tpu.memory_space<vmem>>, vector<1x128xf32>,
    } else {
    }
    %add3A_173 = arith.constant 20 : i32
    %add3A_174 = arith.addi %get3A_50, %add3A_173 : i32
    %le3A_175 = arith.cmpi sle, %add3A_174, %get3A_53 : i32
    %convert_element_type3A_176 = arith.extui %le3A_175 : i1 to i32
    %cond3A_177 = arith.constant 0 : i32
    %cond3A_178 = arith.cmpi ne, %convert_element_type3A_176, %cond3A_177 : i32
    scf.if %cond3A_178 {
      %eq3A_442 = vector.broadcast %add3A_174 : i32 to vector<1000x1xi32>
      %eq3A_443 = arith.cmpi eq, %get3A_47, %eq3A_442 : vector<1000x1xi32>
      %jit3A = arith.constant 0.000000e+00 : f32
      %broadcast_in_dim3A = vector.shape_cast %eq3A_443 : vector<1000x1xi1> to vector<1000x1xi1>
      %broadcast_in_dim3A_444 = vector.broadcast %broadcast_in_dim3A : vector<1000x1xi1> to vector<1000x128xi1>
      %broadcast_in_dim3A_445 = vector.broadcast %jit3A : f32 to vector<1000x128xf32>
      %select_n3A = arith.select %broadcast_in_dim3A_444, %add3A_42, %broadcast_in_dim3A_445 : vector<1000x128xi1>, vector<1000x128xf32>
      %reduce_max3A = arith.constant dense<0xFF800000> : vector<128xf32>
      %reduce_max3A_446 = vector.multi_reduction <maximumf>, %select_n3A, %reduce_max3A [0] : vector<1000x128xf32> to vector<128xf32>
      %broadcast_in_dim3A_447 = vector.shape_cast %reduce_max3A_446 : vector<128xf32> to vector<1x128xf32>
      %get3A_448 = arith.index_cast %add3A_174 : i32 to index
      %get3A_449 = arith.constant 0 : index
      %get3A_450 = vector.load %arg12[%get3A_448, %get3A_449] : memref<64x128xf32, #tpu.memory_space<vmem>>, vector<1x128xf32>
      %max3A_451 = arith.maximumf %get3A_450, %broadcast_in_dim3A_447 : vector<1x128xf32>
      %swap3A = arith.index_cast %add3A_174 : i32 to index
      %swap3A_452 = arith.constant 0 : index
      %swap3A_453 = vector.load %arg12[%swap3A, %swap3A_452] : memref<64x128xf32, #tpu.memory_space<vmem>>, vector<1x128xf32>
      tpu.vector_store %arg12[%swap3A, %swap3A_452], %max3A_451 {strides = array<i32>} : memref<64x128xf32, #tpu.memory_space<vmem>>, vector<1x128xf32>,
    } else {
    }
    %add3A_179 = arith.constant 21 : i32
    %add3A_180 = arith.addi %get3A_50, %add3A_179 : i32
    %le3A_181 = arith.cmpi sle, %add3A_180, %get3A_53 : i32
    %convert_element_type3A_182 = arith.extui %le3A_181 : i1 to i32
    %cond3A_183 = arith.constant 0 : i32
    %cond3A_184 = arith.cmpi ne, %convert_element_type3A_182, %cond3A_183 : i32
    scf.if %cond3A_184 {
      %eq3A_442 = vector.broadcast %add3A_180 : i32 to vector<1000x1xi32>
      %eq3A_443 = arith.cmpi eq, %get3A_47, %eq3A_442 : vector<1000x1xi32>
      %jit3A = arith.constant 0.000000e+00 : f32
      %broadcast_in_dim3A = vector.shape_cast %eq3A_443 : vector<1000x1xi1> to vector<1000x1xi1>
      %broadcast_in_dim3A_444 = vector.broadcast %broadcast_in_dim3A : vector<1000x1xi1> to vector<1000x128xi1>
      %broadcast_in_dim3A_445 = vector.broadcast %jit3A : f32 to vector<1000x128xf32>
      %select_n3A = arith.select %broadcast_in_dim3A_444, %add3A_42, %broadcast_in_dim3A_445 : vector<1000x128xi1>, vector<1000x128xf32>
      %reduce_max3A = arith.constant dense<0xFF800000> : vector<128xf32>
      %reduce_max3A_446 = vector.multi_reduction <maximumf>, %select_n3A, %reduce_max3A [0] : vector<1000x128xf32> to vector<128xf32>
      %broadcast_in_dim3A_447 = vector.shape_cast %reduce_max3A_446 : vector<128xf32> to vector<1x128xf32>
      %get3A_448 = arith.index_cast %add3A_180 : i32 to index
      %get3A_449 = arith.constant 0 : index
      %get3A_450 = vector.load %arg12[%get3A_448, %get3A_449] : memref<64x128xf32, #tpu.memory_space<vmem>>, vector<1x128xf32>
      %max3A_451 = arith.maximumf %get3A_450, %broadcast_in_dim3A_447 : vector<1x128xf32>
      %swap3A = arith.index_cast %add3A_180 : i32 to index
      %swap3A_452 = arith.constant 0 : index
      %swap3A_453 = vector.load %arg12[%swap3A, %swap3A_452] : memref<64x128xf32, #tpu.memory_space<vmem>>, vector<1x128xf32>
      tpu.vector_store %arg12[%swap3A, %swap3A_452], %max3A_451 {strides = array<i32>} : memref<64x128xf32, #tpu.memory_space<vmem>>, vector<1x128xf32>,
    } else {
    }
    %add3A_185 = arith.constant 22 : i32
    %add3A_186 = arith.addi %get3A_50, %add3A_185 : i32
    %le3A_187 = arith.cmpi sle, %add3A_186, %get3A_53 : i32
    %convert_element_type3A_188 = arith.extui %le3A_187 : i1 to i32
    %cond3A_189 = arith.constant 0 : i32
    %cond3A_190 = arith.cmpi ne, %convert_element_type3A_188, %cond3A_189 : i32
    scf.if %cond3A_190 {
      %eq3A_442 = vector.broadcast %add3A_186 : i32 to vector<1000x1xi32>
      %eq3A_443 = arith.cmpi eq, %get3A_47, %eq3A_442 : vector<1000x1xi32>
      %jit3A = arith.constant 0.000000e+00 : f32
      %broadcast_in_dim3A = vector.shape_cast %eq3A_443 : vector<1000x1xi1> to vector<1000x1xi1>
      %broadcast_in_dim3A_444 = vector.broadcast %broadcast_in_dim3A : vector<1000x1xi1> to vector<1000x128xi1>
      %broadcast_in_dim3A_445 = vector.broadcast %jit3A : f32 to vector<1000x128xf32>
      %select_n3A = arith.select %broadcast_in_dim3A_444, %add3A_42, %broadcast_in_dim3A_445 : vector<1000x128xi1>, vector<1000x128xf32>
      %reduce_max3A = arith.constant dense<0xFF800000> : vector<128xf32>
      %reduce_max3A_446 = vector.multi_reduction <maximumf>, %select_n3A, %reduce_max3A [0] : vector<1000x128xf32> to vector<128xf32>
      %broadcast_in_dim3A_447 = vector.shape_cast %reduce_max3A_446 : vector<128xf32> to vector<1x128xf32>
      %get3A_448 = arith.index_cast %add3A_186 : i32 to index
      %get3A_449 = arith.constant 0 : index
      %get3A_450 = vector.load %arg12[%get3A_448, %get3A_449] : memref<64x128xf32, #tpu.memory_space<vmem>>, vector<1x128xf32>
      %max3A_451 = arith.maximumf %get3A_450, %broadcast_in_dim3A_447 : vector<1x128xf32>
      %swap3A = arith.index_cast %add3A_186 : i32 to index
      %swap3A_452 = arith.constant 0 : index
      %swap3A_453 = vector.load %arg12[%swap3A, %swap3A_452] : memref<64x128xf32, #tpu.memory_space<vmem>>, vector<1x128xf32>
      tpu.vector_store %arg12[%swap3A, %swap3A_452], %max3A_451 {strides = array<i32>} : memref<64x128xf32, #tpu.memory_space<vmem>>, vector<1x128xf32>,
    } else {
    }
    %add3A_191 = arith.constant 23 : i32
    %add3A_192 = arith.addi %get3A_50, %add3A_191 : i32
    %le3A_193 = arith.cmpi sle, %add3A_192, %get3A_53 : i32
    %convert_element_type3A_194 = arith.extui %le3A_193 : i1 to i32
    %cond3A_195 = arith.constant 0 : i32
    %cond3A_196 = arith.cmpi ne, %convert_element_type3A_194, %cond3A_195 : i32
    scf.if %cond3A_196 {
      %eq3A_442 = vector.broadcast %add3A_192 : i32 to vector<1000x1xi32>
      %eq3A_443 = arith.cmpi eq, %get3A_47, %eq3A_442 : vector<1000x1xi32>
      %jit3A = arith.constant 0.000000e+00 : f32
      %broadcast_in_dim3A = vector.shape_cast %eq3A_443 : vector<1000x1xi1> to vector<1000x1xi1>
      %broadcast_in_dim3A_444 = vector.broadcast %broadcast_in_dim3A : vector<1000x1xi1> to vector<1000x128xi1>
      %broadcast_in_dim3A_445 = vector.broadcast %jit3A : f32 to vector<1000x128xf32>
      %select_n3A = arith.select %broadcast_in_dim3A_444, %add3A_42, %broadcast_in_dim3A_445 : vector<1000x128xi1>, vector<1000x128xf32>
      %reduce_max3A = arith.constant dense<0xFF800000> : vector<128xf32>
      %reduce_max3A_446 = vector.multi_reduction <maximumf>, %select_n3A, %reduce_max3A [0] : vector<1000x128xf32> to vector<128xf32>
      %broadcast_in_dim3A_447 = vector.shape_cast %reduce_max3A_446 : vector<128xf32> to vector<1x128xf32>
      %get3A_448 = arith.index_cast %add3A_192 : i32 to index
      %get3A_449 = arith.constant 0 : index
      %get3A_450 = vector.load %arg12[%get3A_448, %get3A_449] : memref<64x128xf32, #tpu.memory_space<vmem>>, vector<1x128xf32>
      %max3A_451 = arith.maximumf %get3A_450, %broadcast_in_dim3A_447 : vector<1x128xf32>
      %swap3A = arith.index_cast %add3A_192 : i32 to index
      %swap3A_452 = arith.constant 0 : index
      %swap3A_453 = vector.load %arg12[%swap3A, %swap3A_452] : memref<64x128xf32, #tpu.memory_space<vmem>>, vector<1x128xf32>
      tpu.vector_store %arg12[%swap3A, %swap3A_452], %max3A_451 {strides = array<i32>} : memref<64x128xf32, #tpu.memory_space<vmem>>, vector<1x128xf32>,
    } else {
    }
    %add3A_197 = arith.constant 24 : i32
    %add3A_198 = arith.addi %get3A_50, %add3A_197 : i32
    %le3A_199 = arith.cmpi sle, %add3A_198, %get3A_53 : i32
    %convert_element_type3A_200 = arith.extui %le3A_199 : i1 to i32
    %cond3A_201 = arith.constant 0 : i32
    %cond3A_202 = arith.cmpi ne, %convert_element_type3A_200, %cond3A_201 : i32
    scf.if %cond3A_202 {
      %eq3A_442 = vector.broadcast %add3A_198 : i32 to vector<1000x1xi32>
      %eq3A_443 = arith.cmpi eq, %get3A_47, %eq3A_442 : vector<1000x1xi32>
      %jit3A = arith.constant 0.000000e+00 : f32
      %broadcast_in_dim3A = vector.shape_cast %eq3A_443 : vector<1000x1xi1> to vector<1000x1xi1>
      %broadcast_in_dim3A_444 = vector.broadcast %broadcast_in_dim3A : vector<1000x1xi1> to vector<1000x128xi1>
      %broadcast_in_dim3A_445 = vector.broadcast %jit3A : f32 to vector<1000x128xf32>
      %select_n3A = arith.select %broadcast_in_dim3A_444, %add3A_42, %broadcast_in_dim3A_445 : vector<1000x128xi1>, vector<1000x128xf32>
      %reduce_max3A = arith.constant dense<0xFF800000> : vector<128xf32>
      %reduce_max3A_446 = vector.multi_reduction <maximumf>, %select_n3A, %reduce_max3A [0] : vector<1000x128xf32> to vector<128xf32>
      %broadcast_in_dim3A_447 = vector.shape_cast %reduce_max3A_446 : vector<128xf32> to vector<1x128xf32>
      %get3A_448 = arith.index_cast %add3A_198 : i32 to index
      %get3A_449 = arith.constant 0 : index
      %get3A_450 = vector.load %arg12[%get3A_448, %get3A_449] : memref<64x128xf32, #tpu.memory_space<vmem>>, vector<1x128xf32>
      %max3A_451 = arith.maximumf %get3A_450, %broadcast_in_dim3A_447 : vector<1x128xf32>
      %swap3A = arith.index_cast %add3A_198 : i32 to index
      %swap3A_452 = arith.constant 0 : index
      %swap3A_453 = vector.load %arg12[%swap3A, %swap3A_452] : memref<64x128xf32, #tpu.memory_space<vmem>>, vector<1x128xf32>
      tpu.vector_store %arg12[%swap3A, %swap3A_452], %max3A_451 {strides = array<i32>} : memref<64x128xf32, #tpu.memory_space<vmem>>, vector<1x128xf32>,
    } else {
    }
    %add3A_203 = arith.constant 25 : i32
    %add3A_204 = arith.addi %get3A_50, %add3A_203 : i32
    %le3A_205 = arith.cmpi sle, %add3A_204, %get3A_53 : i32
    %convert_element_type3A_206 = arith.extui %le3A_205 : i1 to i32
    %cond3A_207 = arith.constant 0 : i32
    %cond3A_208 = arith.cmpi ne, %convert_element_type3A_206, %cond3A_207 : i32
    scf.if %cond3A_208 {
      %eq3A_442 = vector.broadcast %add3A_204 : i32 to vector<1000x1xi32>
      %eq3A_443 = arith.cmpi eq, %get3A_47, %eq3A_442 : vector<1000x1xi32>
      %jit3A = arith.constant 0.000000e+00 : f32
      %broadcast_in_dim3A = vector.shape_cast %eq3A_443 : vector<1000x1xi1> to vector<1000x1xi1>
      %broadcast_in_dim3A_444 = vector.broadcast %broadcast_in_dim3A : vector<1000x1xi1> to vector<1000x128xi1>
      %broadcast_in_dim3A_445 = vector.broadcast %jit3A : f32 to vector<1000x128xf32>
      %select_n3A = arith.select %broadcast_in_dim3A_444, %add3A_42, %broadcast_in_dim3A_445 : vector<1000x128xi1>, vector<1000x128xf32>
      %reduce_max3A = arith.constant dense<0xFF800000> : vector<128xf32>
      %reduce_max3A_446 = vector.multi_reduction <maximumf>, %select_n3A, %reduce_max3A [0] : vector<1000x128xf32> to vector<128xf32>
      %broadcast_in_dim3A_447 = vector.shape_cast %reduce_max3A_446 : vector<128xf32> to vector<1x128xf32>
      %get3A_448 = arith.index_cast %add3A_204 : i32 to index
      %get3A_449 = arith.constant 0 : index
      %get3A_450 = vector.load %arg12[%get3A_448, %get3A_449] : memref<64x128xf32, #tpu.memory_space<vmem>>, vector<1x128xf32>
      %max3A_451 = arith.maximumf %get3A_450, %broadcast_in_dim3A_447 : vector<1x128xf32>
      %swap3A = arith.index_cast %add3A_204 : i32 to index
      %swap3A_452 = arith.constant 0 : index
      %swap3A_453 = vector.load %arg12[%swap3A, %swap3A_452] : memref<64x128xf32, #tpu.memory_space<vmem>>, vector<1x128xf32>
      tpu.vector_store %arg12[%swap3A, %swap3A_452], %max3A_451 {strides = array<i32>} : memref<64x128xf32, #tpu.memory_space<vmem>>, vector<1x128xf32>,
    } else {
    }
    %add3A_209 = arith.constant 26 : i32
    %add3A_210 = arith.addi %get3A_50, %add3A_209 : i32
    %le3A_211 = arith.cmpi sle, %add3A_210, %get3A_53 : i32
    %convert_element_type3A_212 = arith.extui %le3A_211 : i1 to i32
    %cond3A_213 = arith.constant 0 : i32
    %cond3A_214 = arith.cmpi ne, %convert_element_type3A_212, %cond3A_213 : i32
    scf.if %cond3A_214 {
      %eq3A_442 = vector.broadcast %add3A_210 : i32 to vector<1000x1xi32>
      %eq3A_443 = arith.cmpi eq, %get3A_47, %eq3A_442 : vector<1000x1xi32>
      %jit3A = arith.constant 0.000000e+00 : f32
      %broadcast_in_dim3A = vector.shape_cast %eq3A_443 : vector<1000x1xi1> to vector<1000x1xi1>
      %broadcast_in_dim3A_444 = vector.broadcast %broadcast_in_dim3A : vector<1000x1xi1> to vector<1000x128xi1>
      %broadcast_in_dim3A_445 = vector.broadcast %jit3A : f32 to vector<1000x128xf32>
      %select_n3A = arith.select %broadcast_in_dim3A_444, %add3A_42, %broadcast_in_dim3A_445 : vector<1000x128xi1>, vector<1000x128xf32>
      %reduce_max3A = arith.constant dense<0xFF800000> : vector<128xf32>
      %reduce_max3A_446 = vector.multi_reduction <maximumf>, %select_n3A, %reduce_max3A [0] : vector<1000x128xf32> to vector<128xf32>
      %broadcast_in_dim3A_447 = vector.shape_cast %reduce_max3A_446 : vector<128xf32> to vector<1x128xf32>
      %get3A_448 = arith.index_cast %add3A_210 : i32 to index
      %get3A_449 = arith.constant 0 : index
      %get3A_450 = vector.load %arg12[%get3A_448, %get3A_449] : memref<64x128xf32, #tpu.memory_space<vmem>>, vector<1x128xf32>
      %max3A_451 = arith.maximumf %get3A_450, %broadcast_in_dim3A_447 : vector<1x128xf32>
      %swap3A = arith.index_cast %add3A_210 : i32 to index
      %swap3A_452 = arith.constant 0 : index
      %swap3A_453 = vector.load %arg12[%swap3A, %swap3A_452] : memref<64x128xf32, #tpu.memory_space<vmem>>, vector<1x128xf32>
      tpu.vector_store %arg12[%swap3A, %swap3A_452], %max3A_451 {strides = array<i32>} : memref<64x128xf32, #tpu.memory_space<vmem>>, vector<1x128xf32>,
    } else {
    }
    %add3A_215 = arith.constant 27 : i32
    %add3A_216 = arith.addi %get3A_50, %add3A_215 : i32
    %le3A_217 = arith.cmpi sle, %add3A_216, %get3A_53 : i32
    %convert_element_type3A_218 = arith.extui %le3A_217 : i1 to i32
    %cond3A_219 = arith.constant 0 : i32
    %cond3A_220 = arith.cmpi ne, %convert_element_type3A_218, %cond3A_219 : i32
    scf.if %cond3A_220 {
      %eq3A_442 = vector.broadcast %add3A_216 : i32 to vector<1000x1xi32>
      %eq3A_443 = arith.cmpi eq, %get3A_47, %eq3A_442 : vector<1000x1xi32>
      %jit3A = arith.constant 0.000000e+00 : f32
      %broadcast_in_dim3A = vector.shape_cast %eq3A_443 : vector<1000x1xi1> to vector<1000x1xi1>
      %broadcast_in_dim3A_444 = vector.broadcast %broadcast_in_dim3A : vector<1000x1xi1> to vector<1000x128xi1>
      %broadcast_in_dim3A_445 = vector.broadcast %jit3A : f32 to vector<1000x128xf32>
      %select_n3A = arith.select %broadcast_in_dim3A_444, %add3A_42, %broadcast_in_dim3A_445 : vector<1000x128xi1>, vector<1000x128xf32>
      %reduce_max3A = arith.constant dense<0xFF800000> : vector<128xf32>
      %reduce_max3A_446 = vector.multi_reduction <maximumf>, %select_n3A, %reduce_max3A [0] : vector<1000x128xf32> to vector<128xf32>
      %broadcast_in_dim3A_447 = vector.shape_cast %reduce_max3A_446 : vector<128xf32> to vector<1x128xf32>
      %get3A_448 = arith.index_cast %add3A_216 : i32 to index
      %get3A_449 = arith.constant 0 : index
      %get3A_450 = vector.load %arg12[%get3A_448, %get3A_449] : memref<64x128xf32, #tpu.memory_space<vmem>>, vector<1x128xf32>
      %max3A_451 = arith.maximumf %get3A_450, %broadcast_in_dim3A_447 : vector<1x128xf32>
      %swap3A = arith.index_cast %add3A_216 : i32 to index
      %swap3A_452 = arith.constant 0 : index
      %swap3A_453 = vector.load %arg12[%swap3A, %swap3A_452] : memref<64x128xf32, #tpu.memory_space<vmem>>, vector<1x128xf32>
      tpu.vector_store %arg12[%swap3A, %swap3A_452], %max3A_451 {strides = array<i32>} : memref<64x128xf32, #tpu.memory_space<vmem>>, vector<1x128xf32>,
    } else {
    }
    %add3A_221 = arith.constant 28 : i32
    %add3A_222 = arith.addi %get3A_50, %add3A_221 : i32
    %le3A_223 = arith.cmpi sle, %add3A_222, %get3A_53 : i32
    %convert_element_type3A_224 = arith.extui %le3A_223 : i1 to i32
    %cond3A_225 = arith.constant 0 : i32
    %cond3A_226 = arith.cmpi ne, %convert_element_type3A_224, %cond3A_225 : i32
    scf.if %cond3A_226 {
      %eq3A_442 = vector.broadcast %add3A_222 : i32 to vector<1000x1xi32>
      %eq3A_443 = arith.cmpi eq, %get3A_47, %eq3A_442 : vector<1000x1xi32>
      %jit3A = arith.constant 0.000000e+00 : f32
      %broadcast_in_dim3A = vector.shape_cast %eq3A_443 : vector<1000x1xi1> to vector<1000x1xi1>
      %broadcast_in_dim3A_444 = vector.broadcast %broadcast_in_dim3A : vector<1000x1xi1> to vector<1000x128xi1>
      %broadcast_in_dim3A_445 = vector.broadcast %jit3A : f32 to vector<1000x128xf32>
      %select_n3A = arith.select %broadcast_in_dim3A_444, %add3A_42, %broadcast_in_dim3A_445 : vector<1000x128xi1>, vector<1000x128xf32>
      %reduce_max3A = arith.constant dense<0xFF800000> : vector<128xf32>
      %reduce_max3A_446 = vector.multi_reduction <maximumf>, %select_n3A, %reduce_max3A [0] : vector<1000x128xf32> to vector<128xf32>
      %broadcast_in_dim3A_447 = vector.shape_cast %reduce_max3A_446 : vector<128xf32> to vector<1x128xf32>
      %get3A_448 = arith.index_cast %add3A_222 : i32 to index
      %get3A_449 = arith.constant 0 : index
      %get3A_450 = vector.load %arg12[%get3A_448, %get3A_449] : memref<64x128xf32, #tpu.memory_space<vmem>>, vector<1x128xf32>
      %max3A_451 = arith.maximumf %get3A_450, %broadcast_in_dim3A_447 : vector<1x128xf32>
      %swap3A = arith.index_cast %add3A_222 : i32 to index
      %swap3A_452 = arith.constant 0 : index
      %swap3A_453 = vector.load %arg12[%swap3A, %swap3A_452] : memref<64x128xf32, #tpu.memory_space<vmem>>, vector<1x128xf32>
      tpu.vector_store %arg12[%swap3A, %swap3A_452], %max3A_451 {strides = array<i32>} : memref<64x128xf32, #tpu.memory_space<vmem>>, vector<1x128xf32>,
    } else {
    }
    %add3A_227 = arith.constant 29 : i32
    %add3A_228 = arith.addi %get3A_50, %add3A_227 : i32
    %le3A_229 = arith.cmpi sle, %add3A_228, %get3A_53 : i32
    %convert_element_type3A_230 = arith.extui %le3A_229 : i1 to i32
    %cond3A_231 = arith.constant 0 : i32
    %cond3A_232 = arith.cmpi ne, %convert_element_type3A_230, %cond3A_231 : i32
    scf.if %cond3A_232 {
      %eq3A_442 = vector.broadcast %add3A_228 : i32 to vector<1000x1xi32>
      %eq3A_443 = arith.cmpi eq, %get3A_47, %eq3A_442 : vector<1000x1xi32>
      %jit3A = arith.constant 0.000000e+00 : f32
      %broadcast_in_dim3A = vector.shape_cast %eq3A_443 : vector<1000x1xi1> to vector<1000x1xi1>
      %broadcast_in_dim3A_444 = vector.broadcast %broadcast_in_dim3A : vector<1000x1xi1> to vector<1000x128xi1>
      %broadcast_in_dim3A_445 = vector.broadcast %jit3A : f32 to vector<1000x128xf32>
      %select_n3A = arith.select %broadcast_in_dim3A_444, %add3A_42, %broadcast_in_dim3A_445 : vector<1000x128xi1>, vector<1000x128xf32>
      %reduce_max3A = arith.constant dense<0xFF800000> : vector<128xf32>
      %reduce_max3A_446 = vector.multi_reduction <maximumf>, %select_n3A, %reduce_max3A [0] : vector<1000x128xf32> to vector<128xf32>
      %broadcast_in_dim3A_447 = vector.shape_cast %reduce_max3A_446 : vector<128xf32> to vector<1x128xf32>
      %get3A_448 = arith.index_cast %add3A_228 : i32 to index
      %get3A_449 = arith.constant 0 : index
      %get3A_450 = vector.load %arg12[%get3A_448, %get3A_449] : memref<64x128xf32, #tpu.memory_space<vmem>>, vector<1x128xf32>
      %max3A_451 = arith.maximumf %get3A_450, %broadcast_in_dim3A_447 : vector<1x128xf32>
      %swap3A = arith.index_cast %add3A_228 : i32 to index
      %swap3A_452 = arith.constant 0 : index
      %swap3A_453 = vector.load %arg12[%swap3A, %swap3A_452] : memref<64x128xf32, #tpu.memory_space<vmem>>, vector<1x128xf32>
      tpu.vector_store %arg12[%swap3A, %swap3A_452], %max3A_451 {strides = array<i32>} : memref<64x128xf32, #tpu.memory_space<vmem>>, vector<1x128xf32>,
    } else {
    }
    %add3A_233 = arith.constant 30 : i32
    %add3A_234 = arith.addi %get3A_50, %add3A_233 : i32
    %le3A_235 = arith.cmpi sle, %add3A_234, %get3A_53 : i32
    %convert_element_type3A_236 = arith.extui %le3A_235 : i1 to i32
    %cond3A_237 = arith.constant 0 : i32
    %cond3A_238 = arith.cmpi ne, %convert_element_type3A_236, %cond3A_237 : i32
    scf.if %cond3A_238 {
      %eq3A_442 = vector.broadcast %add3A_234 : i32 to vector<1000x1xi32>
      %eq3A_443 = arith.cmpi eq, %get3A_47, %eq3A_442 : vector<1000x1xi32>
      %jit3A = arith.constant 0.000000e+00 : f32
      %broadcast_in_dim3A = vector.shape_cast %eq3A_443 : vector<1000x1xi1> to vector<1000x1xi1>
      %broadcast_in_dim3A_444 = vector.broadcast %broadcast_in_dim3A : vector<1000x1xi1> to vector<1000x128xi1>
      %broadcast_in_dim3A_445 = vector.broadcast %jit3A : f32 to vector<1000x128xf32>
      %select_n3A = arith.select %broadcast_in_dim3A_444, %add3A_42, %broadcast_in_dim3A_445 : vector<1000x128xi1>, vector<1000x128xf32>
      %reduce_max3A = arith.constant dense<0xFF800000> : vector<128xf32>
      %reduce_max3A_446 = vector.multi_reduction <maximumf>, %select_n3A, %reduce_max3A [0] : vector<1000x128xf32> to vector<128xf32>
      %broadcast_in_dim3A_447 = vector.shape_cast %reduce_max3A_446 : vector<128xf32> to vector<1x128xf32>
      %get3A_448 = arith.index_cast %add3A_234 : i32 to index
      %get3A_449 = arith.constant 0 : index
      %get3A_450 = vector.load %arg12[%get3A_448, %get3A_449] : memref<64x128xf32, #tpu.memory_space<vmem>>, vector<1x128xf32>
      %max3A_451 = arith.maximumf %get3A_450, %broadcast_in_dim3A_447 : vector<1x128xf32>
      %swap3A = arith.index_cast %add3A_234 : i32 to index
      %swap3A_452 = arith.constant 0 : index
      %swap3A_453 = vector.load %arg12[%swap3A, %swap3A_452] : memref<64x128xf32, #tpu.memory_space<vmem>>, vector<1x128xf32>
      tpu.vector_store %arg12[%swap3A, %swap3A_452], %max3A_451 {strides = array<i32>} : memref<64x128xf32, #tpu.memory_space<vmem>>, vector<1x128xf32>,
    } else {
    }
    %add3A_239 = arith.constant 31 : i32
    %add3A_240 = arith.addi %get3A_50, %add3A_239 : i32
    %le3A_241 = arith.cmpi sle, %add3A_240, %get3A_53 : i32
    %convert_element_type3A_242 = arith.extui %le3A_241 : i1 to i32
    %cond3A_243 = arith.constant 0 : i32
    %cond3A_244 = arith.cmpi ne, %convert_element_type3A_242, %cond3A_243 : i32
    scf.if %cond3A_244 {
      %eq3A_442 = vector.broadcast %add3A_240 : i32 to vector<1000x1xi32>
      %eq3A_443 = arith.cmpi eq, %get3A_47, %eq3A_442 : vector<1000x1xi32>
      %jit3A = arith.constant 0.000000e+00 : f32
      %broadcast_in_dim3A = vector.shape_cast %eq3A_443 : vector<1000x1xi1> to vector<1000x1xi1>
      %broadcast_in_dim3A_444 = vector.broadcast %broadcast_in_dim3A : vector<1000x1xi1> to vector<1000x128xi1>
      %broadcast_in_dim3A_445 = vector.broadcast %jit3A : f32 to vector<1000x128xf32>
      %select_n3A = arith.select %broadcast_in_dim3A_444, %add3A_42, %broadcast_in_dim3A_445 : vector<1000x128xi1>, vector<1000x128xf32>
      %reduce_max3A = arith.constant dense<0xFF800000> : vector<128xf32>
      %reduce_max3A_446 = vector.multi_reduction <maximumf>, %select_n3A, %reduce_max3A [0] : vector<1000x128xf32> to vector<128xf32>
      %broadcast_in_dim3A_447 = vector.shape_cast %reduce_max3A_446 : vector<128xf32> to vector<1x128xf32>
      %get3A_448 = arith.index_cast %add3A_240 : i32 to index
      %get3A_449 = arith.constant 0 : index
      %get3A_450 = vector.load %arg12[%get3A_448, %get3A_449] : memref<64x128xf32, #tpu.memory_space<vmem>>, vector<1x128xf32>
      %max3A_451 = arith.maximumf %get3A_450, %broadcast_in_dim3A_447 : vector<1x128xf32>
      %swap3A = arith.index_cast %add3A_240 : i32 to index
      %swap3A_452 = arith.constant 0 : index
      %swap3A_453 = vector.load %arg12[%swap3A, %swap3A_452] : memref<64x128xf32, #tpu.memory_space<vmem>>, vector<1x128xf32>
      tpu.vector_store %arg12[%swap3A, %swap3A_452], %max3A_451 {strides = array<i32>} : memref<64x128xf32, #tpu.memory_space<vmem>>, vector<1x128xf32>,
    } else {
    }
    %add3A_245 = arith.constant 32 : i32
    %add3A_246 = arith.addi %get3A_50, %add3A_245 : i32
    %le3A_247 = arith.cmpi sle, %add3A_246, %get3A_53 : i32
    %convert_element_type3A_248 = arith.extui %le3A_247 : i1 to i32
    %cond3A_249 = arith.constant 0 : i32
    %cond3A_250 = arith.cmpi ne, %convert_element_type3A_248, %cond3A_249 : i32
    scf.if %cond3A_250 {
      %eq3A_442 = vector.broadcast %add3A_246 : i32 to vector<1000x1xi32>
      %eq3A_443 = arith.cmpi eq, %get3A_47, %eq3A_442 : vector<1000x1xi32>
      %jit3A = arith.constant 0.000000e+00 : f32
      %broadcast_in_dim3A = vector.shape_cast %eq3A_443 : vector<1000x1xi1> to vector<1000x1xi1>
      %broadcast_in_dim3A_444 = vector.broadcast %broadcast_in_dim3A : vector<1000x1xi1> to vector<1000x128xi1>
      %broadcast_in_dim3A_445 = vector.broadcast %jit3A : f32 to vector<1000x128xf32>
      %select_n3A = arith.select %broadcast_in_dim3A_444, %add3A_42, %broadcast_in_dim3A_445 : vector<1000x128xi1>, vector<1000x128xf32>
      %reduce_max3A = arith.constant dense<0xFF800000> : vector<128xf32>
      %reduce_max3A_446 = vector.multi_reduction <maximumf>, %select_n3A, %reduce_max3A [0] : vector<1000x128xf32> to vector<128xf32>
      %broadcast_in_dim3A_447 = vector.shape_cast %reduce_max3A_446 : vector<128xf32> to vector<1x128xf32>
      %get3A_448 = arith.index_cast %add3A_246 : i32 to index
      %get3A_449 = arith.constant 0 : index
      %get3A_450 = vector.load %arg12[%get3A_448, %get3A_449] : memref<64x128xf32, #tpu.memory_space<vmem>>, vector<1x128xf32>
      %max3A_451 = arith.maximumf %get3A_450, %broadcast_in_dim3A_447 : vector<1x128xf32>
      %swap3A = arith.index_cast %add3A_246 : i32 to index
      %swap3A_452 = arith.constant 0 : index
      %swap3A_453 = vector.load %arg12[%swap3A, %swap3A_452] : memref<64x128xf32, #tpu.memory_space<vmem>>, vector<1x128xf32>
      tpu.vector_store %arg12[%swap3A, %swap3A_452], %max3A_451 {strides = array<i32>} : memref<64x128xf32, #tpu.memory_space<vmem>>, vector<1x128xf32>,
    } else {
    }
    %add3A_251 = arith.constant 33 : i32
    %add3A_252 = arith.addi %get3A_50, %add3A_251 : i32
    %le3A_253 = arith.cmpi sle, %add3A_252, %get3A_53 : i32
    %convert_element_type3A_254 = arith.extui %le3A_253 : i1 to i32
    %cond3A_255 = arith.constant 0 : i32
    %cond3A_256 = arith.cmpi ne, %convert_element_type3A_254, %cond3A_255 : i32
    scf.if %cond3A_256 {
      %eq3A_442 = vector.broadcast %add3A_252 : i32 to vector<1000x1xi32>
      %eq3A_443 = arith.cmpi eq, %get3A_47, %eq3A_442 : vector<1000x1xi32>
      %jit3A = arith.constant 0.000000e+00 : f32
      %broadcast_in_dim3A = vector.shape_cast %eq3A_443 : vector<1000x1xi1> to vector<1000x1xi1>
      %broadcast_in_dim3A_444 = vector.broadcast %broadcast_in_dim3A : vector<1000x1xi1> to vector<1000x128xi1>
      %broadcast_in_dim3A_445 = vector.broadcast %jit3A : f32 to vector<1000x128xf32>
      %select_n3A = arith.select %broadcast_in_dim3A_444, %add3A_42, %broadcast_in_dim3A_445 : vector<1000x128xi1>, vector<1000x128xf32>
      %reduce_max3A = arith.constant dense<0xFF800000> : vector<128xf32>
      %reduce_max3A_446 = vector.multi_reduction <maximumf>, %select_n3A, %reduce_max3A [0] : vector<1000x128xf32> to vector<128xf32>
      %broadcast_in_dim3A_447 = vector.shape_cast %reduce_max3A_446 : vector<128xf32> to vector<1x128xf32>
      %get3A_448 = arith.index_cast %add3A_252 : i32 to index
      %get3A_449 = arith.constant 0 : index
      %get3A_450 = vector.load %arg12[%get3A_448, %get3A_449] : memref<64x128xf32, #tpu.memory_space<vmem>>, vector<1x128xf32>
      %max3A_451 = arith.maximumf %get3A_450, %broadcast_in_dim3A_447 : vector<1x128xf32>
      %swap3A = arith.index_cast %add3A_252 : i32 to index
      %swap3A_452 = arith.constant 0 : index
      %swap3A_453 = vector.load %arg12[%swap3A, %swap3A_452] : memref<64x128xf32, #tpu.memory_space<vmem>>, vector<1x128xf32>
      tpu.vector_store %arg12[%swap3A, %swap3A_452], %max3A_451 {strides = array<i32>} : memref<64x128xf32, #tpu.memory_space<vmem>>, vector<1x128xf32>,
    } else {
    }
    %add3A_257 = arith.constant 34 : i32
    %add3A_258 = arith.addi %get3A_50, %add3A_257 : i32
    %le3A_259 = arith.cmpi sle, %add3A_258, %get3A_53 : i32
    %convert_element_type3A_260 = arith.extui %le3A_259 : i1 to i32
    %cond3A_261 = arith.constant 0 : i32
    %cond3A_262 = arith.cmpi ne, %convert_element_type3A_260, %cond3A_261 : i32
    scf.if %cond3A_262 {
      %eq3A_442 = vector.broadcast %add3A_258 : i32 to vector<1000x1xi32>
      %eq3A_443 = arith.cmpi eq, %get3A_47, %eq3A_442 : vector<1000x1xi32>
      %jit3A = arith.constant 0.000000e+00 : f32
      %broadcast_in_dim3A = vector.shape_cast %eq3A_443 : vector<1000x1xi1> to vector<1000x1xi1>
      %broadcast_in_dim3A_444 = vector.broadcast %broadcast_in_dim3A : vector<1000x1xi1> to vector<1000x128xi1>
      %broadcast_in_dim3A_445 = vector.broadcast %jit3A : f32 to vector<1000x128xf32>
      %select_n3A = arith.select %broadcast_in_dim3A_444, %add3A_42, %broadcast_in_dim3A_445 : vector<1000x128xi1>, vector<1000x128xf32>
      %reduce_max3A = arith.constant dense<0xFF800000> : vector<128xf32>
      %reduce_max3A_446 = vector.multi_reduction <maximumf>, %select_n3A, %reduce_max3A [0] : vector<1000x128xf32> to vector<128xf32>
      %broadcast_in_dim3A_447 = vector.shape_cast %reduce_max3A_446 : vector<128xf32> to vector<1x128xf32>
      %get3A_448 = arith.index_cast %add3A_258 : i32 to index
      %get3A_449 = arith.constant 0 : index
      %get3A_450 = vector.load %arg12[%get3A_448, %get3A_449] : memref<64x128xf32, #tpu.memory_space<vmem>>, vector<1x128xf32>
      %max3A_451 = arith.maximumf %get3A_450, %broadcast_in_dim3A_447 : vector<1x128xf32>
      %swap3A = arith.index_cast %add3A_258 : i32 to index
      %swap3A_452 = arith.constant 0 : index
      %swap3A_453 = vector.load %arg12[%swap3A, %swap3A_452] : memref<64x128xf32, #tpu.memory_space<vmem>>, vector<1x128xf32>
      tpu.vector_store %arg12[%swap3A, %swap3A_452], %max3A_451 {strides = array<i32>} : memref<64x128xf32, #tpu.memory_space<vmem>>, vector<1x128xf32>,
    } else {
    }
    %add3A_263 = arith.constant 35 : i32
    %add3A_264 = arith.addi %get3A_50, %add3A_263 : i32
    %le3A_265 = arith.cmpi sle, %add3A_264, %get3A_53 : i32
    %convert_element_type3A_266 = arith.extui %le3A_265 : i1 to i32
    %cond3A_267 = arith.constant 0 : i32
    %cond3A_268 = arith.cmpi ne, %convert_element_type3A_266, %cond3A_267 : i32
    scf.if %cond3A_268 {
      %eq3A_442 = vector.broadcast %add3A_264 : i32 to vector<1000x1xi32>
      %eq3A_443 = arith.cmpi eq, %get3A_47, %eq3A_442 : vector<1000x1xi32>
      %jit3A = arith.constant 0.000000e+00 : f32
      %broadcast_in_dim3A = vector.shape_cast %eq3A_443 : vector<1000x1xi1> to vector<1000x1xi1>
      %broadcast_in_dim3A_444 = vector.broadcast %broadcast_in_dim3A : vector<1000x1xi1> to vector<1000x128xi1>
      %broadcast_in_dim3A_445 = vector.broadcast %jit3A : f32 to vector<1000x128xf32>
      %select_n3A = arith.select %broadcast_in_dim3A_444, %add3A_42, %broadcast_in_dim3A_445 : vector<1000x128xi1>, vector<1000x128xf32>
      %reduce_max3A = arith.constant dense<0xFF800000> : vector<128xf32>
      %reduce_max3A_446 = vector.multi_reduction <maximumf>, %select_n3A, %reduce_max3A [0] : vector<1000x128xf32> to vector<128xf32>
      %broadcast_in_dim3A_447 = vector.shape_cast %reduce_max3A_446 : vector<128xf32> to vector<1x128xf32>
      %get3A_448 = arith.index_cast %add3A_264 : i32 to index
      %get3A_449 = arith.constant 0 : index
      %get3A_450 = vector.load %arg12[%get3A_448, %get3A_449] : memref<64x128xf32, #tpu.memory_space<vmem>>, vector<1x128xf32>
      %max3A_451 = arith.maximumf %get3A_450, %broadcast_in_dim3A_447 : vector<1x128xf32>
      %swap3A = arith.index_cast %add3A_264 : i32 to index
      %swap3A_452 = arith.constant 0 : index
      %swap3A_453 = vector.load %arg12[%swap3A, %swap3A_452] : memref<64x128xf32, #tpu.memory_space<vmem>>, vector<1x128xf32>
      tpu.vector_store %arg12[%swap3A, %swap3A_452], %max3A_451 {strides = array<i32>} : memref<64x128xf32, #tpu.memory_space<vmem>>, vector<1x128xf32>,
    } else {
    }
    %add3A_269 = arith.constant 36 : i32
    %add3A_270 = arith.addi %get3A_50, %add3A_269 : i32
    %le3A_271 = arith.cmpi sle, %add3A_270, %get3A_53 : i32
    %convert_element_type3A_272 = arith.extui %le3A_271 : i1 to i32
    %cond3A_273 = arith.constant 0 : i32
    %cond3A_274 = arith.cmpi ne, %convert_element_type3A_272, %cond3A_273 : i32
    scf.if %cond3A_274 {
      %eq3A_442 = vector.broadcast %add3A_270 : i32 to vector<1000x1xi32>
      %eq3A_443 = arith.cmpi eq, %get3A_47, %eq3A_442 : vector<1000x1xi32>
      %jit3A = arith.constant 0.000000e+00 : f32
      %broadcast_in_dim3A = vector.shape_cast %eq3A_443 : vector<1000x1xi1> to vector<1000x1xi1>
      %broadcast_in_dim3A_444 = vector.broadcast %broadcast_in_dim3A : vector<1000x1xi1> to vector<1000x128xi1>
      %broadcast_in_dim3A_445 = vector.broadcast %jit3A : f32 to vector<1000x128xf32>
      %select_n3A = arith.select %broadcast_in_dim3A_444, %add3A_42, %broadcast_in_dim3A_445 : vector<1000x128xi1>, vector<1000x128xf32>
      %reduce_max3A = arith.constant dense<0xFF800000> : vector<128xf32>
      %reduce_max3A_446 = vector.multi_reduction <maximumf>, %select_n3A, %reduce_max3A [0] : vector<1000x128xf32> to vector<128xf32>
      %broadcast_in_dim3A_447 = vector.shape_cast %reduce_max3A_446 : vector<128xf32> to vector<1x128xf32>
      %get3A_448 = arith.index_cast %add3A_270 : i32 to index
      %get3A_449 = arith.constant 0 : index
      %get3A_450 = vector.load %arg12[%get3A_448, %get3A_449] : memref<64x128xf32, #tpu.memory_space<vmem>>, vector<1x128xf32>
      %max3A_451 = arith.maximumf %get3A_450, %broadcast_in_dim3A_447 : vector<1x128xf32>
      %swap3A = arith.index_cast %add3A_270 : i32 to index
      %swap3A_452 = arith.constant 0 : index
      %swap3A_453 = vector.load %arg12[%swap3A, %swap3A_452] : memref<64x128xf32, #tpu.memory_space<vmem>>, vector<1x128xf32>
      tpu.vector_store %arg12[%swap3A, %swap3A_452], %max3A_451 {strides = array<i32>} : memref<64x128xf32, #tpu.memory_space<vmem>>, vector<1x128xf32>,
    } else {
    }
    %add3A_275 = arith.constant 37 : i32
    %add3A_276 = arith.addi %get3A_50, %add3A_275 : i32
    %le3A_277 = arith.cmpi sle, %add3A_276, %get3A_53 : i32
    %convert_element_type3A_278 = arith.extui %le3A_277 : i1 to i32
    %cond3A_279 = arith.constant 0 : i32
    %cond3A_280 = arith.cmpi ne, %convert_element_type3A_278, %cond3A_279 : i32
    scf.if %cond3A_280 {
      %eq3A_442 = vector.broadcast %add3A_276 : i32 to vector<1000x1xi32>
      %eq3A_443 = arith.cmpi eq, %get3A_47, %eq3A_442 : vector<1000x1xi32>
      %jit3A = arith.constant 0.000000e+00 : f32
      %broadcast_in_dim3A = vector.shape_cast %eq3A_443 : vector<1000x1xi1> to vector<1000x1xi1>
      %broadcast_in_dim3A_444 = vector.broadcast %broadcast_in_dim3A : vector<1000x1xi1> to vector<1000x128xi1>
      %broadcast_in_dim3A_445 = vector.broadcast %jit3A : f32 to vector<1000x128xf32>
      %select_n3A = arith.select %broadcast_in_dim3A_444, %add3A_42, %broadcast_in_dim3A_445 : vector<1000x128xi1>, vector<1000x128xf32>
      %reduce_max3A = arith.constant dense<0xFF800000> : vector<128xf32>
      %reduce_max3A_446 = vector.multi_reduction <maximumf>, %select_n3A, %reduce_max3A [0] : vector<1000x128xf32> to vector<128xf32>
      %broadcast_in_dim3A_447 = vector.shape_cast %reduce_max3A_446 : vector<128xf32> to vector<1x128xf32>
      %get3A_448 = arith.index_cast %add3A_276 : i32 to index
      %get3A_449 = arith.constant 0 : index
      %get3A_450 = vector.load %arg12[%get3A_448, %get3A_449] : memref<64x128xf32, #tpu.memory_space<vmem>>, vector<1x128xf32>
      %max3A_451 = arith.maximumf %get3A_450, %broadcast_in_dim3A_447 : vector<1x128xf32>
      %swap3A = arith.index_cast %add3A_276 : i32 to index
      %swap3A_452 = arith.constant 0 : index
      %swap3A_453 = vector.load %arg12[%swap3A, %swap3A_452] : memref<64x128xf32, #tpu.memory_space<vmem>>, vector<1x128xf32>
      tpu.vector_store %arg12[%swap3A, %swap3A_452], %max3A_451 {strides = array<i32>} : memref<64x128xf32, #tpu.memory_space<vmem>>, vector<1x128xf32>,
    } else {
    }
    %add3A_281 = arith.constant 38 : i32
    %add3A_282 = arith.addi %get3A_50, %add3A_281 : i32
    %le3A_283 = arith.cmpi sle, %add3A_282, %get3A_53 : i32
    %convert_element_type3A_284 = arith.extui %le3A_283 : i1 to i32
    %cond3A_285 = arith.constant 0 : i32
    %cond3A_286 = arith.cmpi ne, %convert_element_type3A_284, %cond3A_285 : i32
    scf.if %cond3A_286 {
      %eq3A_442 = vector.broadcast %add3A_282 : i32 to vector<1000x1xi32>
      %eq3A_443 = arith.cmpi eq, %get3A_47, %eq3A_442 : vector<1000x1xi32>
      %jit3A = arith.constant 0.000000e+00 : f32
      %broadcast_in_dim3A = vector.shape_cast %eq3A_443 : vector<1000x1xi1> to vector<1000x1xi1>
      %broadcast_in_dim3A_444 = vector.broadcast %broadcast_in_dim3A : vector<1000x1xi1> to vector<1000x128xi1>
      %broadcast_in_dim3A_445 = vector.broadcast %jit3A : f32 to vector<1000x128xf32>
      %select_n3A = arith.select %broadcast_in_dim3A_444, %add3A_42, %broadcast_in_dim3A_445 : vector<1000x128xi1>, vector<1000x128xf32>
      %reduce_max3A = arith.constant dense<0xFF800000> : vector<128xf32>
      %reduce_max3A_446 = vector.multi_reduction <maximumf>, %select_n3A, %reduce_max3A [0] : vector<1000x128xf32> to vector<128xf32>
      %broadcast_in_dim3A_447 = vector.shape_cast %reduce_max3A_446 : vector<128xf32> to vector<1x128xf32>
      %get3A_448 = arith.index_cast %add3A_282 : i32 to index
      %get3A_449 = arith.constant 0 : index
      %get3A_450 = vector.load %arg12[%get3A_448, %get3A_449] : memref<64x128xf32, #tpu.memory_space<vmem>>, vector<1x128xf32>
      %max3A_451 = arith.maximumf %get3A_450, %broadcast_in_dim3A_447 : vector<1x128xf32>
      %swap3A = arith.index_cast %add3A_282 : i32 to index
      %swap3A_452 = arith.constant 0 : index
      %swap3A_453 = vector.load %arg12[%swap3A, %swap3A_452] : memref<64x128xf32, #tpu.memory_space<vmem>>, vector<1x128xf32>
      tpu.vector_store %arg12[%swap3A, %swap3A_452], %max3A_451 {strides = array<i32>} : memref<64x128xf32, #tpu.memory_space<vmem>>, vector<1x128xf32>,
    } else {
    }
    %add3A_287 = arith.constant 39 : i32
    %add3A_288 = arith.addi %get3A_50, %add3A_287 : i32
    %le3A_289 = arith.cmpi sle, %add3A_288, %get3A_53 : i32
    %convert_element_type3A_290 = arith.extui %le3A_289 : i1 to i32
    %cond3A_291 = arith.constant 0 : i32
    %cond3A_292 = arith.cmpi ne, %convert_element_type3A_290, %cond3A_291 : i32
    scf.if %cond3A_292 {
      %eq3A_442 = vector.broadcast %add3A_288 : i32 to vector<1000x1xi32>
      %eq3A_443 = arith.cmpi eq, %get3A_47, %eq3A_442 : vector<1000x1xi32>
      %jit3A = arith.constant 0.000000e+00 : f32
      %broadcast_in_dim3A = vector.shape_cast %eq3A_443 : vector<1000x1xi1> to vector<1000x1xi1>
      %broadcast_in_dim3A_444 = vector.broadcast %broadcast_in_dim3A : vector<1000x1xi1> to vector<1000x128xi1>
      %broadcast_in_dim3A_445 = vector.broadcast %jit3A : f32 to vector<1000x128xf32>
      %select_n3A = arith.select %broadcast_in_dim3A_444, %add3A_42, %broadcast_in_dim3A_445 : vector<1000x128xi1>, vector<1000x128xf32>
      %reduce_max3A = arith.constant dense<0xFF800000> : vector<128xf32>
      %reduce_max3A_446 = vector.multi_reduction <maximumf>, %select_n3A, %reduce_max3A [0] : vector<1000x128xf32> to vector<128xf32>
      %broadcast_in_dim3A_447 = vector.shape_cast %reduce_max3A_446 : vector<128xf32> to vector<1x128xf32>
      %get3A_448 = arith.index_cast %add3A_288 : i32 to index
      %get3A_449 = arith.constant 0 : index
      %get3A_450 = vector.load %arg12[%get3A_448, %get3A_449] : memref<64x128xf32, #tpu.memory_space<vmem>>, vector<1x128xf32>
      %max3A_451 = arith.maximumf %get3A_450, %broadcast_in_dim3A_447 : vector<1x128xf32>
      %swap3A = arith.index_cast %add3A_288 : i32 to index
      %swap3A_452 = arith.constant 0 : index
      %swap3A_453 = vector.load %arg12[%swap3A, %swap3A_452] : memref<64x128xf32, #tpu.memory_space<vmem>>, vector<1x128xf32>
      tpu.vector_store %arg12[%swap3A, %swap3A_452], %max3A_451 {strides = array<i32>} : memref<64x128xf32, #tpu.memory_space<vmem>>, vector<1x128xf32>,
    } else {
    }
    %add3A_293 = arith.constant 40 : i32
    %add3A_294 = arith.addi %get3A_50, %add3A_293 : i32
    %le3A_295 = arith.cmpi sle, %add3A_294, %get3A_53 : i32
    %convert_element_type3A_296 = arith.extui %le3A_295 : i1 to i32
    %cond3A_297 = arith.constant 0 : i32
    %cond3A_298 = arith.cmpi ne, %convert_element_type3A_296, %cond3A_297 : i32
    scf.if %cond3A_298 {
      %eq3A_442 = vector.broadcast %add3A_294 : i32 to vector<1000x1xi32>
      %eq3A_443 = arith.cmpi eq, %get3A_47, %eq3A_442 : vector<1000x1xi32>
      %jit3A = arith.constant 0.000000e+00 : f32
      %broadcast_in_dim3A = vector.shape_cast %eq3A_443 : vector<1000x1xi1> to vector<1000x1xi1>
      %broadcast_in_dim3A_444 = vector.broadcast %broadcast_in_dim3A : vector<1000x1xi1> to vector<1000x128xi1>
      %broadcast_in_dim3A_445 = vector.broadcast %jit3A : f32 to vector<1000x128xf32>
      %select_n3A = arith.select %broadcast_in_dim3A_444, %add3A_42, %broadcast_in_dim3A_445 : vector<1000x128xi1>, vector<1000x128xf32>
      %reduce_max3A = arith.constant dense<0xFF800000> : vector<128xf32>
      %reduce_max3A_446 = vector.multi_reduction <maximumf>, %select_n3A, %reduce_max3A [0] : vector<1000x128xf32> to vector<128xf32>
      %broadcast_in_dim3A_447 = vector.shape_cast %reduce_max3A_446 : vector<128xf32> to vector<1x128xf32>
      %get3A_448 = arith.index_cast %add3A_294 : i32 to index
      %get3A_449 = arith.constant 0 : index
      %get3A_450 = vector.load %arg12[%get3A_448, %get3A_449] : memref<64x128xf32, #tpu.memory_space<vmem>>, vector<1x128xf32>
      %max3A_451 = arith.maximumf %get3A_450, %broadcast_in_dim3A_447 : vector<1x128xf32>
      %swap3A = arith.index_cast %add3A_294 : i32 to index
      %swap3A_452 = arith.constant 0 : index
      %swap3A_453 = vector.load %arg12[%swap3A, %swap3A_452] : memref<64x128xf32, #tpu.memory_space<vmem>>, vector<1x128xf32>
      tpu.vector_store %arg12[%swap3A, %swap3A_452], %max3A_451 {strides = array<i32>} : memref<64x128xf32, #tpu.memory_space<vmem>>, vector<1x128xf32>,
    } else {
    }
    %add3A_299 = arith.constant 41 : i32
    %add3A_300 = arith.addi %get3A_50, %add3A_299 : i32
    %le3A_301 = arith.cmpi sle, %add3A_300, %get3A_53 : i32
    %convert_element_type3A_302 = arith.extui %le3A_301 : i1 to i32
    %cond3A_303 = arith.constant 0 : i32
    %cond3A_304 = arith.cmpi ne, %convert_element_type3A_302, %cond3A_303 : i32
    scf.if %cond3A_304 {
      %eq3A_442 = vector.broadcast %add3A_300 : i32 to vector<1000x1xi32>
      %eq3A_443 = arith.cmpi eq, %get3A_47, %eq3A_442 : vector<1000x1xi32>
      %jit3A = arith.constant 0.000000e+00 : f32
      %broadcast_in_dim3A = vector.shape_cast %eq3A_443 : vector<1000x1xi1> to vector<1000x1xi1>
      %broadcast_in_dim3A_444 = vector.broadcast %broadcast_in_dim3A : vector<1000x1xi1> to vector<1000x128xi1>
      %broadcast_in_dim3A_445 = vector.broadcast %jit3A : f32 to vector<1000x128xf32>
      %select_n3A = arith.select %broadcast_in_dim3A_444, %add3A_42, %broadcast_in_dim3A_445 : vector<1000x128xi1>, vector<1000x128xf32>
      %reduce_max3A = arith.constant dense<0xFF800000> : vector<128xf32>
      %reduce_max3A_446 = vector.multi_reduction <maximumf>, %select_n3A, %reduce_max3A [0] : vector<1000x128xf32> to vector<128xf32>
      %broadcast_in_dim3A_447 = vector.shape_cast %reduce_max3A_446 : vector<128xf32> to vector<1x128xf32>
      %get3A_448 = arith.index_cast %add3A_300 : i32 to index
      %get3A_449 = arith.constant 0 : index
      %get3A_450 = vector.load %arg12[%get3A_448, %get3A_449] : memref<64x128xf32, #tpu.memory_space<vmem>>, vector<1x128xf32>
      %max3A_451 = arith.maximumf %get3A_450, %broadcast_in_dim3A_447 : vector<1x128xf32>
      %swap3A = arith.index_cast %add3A_300 : i32 to index
      %swap3A_452 = arith.constant 0 : index
      %swap3A_453 = vector.load %arg12[%swap3A, %swap3A_452] : memref<64x128xf32, #tpu.memory_space<vmem>>, vector<1x128xf32>
      tpu.vector_store %arg12[%swap3A, %swap3A_452], %max3A_451 {strides = array<i32>} : memref<64x128xf32, #tpu.memory_space<vmem>>, vector<1x128xf32>,
    } else {
    }
    %add3A_305 = arith.constant 42 : i32
    %add3A_306 = arith.addi %get3A_50, %add3A_305 : i32
    %le3A_307 = arith.cmpi sle, %add3A_306, %get3A_53 : i32
    %convert_element_type3A_308 = arith.extui %le3A_307 : i1 to i32
    %cond3A_309 = arith.constant 0 : i32
    %cond3A_310 = arith.cmpi ne, %convert_element_type3A_308, %cond3A_309 : i32
    scf.if %cond3A_310 {
      %eq3A_442 = vector.broadcast %add3A_306 : i32 to vector<1000x1xi32>
      %eq3A_443 = arith.cmpi eq, %get3A_47, %eq3A_442 : vector<1000x1xi32>
      %jit3A = arith.constant 0.000000e+00 : f32
      %broadcast_in_dim3A = vector.shape_cast %eq3A_443 : vector<1000x1xi1> to vector<1000x1xi1>
      %broadcast_in_dim3A_444 = vector.broadcast %broadcast_in_dim3A : vector<1000x1xi1> to vector<1000x128xi1>
      %broadcast_in_dim3A_445 = vector.broadcast %jit3A : f32 to vector<1000x128xf32>
      %select_n3A = arith.select %broadcast_in_dim3A_444, %add3A_42, %broadcast_in_dim3A_445 : vector<1000x128xi1>, vector<1000x128xf32>
      %reduce_max3A = arith.constant dense<0xFF800000> : vector<128xf32>
      %reduce_max3A_446 = vector.multi_reduction <maximumf>, %select_n3A, %reduce_max3A [0] : vector<1000x128xf32> to vector<128xf32>
      %broadcast_in_dim3A_447 = vector.shape_cast %reduce_max3A_446 : vector<128xf32> to vector<1x128xf32>
      %get3A_448 = arith.index_cast %add3A_306 : i32 to index
      %get3A_449 = arith.constant 0 : index
      %get3A_450 = vector.load %arg12[%get3A_448, %get3A_449] : memref<64x128xf32, #tpu.memory_space<vmem>>, vector<1x128xf32>
      %max3A_451 = arith.maximumf %get3A_450, %broadcast_in_dim3A_447 : vector<1x128xf32>
      %swap3A = arith.index_cast %add3A_306 : i32 to index
      %swap3A_452 = arith.constant 0 : index
      %swap3A_453 = vector.load %arg12[%swap3A, %swap3A_452] : memref<64x128xf32, #tpu.memory_space<vmem>>, vector<1x128xf32>
      tpu.vector_store %arg12[%swap3A, %swap3A_452], %max3A_451 {strides = array<i32>} : memref<64x128xf32, #tpu.memory_space<vmem>>, vector<1x128xf32>,
    } else {
    }
    %add3A_311 = arith.constant 43 : i32
    %add3A_312 = arith.addi %get3A_50, %add3A_311 : i32
    %le3A_313 = arith.cmpi sle, %add3A_312, %get3A_53 : i32
    %convert_element_type3A_314 = arith.extui %le3A_313 : i1 to i32
    %cond3A_315 = arith.constant 0 : i32
    %cond3A_316 = arith.cmpi ne, %convert_element_type3A_314, %cond3A_315 : i32
    scf.if %cond3A_316 {
      %eq3A_442 = vector.broadcast %add3A_312 : i32 to vector<1000x1xi32>
      %eq3A_443 = arith.cmpi eq, %get3A_47, %eq3A_442 : vector<1000x1xi32>
      %jit3A = arith.constant 0.000000e+00 : f32
      %broadcast_in_dim3A = vector.shape_cast %eq3A_443 : vector<1000x1xi1> to vector<1000x1xi1>
      %broadcast_in_dim3A_444 = vector.broadcast %broadcast_in_dim3A : vector<1000x1xi1> to vector<1000x128xi1>
      %broadcast_in_dim3A_445 = vector.broadcast %jit3A : f32 to vector<1000x128xf32>
      %select_n3A = arith.select %broadcast_in_dim3A_444, %add3A_42, %broadcast_in_dim3A_445 : vector<1000x128xi1>, vector<1000x128xf32>
      %reduce_max3A = arith.constant dense<0xFF800000> : vector<128xf32>
      %reduce_max3A_446 = vector.multi_reduction <maximumf>, %select_n3A, %reduce_max3A [0] : vector<1000x128xf32> to vector<128xf32>
      %broadcast_in_dim3A_447 = vector.shape_cast %reduce_max3A_446 : vector<128xf32> to vector<1x128xf32>
      %get3A_448 = arith.index_cast %add3A_312 : i32 to index
      %get3A_449 = arith.constant 0 : index
      %get3A_450 = vector.load %arg12[%get3A_448, %get3A_449] : memref<64x128xf32, #tpu.memory_space<vmem>>, vector<1x128xf32>
      %max3A_451 = arith.maximumf %get3A_450, %broadcast_in_dim3A_447 : vector<1x128xf32>
      %swap3A = arith.index_cast %add3A_312 : i32 to index
      %swap3A_452 = arith.constant 0 : index
      %swap3A_453 = vector.load %arg12[%swap3A, %swap3A_452] : memref<64x128xf32, #tpu.memory_space<vmem>>, vector<1x128xf32>
      tpu.vector_store %arg12[%swap3A, %swap3A_452], %max3A_451 {strides = array<i32>} : memref<64x128xf32, #tpu.memory_space<vmem>>, vector<1x128xf32>,
    } else {
    }
    %add3A_317 = arith.constant 44 : i32
    %add3A_318 = arith.addi %get3A_50, %add3A_317 : i32
    %le3A_319 = arith.cmpi sle, %add3A_318, %get3A_53 : i32
    %convert_element_type3A_320 = arith.extui %le3A_319 : i1 to i32
    %cond3A_321 = arith.constant 0 : i32
    %cond3A_322 = arith.cmpi ne, %convert_element_type3A_320, %cond3A_321 : i32
    scf.if %cond3A_322 {
      %eq3A_442 = vector.broadcast %add3A_318 : i32 to vector<1000x1xi32>
      %eq3A_443 = arith.cmpi eq, %get3A_47, %eq3A_442 : vector<1000x1xi32>
      %jit3A = arith.constant 0.000000e+00 : f32
      %broadcast_in_dim3A = vector.shape_cast %eq3A_443 : vector<1000x1xi1> to vector<1000x1xi1>
      %broadcast_in_dim3A_444 = vector.broadcast %broadcast_in_dim3A : vector<1000x1xi1> to vector<1000x128xi1>
      %broadcast_in_dim3A_445 = vector.broadcast %jit3A : f32 to vector<1000x128xf32>
      %select_n3A = arith.select %broadcast_in_dim3A_444, %add3A_42, %broadcast_in_dim3A_445 : vector<1000x128xi1>, vector<1000x128xf32>
      %reduce_max3A = arith.constant dense<0xFF800000> : vector<128xf32>
      %reduce_max3A_446 = vector.multi_reduction <maximumf>, %select_n3A, %reduce_max3A [0] : vector<1000x128xf32> to vector<128xf32>
      %broadcast_in_dim3A_447 = vector.shape_cast %reduce_max3A_446 : vector<128xf32> to vector<1x128xf32>
      %get3A_448 = arith.index_cast %add3A_318 : i32 to index
      %get3A_449 = arith.constant 0 : index
      %get3A_450 = vector.load %arg12[%get3A_448, %get3A_449] : memref<64x128xf32, #tpu.memory_space<vmem>>, vector<1x128xf32>
      %max3A_451 = arith.maximumf %get3A_450, %broadcast_in_dim3A_447 : vector<1x128xf32>
      %swap3A = arith.index_cast %add3A_318 : i32 to index
      %swap3A_452 = arith.constant 0 : index
      %swap3A_453 = vector.load %arg12[%swap3A, %swap3A_452] : memref<64x128xf32, #tpu.memory_space<vmem>>, vector<1x128xf32>
      tpu.vector_store %arg12[%swap3A, %swap3A_452], %max3A_451 {strides = array<i32>} : memref<64x128xf32, #tpu.memory_space<vmem>>, vector<1x128xf32>,
    } else {
    }
    %add3A_323 = arith.constant 45 : i32
    %add3A_324 = arith.addi %get3A_50, %add3A_323 : i32
    %le3A_325 = arith.cmpi sle, %add3A_324, %get3A_53 : i32
    %convert_element_type3A_326 = arith.extui %le3A_325 : i1 to i32
    %cond3A_327 = arith.constant 0 : i32
    %cond3A_328 = arith.cmpi ne, %convert_element_type3A_326, %cond3A_327 : i32
    scf.if %cond3A_328 {
      %eq3A_442 = vector.broadcast %add3A_324 : i32 to vector<1000x1xi32>
      %eq3A_443 = arith.cmpi eq, %get3A_47, %eq3A_442 : vector<1000x1xi32>
      %jit3A = arith.constant 0.000000e+00 : f32
      %broadcast_in_dim3A = vector.shape_cast %eq3A_443 : vector<1000x1xi1> to vector<1000x1xi1>
      %broadcast_in_dim3A_444 = vector.broadcast %broadcast_in_dim3A : vector<1000x1xi1> to vector<1000x128xi1>
      %broadcast_in_dim3A_445 = vector.broadcast %jit3A : f32 to vector<1000x128xf32>
      %select_n3A = arith.select %broadcast_in_dim3A_444, %add3A_42, %broadcast_in_dim3A_445 : vector<1000x128xi1>, vector<1000x128xf32>
      %reduce_max3A = arith.constant dense<0xFF800000> : vector<128xf32>
      %reduce_max3A_446 = vector.multi_reduction <maximumf>, %select_n3A, %reduce_max3A [0] : vector<1000x128xf32> to vector<128xf32>
      %broadcast_in_dim3A_447 = vector.shape_cast %reduce_max3A_446 : vector<128xf32> to vector<1x128xf32>
      %get3A_448 = arith.index_cast %add3A_324 : i32 to index
      %get3A_449 = arith.constant 0 : index
      %get3A_450 = vector.load %arg12[%get3A_448, %get3A_449] : memref<64x128xf32, #tpu.memory_space<vmem>>, vector<1x128xf32>
      %max3A_451 = arith.maximumf %get3A_450, %broadcast_in_dim3A_447 : vector<1x128xf32>
      %swap3A = arith.index_cast %add3A_324 : i32 to index
      %swap3A_452 = arith.constant 0 : index
      %swap3A_453 = vector.load %arg12[%swap3A, %swap3A_452] : memref<64x128xf32, #tpu.memory_space<vmem>>, vector<1x128xf32>
      tpu.vector_store %arg12[%swap3A, %swap3A_452], %max3A_451 {strides = array<i32>} : memref<64x128xf32, #tpu.memory_space<vmem>>, vector<1x128xf32>,
    } else {
    }
    %add3A_329 = arith.constant 46 : i32
    %add3A_330 = arith.addi %get3A_50, %add3A_329 : i32
    %le3A_331 = arith.cmpi sle, %add3A_330, %get3A_53 : i32
    %convert_element_type3A_332 = arith.extui %le3A_331 : i1 to i32
    %cond3A_333 = arith.constant 0 : i32
    %cond3A_334 = arith.cmpi ne, %convert_element_type3A_332, %cond3A_333 : i32
    scf.if %cond3A_334 {
      %eq3A_442 = vector.broadcast %add3A_330 : i32 to vector<1000x1xi32>
      %eq3A_443 = arith.cmpi eq, %get3A_47, %eq3A_442 : vector<1000x1xi32>
      %jit3A = arith.constant 0.000000e+00 : f32
      %broadcast_in_dim3A = vector.shape_cast %eq3A_443 : vector<1000x1xi1> to vector<1000x1xi1>
      %broadcast_in_dim3A_444 = vector.broadcast %broadcast_in_dim3A : vector<1000x1xi1> to vector<1000x128xi1>
      %broadcast_in_dim3A_445 = vector.broadcast %jit3A : f32 to vector<1000x128xf32>
      %select_n3A = arith.select %broadcast_in_dim3A_444, %add3A_42, %broadcast_in_dim3A_445 : vector<1000x128xi1>, vector<1000x128xf32>
      %reduce_max3A = arith.constant dense<0xFF800000> : vector<128xf32>
      %reduce_max3A_446 = vector.multi_reduction <maximumf>, %select_n3A, %reduce_max3A [0] : vector<1000x128xf32> to vector<128xf32>
      %broadcast_in_dim3A_447 = vector.shape_cast %reduce_max3A_446 : vector<128xf32> to vector<1x128xf32>
      %get3A_448 = arith.index_cast %add3A_330 : i32 to index
      %get3A_449 = arith.constant 0 : index
      %get3A_450 = vector.load %arg12[%get3A_448, %get3A_449] : memref<64x128xf32, #tpu.memory_space<vmem>>, vector<1x128xf32>
      %max3A_451 = arith.maximumf %get3A_450, %broadcast_in_dim3A_447 : vector<1x128xf32>
      %swap3A = arith.index_cast %add3A_330 : i32 to index
      %swap3A_452 = arith.constant 0 : index
      %swap3A_453 = vector.load %arg12[%swap3A, %swap3A_452] : memref<64x128xf32, #tpu.memory_space<vmem>>, vector<1x128xf32>
      tpu.vector_store %arg12[%swap3A, %swap3A_452], %max3A_451 {strides = array<i32>} : memref<64x128xf32, #tpu.memory_space<vmem>>, vector<1x128xf32>,
    } else {
    }
    %add3A_335 = arith.constant 47 : i32
    %add3A_336 = arith.addi %get3A_50, %add3A_335 : i32
    %le3A_337 = arith.cmpi sle, %add3A_336, %get3A_53 : i32
    %convert_element_type3A_338 = arith.extui %le3A_337 : i1 to i32
    %cond3A_339 = arith.constant 0 : i32
    %cond3A_340 = arith.cmpi ne, %convert_element_type3A_338, %cond3A_339 : i32
    scf.if %cond3A_340 {
      %eq3A_442 = vector.broadcast %add3A_336 : i32 to vector<1000x1xi32>
      %eq3A_443 = arith.cmpi eq, %get3A_47, %eq3A_442 : vector<1000x1xi32>
      %jit3A = arith.constant 0.000000e+00 : f32
      %broadcast_in_dim3A = vector.shape_cast %eq3A_443 : vector<1000x1xi1> to vector<1000x1xi1>
      %broadcast_in_dim3A_444 = vector.broadcast %broadcast_in_dim3A : vector<1000x1xi1> to vector<1000x128xi1>
      %broadcast_in_dim3A_445 = vector.broadcast %jit3A : f32 to vector<1000x128xf32>
      %select_n3A = arith.select %broadcast_in_dim3A_444, %add3A_42, %broadcast_in_dim3A_445 : vector<1000x128xi1>, vector<1000x128xf32>
      %reduce_max3A = arith.constant dense<0xFF800000> : vector<128xf32>
      %reduce_max3A_446 = vector.multi_reduction <maximumf>, %select_n3A, %reduce_max3A [0] : vector<1000x128xf32> to vector<128xf32>
      %broadcast_in_dim3A_447 = vector.shape_cast %reduce_max3A_446 : vector<128xf32> to vector<1x128xf32>
      %get3A_448 = arith.index_cast %add3A_336 : i32 to index
      %get3A_449 = arith.constant 0 : index
      %get3A_450 = vector.load %arg12[%get3A_448, %get3A_449] : memref<64x128xf32, #tpu.memory_space<vmem>>, vector<1x128xf32>
      %max3A_451 = arith.maximumf %get3A_450, %broadcast_in_dim3A_447 : vector<1x128xf32>
      %swap3A = arith.index_cast %add3A_336 : i32 to index
      %swap3A_452 = arith.constant 0 : index
      %swap3A_453 = vector.load %arg12[%swap3A, %swap3A_452] : memref<64x128xf32, #tpu.memory_space<vmem>>, vector<1x128xf32>
      tpu.vector_store %arg12[%swap3A, %swap3A_452], %max3A_451 {strides = array<i32>} : memref<64x128xf32, #tpu.memory_space<vmem>>, vector<1x128xf32>,
    } else {
    }
    %add3A_341 = arith.constant 48 : i32
    %add3A_342 = arith.addi %get3A_50, %add3A_341 : i32
    %le3A_343 = arith.cmpi sle, %add3A_342, %get3A_53 : i32
    %convert_element_type3A_344 = arith.extui %le3A_343 : i1 to i32
    %cond3A_345 = arith.constant 0 : i32
    %cond3A_346 = arith.cmpi ne, %convert_element_type3A_344, %cond3A_345 : i32
    scf.if %cond3A_346 {
      %eq3A_442 = vector.broadcast %add3A_342 : i32 to vector<1000x1xi32>
      %eq3A_443 = arith.cmpi eq, %get3A_47, %eq3A_442 : vector<1000x1xi32>
      %jit3A = arith.constant 0.000000e+00 : f32
      %broadcast_in_dim3A = vector.shape_cast %eq3A_443 : vector<1000x1xi1> to vector<1000x1xi1>
      %broadcast_in_dim3A_444 = vector.broadcast %broadcast_in_dim3A : vector<1000x1xi1> to vector<1000x128xi1>
      %broadcast_in_dim3A_445 = vector.broadcast %jit3A : f32 to vector<1000x128xf32>
      %select_n3A = arith.select %broadcast_in_dim3A_444, %add3A_42, %broadcast_in_dim3A_445 : vector<1000x128xi1>, vector<1000x128xf32>
      %reduce_max3A = arith.constant dense<0xFF800000> : vector<128xf32>
      %reduce_max3A_446 = vector.multi_reduction <maximumf>, %select_n3A, %reduce_max3A [0] : vector<1000x128xf32> to vector<128xf32>
      %broadcast_in_dim3A_447 = vector.shape_cast %reduce_max3A_446 : vector<128xf32> to vector<1x128xf32>
      %get3A_448 = arith.index_cast %add3A_342 : i32 to index
      %get3A_449 = arith.constant 0 : index
      %get3A_450 = vector.load %arg12[%get3A_448, %get3A_449] : memref<64x128xf32, #tpu.memory_space<vmem>>, vector<1x128xf32>
      %max3A_451 = arith.maximumf %get3A_450, %broadcast_in_dim3A_447 : vector<1x128xf32>
      %swap3A = arith.index_cast %add3A_342 : i32 to index
      %swap3A_452 = arith.constant 0 : index
      %swap3A_453 = vector.load %arg12[%swap3A, %swap3A_452] : memref<64x128xf32, #tpu.memory_space<vmem>>, vector<1x128xf32>
      tpu.vector_store %arg12[%swap3A, %swap3A_452], %max3A_451 {strides = array<i32>} : memref<64x128xf32, #tpu.memory_space<vmem>>, vector<1x128xf32>,
    } else {
    }
    %add3A_347 = arith.constant 49 : i32
    %add3A_348 = arith.addi %get3A_50, %add3A_347 : i32
    %le3A_349 = arith.cmpi sle, %add3A_348, %get3A_53 : i32
    %convert_element_type3A_350 = arith.extui %le3A_349 : i1 to i32
    %cond3A_351 = arith.constant 0 : i32
    %cond3A_352 = arith.cmpi ne, %convert_element_type3A_350, %cond3A_351 : i32
    scf.if %cond3A_352 {
      %eq3A_442 = vector.broadcast %add3A_348 : i32 to vector<1000x1xi32>
      %eq3A_443 = arith.cmpi eq, %get3A_47, %eq3A_442 : vector<1000x1xi32>
      %jit3A = arith.constant 0.000000e+00 : f32
      %broadcast_in_dim3A = vector.shape_cast %eq3A_443 : vector<1000x1xi1> to vector<1000x1xi1>
      %broadcast_in_dim3A_444 = vector.broadcast %broadcast_in_dim3A : vector<1000x1xi1> to vector<1000x128xi1>
      %broadcast_in_dim3A_445 = vector.broadcast %jit3A : f32 to vector<1000x128xf32>
      %select_n3A = arith.select %broadcast_in_dim3A_444, %add3A_42, %broadcast_in_dim3A_445 : vector<1000x128xi1>, vector<1000x128xf32>
      %reduce_max3A = arith.constant dense<0xFF800000> : vector<128xf32>
      %reduce_max3A_446 = vector.multi_reduction <maximumf>, %select_n3A, %reduce_max3A [0] : vector<1000x128xf32> to vector<128xf32>
      %broadcast_in_dim3A_447 = vector.shape_cast %reduce_max3A_446 : vector<128xf32> to vector<1x128xf32>
      %get3A_448 = arith.index_cast %add3A_348 : i32 to index
      %get3A_449 = arith.constant 0 : index
      %get3A_450 = vector.load %arg12[%get3A_448, %get3A_449] : memref<64x128xf32, #tpu.memory_space<vmem>>, vector<1x128xf32>
      %max3A_451 = arith.maximumf %get3A_450, %broadcast_in_dim3A_447 : vector<1x128xf32>
      %swap3A = arith.index_cast %add3A_348 : i32 to index
      %swap3A_452 = arith.constant 0 : index
      %swap3A_453 = vector.load %arg12[%swap3A, %swap3A_452] : memref<64x128xf32, #tpu.memory_space<vmem>>, vector<1x128xf32>
      tpu.vector_store %arg12[%swap3A, %swap3A_452], %max3A_451 {strides = array<i32>} : memref<64x128xf32, #tpu.memory_space<vmem>>, vector<1x128xf32>,
    } else {
    }
    %add3A_353 = arith.constant 50 : i32
    %add3A_354 = arith.addi %get3A_50, %add3A_353 : i32
    %le3A_355 = arith.cmpi sle, %add3A_354, %get3A_53 : i32
    %convert_element_type3A_356 = arith.extui %le3A_355 : i1 to i32
    %cond3A_357 = arith.constant 0 : i32
    %cond3A_358 = arith.cmpi ne, %convert_element_type3A_356, %cond3A_357 : i32
    scf.if %cond3A_358 {
      %eq3A_442 = vector.broadcast %add3A_354 : i32 to vector<1000x1xi32>
      %eq3A_443 = arith.cmpi eq, %get3A_47, %eq3A_442 : vector<1000x1xi32>
      %jit3A = arith.constant 0.000000e+00 : f32
      %broadcast_in_dim3A = vector.shape_cast %eq3A_443 : vector<1000x1xi1> to vector<1000x1xi1>
      %broadcast_in_dim3A_444 = vector.broadcast %broadcast_in_dim3A : vector<1000x1xi1> to vector<1000x128xi1>
      %broadcast_in_dim3A_445 = vector.broadcast %jit3A : f32 to vector<1000x128xf32>
      %select_n3A = arith.select %broadcast_in_dim3A_444, %add3A_42, %broadcast_in_dim3A_445 : vector<1000x128xi1>, vector<1000x128xf32>
      %reduce_max3A = arith.constant dense<0xFF800000> : vector<128xf32>
      %reduce_max3A_446 = vector.multi_reduction <maximumf>, %select_n3A, %reduce_max3A [0] : vector<1000x128xf32> to vector<128xf32>
      %broadcast_in_dim3A_447 = vector.shape_cast %reduce_max3A_446 : vector<128xf32> to vector<1x128xf32>
      %get3A_448 = arith.index_cast %add3A_354 : i32 to index
      %get3A_449 = arith.constant 0 : index
      %get3A_450 = vector.load %arg12[%get3A_448, %get3A_449] : memref<64x128xf32, #tpu.memory_space<vmem>>, vector<1x128xf32>
      %max3A_451 = arith.maximumf %get3A_450, %broadcast_in_dim3A_447 : vector<1x128xf32>
      %swap3A = arith.index_cast %add3A_354 : i32 to index
      %swap3A_452 = arith.constant 0 : index
      %swap3A_453 = vector.load %arg12[%swap3A, %swap3A_452] : memref<64x128xf32, #tpu.memory_space<vmem>>, vector<1x128xf32>
      tpu.vector_store %arg12[%swap3A, %swap3A_452], %max3A_451 {strides = array<i32>} : memref<64x128xf32, #tpu.memory_space<vmem>>, vector<1x128xf32>,
    } else {
    }
    %add3A_359 = arith.constant 51 : i32
    %add3A_360 = arith.addi %get3A_50, %add3A_359 : i32
    %le3A_361 = arith.cmpi sle, %add3A_360, %get3A_53 : i32
    %convert_element_type3A_362 = arith.extui %le3A_361 : i1 to i32
    %cond3A_363 = arith.constant 0 : i32
    %cond3A_364 = arith.cmpi ne, %convert_element_type3A_362, %cond3A_363 : i32
    scf.if %cond3A_364 {
      %eq3A_442 = vector.broadcast %add3A_360 : i32 to vector<1000x1xi32>
      %eq3A_443 = arith.cmpi eq, %get3A_47, %eq3A_442 : vector<1000x1xi32>
      %jit3A = arith.constant 0.000000e+00 : f32
      %broadcast_in_dim3A = vector.shape_cast %eq3A_443 : vector<1000x1xi1> to vector<1000x1xi1>
      %broadcast_in_dim3A_444 = vector.broadcast %broadcast_in_dim3A : vector<1000x1xi1> to vector<1000x128xi1>
      %broadcast_in_dim3A_445 = vector.broadcast %jit3A : f32 to vector<1000x128xf32>
      %select_n3A = arith.select %broadcast_in_dim3A_444, %add3A_42, %broadcast_in_dim3A_445 : vector<1000x128xi1>, vector<1000x128xf32>
      %reduce_max3A = arith.constant dense<0xFF800000> : vector<128xf32>
      %reduce_max3A_446 = vector.multi_reduction <maximumf>, %select_n3A, %reduce_max3A [0] : vector<1000x128xf32> to vector<128xf32>
      %broadcast_in_dim3A_447 = vector.shape_cast %reduce_max3A_446 : vector<128xf32> to vector<1x128xf32>
      %get3A_448 = arith.index_cast %add3A_360 : i32 to index
      %get3A_449 = arith.constant 0 : index
      %get3A_450 = vector.load %arg12[%get3A_448, %get3A_449] : memref<64x128xf32, #tpu.memory_space<vmem>>, vector<1x128xf32>
      %max3A_451 = arith.maximumf %get3A_450, %broadcast_in_dim3A_447 : vector<1x128xf32>
      %swap3A = arith.index_cast %add3A_360 : i32 to index
      %swap3A_452 = arith.constant 0 : index
      %swap3A_453 = vector.load %arg12[%swap3A, %swap3A_452] : memref<64x128xf32, #tpu.memory_space<vmem>>, vector<1x128xf32>
      tpu.vector_store %arg12[%swap3A, %swap3A_452], %max3A_451 {strides = array<i32>} : memref<64x128xf32, #tpu.memory_space<vmem>>, vector<1x128xf32>,
    } else {
    }
    %add3A_365 = arith.constant 52 : i32
    %add3A_366 = arith.addi %get3A_50, %add3A_365 : i32
    %le3A_367 = arith.cmpi sle, %add3A_366, %get3A_53 : i32
    %convert_element_type3A_368 = arith.extui %le3A_367 : i1 to i32
    %cond3A_369 = arith.constant 0 : i32
    %cond3A_370 = arith.cmpi ne, %convert_element_type3A_368, %cond3A_369 : i32
    scf.if %cond3A_370 {
      %eq3A_442 = vector.broadcast %add3A_366 : i32 to vector<1000x1xi32>
      %eq3A_443 = arith.cmpi eq, %get3A_47, %eq3A_442 : vector<1000x1xi32>
      %jit3A = arith.constant 0.000000e+00 : f32
      %broadcast_in_dim3A = vector.shape_cast %eq3A_443 : vector<1000x1xi1> to vector<1000x1xi1>
      %broadcast_in_dim3A_444 = vector.broadcast %broadcast_in_dim3A : vector<1000x1xi1> to vector<1000x128xi1>
      %broadcast_in_dim3A_445 = vector.broadcast %jit3A : f32 to vector<1000x128xf32>
      %select_n3A = arith.select %broadcast_in_dim3A_444, %add3A_42, %broadcast_in_dim3A_445 : vector<1000x128xi1>, vector<1000x128xf32>
      %reduce_max3A = arith.constant dense<0xFF800000> : vector<128xf32>
      %reduce_max3A_446 = vector.multi_reduction <maximumf>, %select_n3A, %reduce_max3A [0] : vector<1000x128xf32> to vector<128xf32>
      %broadcast_in_dim3A_447 = vector.shape_cast %reduce_max3A_446 : vector<128xf32> to vector<1x128xf32>
      %get3A_448 = arith.index_cast %add3A_366 : i32 to index
      %get3A_449 = arith.constant 0 : index
      %get3A_450 = vector.load %arg12[%get3A_448, %get3A_449] : memref<64x128xf32, #tpu.memory_space<vmem>>, vector<1x128xf32>
      %max3A_451 = arith.maximumf %get3A_450, %broadcast_in_dim3A_447 : vector<1x128xf32>
      %swap3A = arith.index_cast %add3A_366 : i32 to index
      %swap3A_452 = arith.constant 0 : index
      %swap3A_453 = vector.load %arg12[%swap3A, %swap3A_452] : memref<64x128xf32, #tpu.memory_space<vmem>>, vector<1x128xf32>
      tpu.vector_store %arg12[%swap3A, %swap3A_452], %max3A_451 {strides = array<i32>} : memref<64x128xf32, #tpu.memory_space<vmem>>, vector<1x128xf32>,
    } else {
    }
    %add3A_371 = arith.constant 53 : i32
    %add3A_372 = arith.addi %get3A_50, %add3A_371 : i32
    %le3A_373 = arith.cmpi sle, %add3A_372, %get3A_53 : i32
    %convert_element_type3A_374 = arith.extui %le3A_373 : i1 to i32
    %cond3A_375 = arith.constant 0 : i32
    %cond3A_376 = arith.cmpi ne, %convert_element_type3A_374, %cond3A_375 : i32
    scf.if %cond3A_376 {
      %eq3A_442 = vector.broadcast %add3A_372 : i32 to vector<1000x1xi32>
      %eq3A_443 = arith.cmpi eq, %get3A_47, %eq3A_442 : vector<1000x1xi32>
      %jit3A = arith.constant 0.000000e+00 : f32
      %broadcast_in_dim3A = vector.shape_cast %eq3A_443 : vector<1000x1xi1> to vector<1000x1xi1>
      %broadcast_in_dim3A_444 = vector.broadcast %broadcast_in_dim3A : vector<1000x1xi1> to vector<1000x128xi1>
      %broadcast_in_dim3A_445 = vector.broadcast %jit3A : f32 to vector<1000x128xf32>
      %select_n3A = arith.select %broadcast_in_dim3A_444, %add3A_42, %broadcast_in_dim3A_445 : vector<1000x128xi1>, vector<1000x128xf32>
      %reduce_max3A = arith.constant dense<0xFF800000> : vector<128xf32>
      %reduce_max3A_446 = vector.multi_reduction <maximumf>, %select_n3A, %reduce_max3A [0] : vector<1000x128xf32> to vector<128xf32>
      %broadcast_in_dim3A_447 = vector.shape_cast %reduce_max3A_446 : vector<128xf32> to vector<1x128xf32>
      %get3A_448 = arith.index_cast %add3A_372 : i32 to index
      %get3A_449 = arith.constant 0 : index
      %get3A_450 = vector.load %arg12[%get3A_448, %get3A_449] : memref<64x128xf32, #tpu.memory_space<vmem>>, vector<1x128xf32>
      %max3A_451 = arith.maximumf %get3A_450, %broadcast_in_dim3A_447 : vector<1x128xf32>
      %swap3A = arith.index_cast %add3A_372 : i32 to index
      %swap3A_452 = arith.constant 0 : index
      %swap3A_453 = vector.load %arg12[%swap3A, %swap3A_452] : memref<64x128xf32, #tpu.memory_space<vmem>>, vector<1x128xf32>
      tpu.vector_store %arg12[%swap3A, %swap3A_452], %max3A_451 {strides = array<i32>} : memref<64x128xf32, #tpu.memory_space<vmem>>, vector<1x128xf32>,
    } else {
    }
    %add3A_377 = arith.constant 54 : i32
    %add3A_378 = arith.addi %get3A_50, %add3A_377 : i32
    %le3A_379 = arith.cmpi sle, %add3A_378, %get3A_53 : i32
    %convert_element_type3A_380 = arith.extui %le3A_379 : i1 to i32
    %cond3A_381 = arith.constant 0 : i32
    %cond3A_382 = arith.cmpi ne, %convert_element_type3A_380, %cond3A_381 : i32
    scf.if %cond3A_382 {
      %eq3A_442 = vector.broadcast %add3A_378 : i32 to vector<1000x1xi32>
      %eq3A_443 = arith.cmpi eq, %get3A_47, %eq3A_442 : vector<1000x1xi32>
      %jit3A = arith.constant 0.000000e+00 : f32
      %broadcast_in_dim3A = vector.shape_cast %eq3A_443 : vector<1000x1xi1> to vector<1000x1xi1>
      %broadcast_in_dim3A_444 = vector.broadcast %broadcast_in_dim3A : vector<1000x1xi1> to vector<1000x128xi1>
      %broadcast_in_dim3A_445 = vector.broadcast %jit3A : f32 to vector<1000x128xf32>
      %select_n3A = arith.select %broadcast_in_dim3A_444, %add3A_42, %broadcast_in_dim3A_445 : vector<1000x128xi1>, vector<1000x128xf32>
      %reduce_max3A = arith.constant dense<0xFF800000> : vector<128xf32>
      %reduce_max3A_446 = vector.multi_reduction <maximumf>, %select_n3A, %reduce_max3A [0] : vector<1000x128xf32> to vector<128xf32>
      %broadcast_in_dim3A_447 = vector.shape_cast %reduce_max3A_446 : vector<128xf32> to vector<1x128xf32>
      %get3A_448 = arith.index_cast %add3A_378 : i32 to index
      %get3A_449 = arith.constant 0 : index
      %get3A_450 = vector.load %arg12[%get3A_448, %get3A_449] : memref<64x128xf32, #tpu.memory_space<vmem>>, vector<1x128xf32>
      %max3A_451 = arith.maximumf %get3A_450, %broadcast_in_dim3A_447 : vector<1x128xf32>
      %swap3A = arith.index_cast %add3A_378 : i32 to index
      %swap3A_452 = arith.constant 0 : index
      %swap3A_453 = vector.load %arg12[%swap3A, %swap3A_452] : memref<64x128xf32, #tpu.memory_space<vmem>>, vector<1x128xf32>
      tpu.vector_store %arg12[%swap3A, %swap3A_452], %max3A_451 {strides = array<i32>} : memref<64x128xf32, #tpu.memory_space<vmem>>, vector<1x128xf32>,
    } else {
    }
    %add3A_383 = arith.constant 55 : i32
    %add3A_384 = arith.addi %get3A_50, %add3A_383 : i32
    %le3A_385 = arith.cmpi sle, %add3A_384, %get3A_53 : i32
    %convert_element_type3A_386 = arith.extui %le3A_385 : i1 to i32
    %cond3A_387 = arith.constant 0 : i32
    %cond3A_388 = arith.cmpi ne, %convert_element_type3A_386, %cond3A_387 : i32
    scf.if %cond3A_388 {
      %eq3A_442 = vector.broadcast %add3A_384 : i32 to vector<1000x1xi32>
      %eq3A_443 = arith.cmpi eq, %get3A_47, %eq3A_442 : vector<1000x1xi32>
      %jit3A = arith.constant 0.000000e+00 : f32
      %broadcast_in_dim3A = vector.shape_cast %eq3A_443 : vector<1000x1xi1> to vector<1000x1xi1>
      %broadcast_in_dim3A_444 = vector.broadcast %broadcast_in_dim3A : vector<1000x1xi1> to vector<1000x128xi1>
      %broadcast_in_dim3A_445 = vector.broadcast %jit3A : f32 to vector<1000x128xf32>
      %select_n3A = arith.select %broadcast_in_dim3A_444, %add3A_42, %broadcast_in_dim3A_445 : vector<1000x128xi1>, vector<1000x128xf32>
      %reduce_max3A = arith.constant dense<0xFF800000> : vector<128xf32>
      %reduce_max3A_446 = vector.multi_reduction <maximumf>, %select_n3A, %reduce_max3A [0] : vector<1000x128xf32> to vector<128xf32>
      %broadcast_in_dim3A_447 = vector.shape_cast %reduce_max3A_446 : vector<128xf32> to vector<1x128xf32>
      %get3A_448 = arith.index_cast %add3A_384 : i32 to index
      %get3A_449 = arith.constant 0 : index
      %get3A_450 = vector.load %arg12[%get3A_448, %get3A_449] : memref<64x128xf32, #tpu.memory_space<vmem>>, vector<1x128xf32>
      %max3A_451 = arith.maximumf %get3A_450, %broadcast_in_dim3A_447 : vector<1x128xf32>
      %swap3A = arith.index_cast %add3A_384 : i32 to index
      %swap3A_452 = arith.constant 0 : index
      %swap3A_453 = vector.load %arg12[%swap3A, %swap3A_452] : memref<64x128xf32, #tpu.memory_space<vmem>>, vector<1x128xf32>
      tpu.vector_store %arg12[%swap3A, %swap3A_452], %max3A_451 {strides = array<i32>} : memref<64x128xf32, #tpu.memory_space<vmem>>, vector<1x128xf32>,
    } else {
    }
    %add3A_389 = arith.constant 56 : i32
    %add3A_390 = arith.addi %get3A_50, %add3A_389 : i32
    %le3A_391 = arith.cmpi sle, %add3A_390, %get3A_53 : i32
    %convert_element_type3A_392 = arith.extui %le3A_391 : i1 to i32
    %cond3A_393 = arith.constant 0 : i32
    %cond3A_394 = arith.cmpi ne, %convert_element_type3A_392, %cond3A_393 : i32
    scf.if %cond3A_394 {
      %eq3A_442 = vector.broadcast %add3A_390 : i32 to vector<1000x1xi32>
      %eq3A_443 = arith.cmpi eq, %get3A_47, %eq3A_442 : vector<1000x1xi32>
      %jit3A = arith.constant 0.000000e+00 : f32
      %broadcast_in_dim3A = vector.shape_cast %eq3A_443 : vector<1000x1xi1> to vector<1000x1xi1>
      %broadcast_in_dim3A_444 = vector.broadcast %broadcast_in_dim3A : vector<1000x1xi1> to vector<1000x128xi1>
      %broadcast_in_dim3A_445 = vector.broadcast %jit3A : f32 to vector<1000x128xf32>
      %select_n3A = arith.select %broadcast_in_dim3A_444, %add3A_42, %broadcast_in_dim3A_445 : vector<1000x128xi1>, vector<1000x128xf32>
      %reduce_max3A = arith.constant dense<0xFF800000> : vector<128xf32>
      %reduce_max3A_446 = vector.multi_reduction <maximumf>, %select_n3A, %reduce_max3A [0] : vector<1000x128xf32> to vector<128xf32>
      %broadcast_in_dim3A_447 = vector.shape_cast %reduce_max3A_446 : vector<128xf32> to vector<1x128xf32>
      %get3A_448 = arith.index_cast %add3A_390 : i32 to index
      %get3A_449 = arith.constant 0 : index
      %get3A_450 = vector.load %arg12[%get3A_448, %get3A_449] : memref<64x128xf32, #tpu.memory_space<vmem>>, vector<1x128xf32>
      %max3A_451 = arith.maximumf %get3A_450, %broadcast_in_dim3A_447 : vector<1x128xf32>
      %swap3A = arith.index_cast %add3A_390 : i32 to index
      %swap3A_452 = arith.constant 0 : index
      %swap3A_453 = vector.load %arg12[%swap3A, %swap3A_452] : memref<64x128xf32, #tpu.memory_space<vmem>>, vector<1x128xf32>
      tpu.vector_store %arg12[%swap3A, %swap3A_452], %max3A_451 {strides = array<i32>} : memref<64x128xf32, #tpu.memory_space<vmem>>, vector<1x128xf32>,
    } else {
    }
    %add3A_395 = arith.constant 57 : i32
    %add3A_396 = arith.addi %get3A_50, %add3A_395 : i32
    %le3A_397 = arith.cmpi sle, %add3A_396, %get3A_53 : i32
    %convert_element_type3A_398 = arith.extui %le3A_397 : i1 to i32
    %cond3A_399 = arith.constant 0 : i32
    %cond3A_400 = arith.cmpi ne, %convert_element_type3A_398, %cond3A_399 : i32
    scf.if %cond3A_400 {
      %eq3A_442 = vector.broadcast %add3A_396 : i32 to vector<1000x1xi32>
      %eq3A_443 = arith.cmpi eq, %get3A_47, %eq3A_442 : vector<1000x1xi32>
      %jit3A = arith.constant 0.000000e+00 : f32
      %broadcast_in_dim3A = vector.shape_cast %eq3A_443 : vector<1000x1xi1> to vector<1000x1xi1>
      %broadcast_in_dim3A_444 = vector.broadcast %broadcast_in_dim3A : vector<1000x1xi1> to vector<1000x128xi1>
      %broadcast_in_dim3A_445 = vector.broadcast %jit3A : f32 to vector<1000x128xf32>
      %select_n3A = arith.select %broadcast_in_dim3A_444, %add3A_42, %broadcast_in_dim3A_445 : vector<1000x128xi1>, vector<1000x128xf32>
      %reduce_max3A = arith.constant dense<0xFF800000> : vector<128xf32>
      %reduce_max3A_446 = vector.multi_reduction <maximumf>, %select_n3A, %reduce_max3A [0] : vector<1000x128xf32> to vector<128xf32>
      %broadcast_in_dim3A_447 = vector.shape_cast %reduce_max3A_446 : vector<128xf32> to vector<1x128xf32>
      %get3A_448 = arith.index_cast %add3A_396 : i32 to index
      %get3A_449 = arith.constant 0 : index
      %get3A_450 = vector.load %arg12[%get3A_448, %get3A_449] : memref<64x128xf32, #tpu.memory_space<vmem>>, vector<1x128xf32>
      %max3A_451 = arith.maximumf %get3A_450, %broadcast_in_dim3A_447 : vector<1x128xf32>
      %swap3A = arith.index_cast %add3A_396 : i32 to index
      %swap3A_452 = arith.constant 0 : index
      %swap3A_453 = vector.load %arg12[%swap3A, %swap3A_452] : memref<64x128xf32, #tpu.memory_space<vmem>>, vector<1x128xf32>
      tpu.vector_store %arg12[%swap3A, %swap3A_452], %max3A_451 {strides = array<i32>} : memref<64x128xf32, #tpu.memory_space<vmem>>, vector<1x128xf32>,
    } else {
    }
    %add3A_401 = arith.constant 58 : i32
    %add3A_402 = arith.addi %get3A_50, %add3A_401 : i32
    %le3A_403 = arith.cmpi sle, %add3A_402, %get3A_53 : i32
    %convert_element_type3A_404 = arith.extui %le3A_403 : i1 to i32
    %cond3A_405 = arith.constant 0 : i32
    %cond3A_406 = arith.cmpi ne, %convert_element_type3A_404, %cond3A_405 : i32
    scf.if %cond3A_406 {
      %eq3A_442 = vector.broadcast %add3A_402 : i32 to vector<1000x1xi32>
      %eq3A_443 = arith.cmpi eq, %get3A_47, %eq3A_442 : vector<1000x1xi32>
      %jit3A = arith.constant 0.000000e+00 : f32
      %broadcast_in_dim3A = vector.shape_cast %eq3A_443 : vector<1000x1xi1> to vector<1000x1xi1>
      %broadcast_in_dim3A_444 = vector.broadcast %broadcast_in_dim3A : vector<1000x1xi1> to vector<1000x128xi1>
      %broadcast_in_dim3A_445 = vector.broadcast %jit3A : f32 to vector<1000x128xf32>
      %select_n3A = arith.select %broadcast_in_dim3A_444, %add3A_42, %broadcast_in_dim3A_445 : vector<1000x128xi1>, vector<1000x128xf32>
      %reduce_max3A = arith.constant dense<0xFF800000> : vector<128xf32>
      %reduce_max3A_446 = vector.multi_reduction <maximumf>, %select_n3A, %reduce_max3A [0] : vector<1000x128xf32> to vector<128xf32>
      %broadcast_in_dim3A_447 = vector.shape_cast %reduce_max3A_446 : vector<128xf32> to vector<1x128xf32>
      %get3A_448 = arith.index_cast %add3A_402 : i32 to index
      %get3A_449 = arith.constant 0 : index
      %get3A_450 = vector.load %arg12[%get3A_448, %get3A_449] : memref<64x128xf32, #tpu.memory_space<vmem>>, vector<1x128xf32>
      %max3A_451 = arith.maximumf %get3A_450, %broadcast_in_dim3A_447 : vector<1x128xf32>
      %swap3A = arith.index_cast %add3A_402 : i32 to index
      %swap3A_452 = arith.constant 0 : index
      %swap3A_453 = vector.load %arg12[%swap3A, %swap3A_452] : memref<64x128xf32, #tpu.memory_space<vmem>>, vector<1x128xf32>
      tpu.vector_store %arg12[%swap3A, %swap3A_452], %max3A_451 {strides = array<i32>} : memref<64x128xf32, #tpu.memory_space<vmem>>, vector<1x128xf32>,
    } else {
    }
    %add3A_407 = arith.constant 59 : i32
    %add3A_408 = arith.addi %get3A_50, %add3A_407 : i32
    %le3A_409 = arith.cmpi sle, %add3A_408, %get3A_53 : i32
    %convert_element_type3A_410 = arith.extui %le3A_409 : i1 to i32
    %cond3A_411 = arith.constant 0 : i32
    %cond3A_412 = arith.cmpi ne, %convert_element_type3A_410, %cond3A_411 : i32
    scf.if %cond3A_412 {
      %eq3A_442 = vector.broadcast %add3A_408 : i32 to vector<1000x1xi32>
      %eq3A_443 = arith.cmpi eq, %get3A_47, %eq3A_442 : vector<1000x1xi32>
      %jit3A = arith.constant 0.000000e+00 : f32
      %broadcast_in_dim3A = vector.shape_cast %eq3A_443 : vector<1000x1xi1> to vector<1000x1xi1>
      %broadcast_in_dim3A_444 = vector.broadcast %broadcast_in_dim3A : vector<1000x1xi1> to vector<1000x128xi1>
      %broadcast_in_dim3A_445 = vector.broadcast %jit3A : f32 to vector<1000x128xf32>
      %select_n3A = arith.select %broadcast_in_dim3A_444, %add3A_42, %broadcast_in_dim3A_445 : vector<1000x128xi1>, vector<1000x128xf32>
      %reduce_max3A = arith.constant dense<0xFF800000> : vector<128xf32>
      %reduce_max3A_446 = vector.multi_reduction <maximumf>, %select_n3A, %reduce_max3A [0] : vector<1000x128xf32> to vector<128xf32>
      %broadcast_in_dim3A_447 = vector.shape_cast %reduce_max3A_446 : vector<128xf32> to vector<1x128xf32>
      %get3A_448 = arith.index_cast %add3A_408 : i32 to index
      %get3A_449 = arith.constant 0 : index
      %get3A_450 = vector.load %arg12[%get3A_448, %get3A_449] : memref<64x128xf32, #tpu.memory_space<vmem>>, vector<1x128xf32>
      %max3A_451 = arith.maximumf %get3A_450, %broadcast_in_dim3A_447 : vector<1x128xf32>
      %swap3A = arith.index_cast %add3A_408 : i32 to index
      %swap3A_452 = arith.constant 0 : index
      %swap3A_453 = vector.load %arg12[%swap3A, %swap3A_452] : memref<64x128xf32, #tpu.memory_space<vmem>>, vector<1x128xf32>
      tpu.vector_store %arg12[%swap3A, %swap3A_452], %max3A_451 {strides = array<i32>} : memref<64x128xf32, #tpu.memory_space<vmem>>, vector<1x128xf32>,
    } else {
    }
    %add3A_413 = arith.constant 60 : i32
    %add3A_414 = arith.addi %get3A_50, %add3A_413 : i32
    %le3A_415 = arith.cmpi sle, %add3A_414, %get3A_53 : i32
    %convert_element_type3A_416 = arith.extui %le3A_415 : i1 to i32
    %cond3A_417 = arith.constant 0 : i32
    %cond3A_418 = arith.cmpi ne, %convert_element_type3A_416, %cond3A_417 : i32
    scf.if %cond3A_418 {
      %eq3A_442 = vector.broadcast %add3A_414 : i32 to vector<1000x1xi32>
      %eq3A_443 = arith.cmpi eq, %get3A_47, %eq3A_442 : vector<1000x1xi32>
      %jit3A = arith.constant 0.000000e+00 : f32
      %broadcast_in_dim3A = vector.shape_cast %eq3A_443 : vector<1000x1xi1> to vector<1000x1xi1>
      %broadcast_in_dim3A_444 = vector.broadcast %broadcast_in_dim3A : vector<1000x1xi1> to vector<1000x128xi1>
      %broadcast_in_dim3A_445 = vector.broadcast %jit3A : f32 to vector<1000x128xf32>
      %select_n3A = arith.select %broadcast_in_dim3A_444, %add3A_42, %broadcast_in_dim3A_445 : vector<1000x128xi1>, vector<1000x128xf32>
      %reduce_max3A = arith.constant dense<0xFF800000> : vector<128xf32>
      %reduce_max3A_446 = vector.multi_reduction <maximumf>, %select_n3A, %reduce_max3A [0] : vector<1000x128xf32> to vector<128xf32>
      %broadcast_in_dim3A_447 = vector.shape_cast %reduce_max3A_446 : vector<128xf32> to vector<1x128xf32>
      %get3A_448 = arith.index_cast %add3A_414 : i32 to index
      %get3A_449 = arith.constant 0 : index
      %get3A_450 = vector.load %arg12[%get3A_448, %get3A_449] : memref<64x128xf32, #tpu.memory_space<vmem>>, vector<1x128xf32>
      %max3A_451 = arith.maximumf %get3A_450, %broadcast_in_dim3A_447 : vector<1x128xf32>
      %swap3A = arith.index_cast %add3A_414 : i32 to index
      %swap3A_452 = arith.constant 0 : index
      %swap3A_453 = vector.load %arg12[%swap3A, %swap3A_452] : memref<64x128xf32, #tpu.memory_space<vmem>>, vector<1x128xf32>
      tpu.vector_store %arg12[%swap3A, %swap3A_452], %max3A_451 {strides = array<i32>} : memref<64x128xf32, #tpu.memory_space<vmem>>, vector<1x128xf32>,
    } else {
    }
    %add3A_419 = arith.constant 61 : i32
    %add3A_420 = arith.addi %get3A_50, %add3A_419 : i32
    %le3A_421 = arith.cmpi sle, %add3A_420, %get3A_53 : i32
    %convert_element_type3A_422 = arith.extui %le3A_421 : i1 to i32
    %cond3A_423 = arith.constant 0 : i32
    %cond3A_424 = arith.cmpi ne, %convert_element_type3A_422, %cond3A_423 : i32
    scf.if %cond3A_424 {
      %eq3A_442 = vector.broadcast %add3A_420 : i32 to vector<1000x1xi32>
      %eq3A_443 = arith.cmpi eq, %get3A_47, %eq3A_442 : vector<1000x1xi32>
      %jit3A = arith.constant 0.000000e+00 : f32
      %broadcast_in_dim3A = vector.shape_cast %eq3A_443 : vector<1000x1xi1> to vector<1000x1xi1>
      %broadcast_in_dim3A_444 = vector.broadcast %broadcast_in_dim3A : vector<1000x1xi1> to vector<1000x128xi1>
      %broadcast_in_dim3A_445 = vector.broadcast %jit3A : f32 to vector<1000x128xf32>
      %select_n3A = arith.select %broadcast_in_dim3A_444, %add3A_42, %broadcast_in_dim3A_445 : vector<1000x128xi1>, vector<1000x128xf32>
      %reduce_max3A = arith.constant dense<0xFF800000> : vector<128xf32>
      %reduce_max3A_446 = vector.multi_reduction <maximumf>, %select_n3A, %reduce_max3A [0] : vector<1000x128xf32> to vector<128xf32>
      %broadcast_in_dim3A_447 = vector.shape_cast %reduce_max3A_446 : vector<128xf32> to vector<1x128xf32>
      %get3A_448 = arith.index_cast %add3A_420 : i32 to index
      %get3A_449 = arith.constant 0 : index
      %get3A_450 = vector.load %arg12[%get3A_448, %get3A_449] : memref<64x128xf32, #tpu.memory_space<vmem>>, vector<1x128xf32>
      %max3A_451 = arith.maximumf %get3A_450, %broadcast_in_dim3A_447 : vector<1x128xf32>
      %swap3A = arith.index_cast %add3A_420 : i32 to index
      %swap3A_452 = arith.constant 0 : index
      %swap3A_453 = vector.load %arg12[%swap3A, %swap3A_452] : memref<64x128xf32, #tpu.memory_space<vmem>>, vector<1x128xf32>
      tpu.vector_store %arg12[%swap3A, %swap3A_452], %max3A_451 {strides = array<i32>} : memref<64x128xf32, #tpu.memory_space<vmem>>, vector<1x128xf32>,
    } else {
    }
    %add3A_425 = arith.constant 62 : i32
    %add3A_426 = arith.addi %get3A_50, %add3A_425 : i32
    %le3A_427 = arith.cmpi sle, %add3A_426, %get3A_53 : i32
    %convert_element_type3A_428 = arith.extui %le3A_427 : i1 to i32
    %cond3A_429 = arith.constant 0 : i32
    %cond3A_430 = arith.cmpi ne, %convert_element_type3A_428, %cond3A_429 : i32
    scf.if %cond3A_430 {
      %eq3A_442 = vector.broadcast %add3A_426 : i32 to vector<1000x1xi32>
      %eq3A_443 = arith.cmpi eq, %get3A_47, %eq3A_442 : vector<1000x1xi32>
      %jit3A = arith.constant 0.000000e+00 : f32
      %broadcast_in_dim3A = vector.shape_cast %eq3A_443 : vector<1000x1xi1> to vector<1000x1xi1>
      %broadcast_in_dim3A_444 = vector.broadcast %broadcast_in_dim3A : vector<1000x1xi1> to vector<1000x128xi1>
      %broadcast_in_dim3A_445 = vector.broadcast %jit3A : f32 to vector<1000x128xf32>
      %select_n3A = arith.select %broadcast_in_dim3A_444, %add3A_42, %broadcast_in_dim3A_445 : vector<1000x128xi1>, vector<1000x128xf32>
      %reduce_max3A = arith.constant dense<0xFF800000> : vector<128xf32>
      %reduce_max3A_446 = vector.multi_reduction <maximumf>, %select_n3A, %reduce_max3A [0] : vector<1000x128xf32> to vector<128xf32>
      %broadcast_in_dim3A_447 = vector.shape_cast %reduce_max3A_446 : vector<128xf32> to vector<1x128xf32>
      %get3A_448 = arith.index_cast %add3A_426 : i32 to index
      %get3A_449 = arith.constant 0 : index
      %get3A_450 = vector.load %arg12[%get3A_448, %get3A_449] : memref<64x128xf32, #tpu.memory_space<vmem>>, vector<1x128xf32>
      %max3A_451 = arith.maximumf %get3A_450, %broadcast_in_dim3A_447 : vector<1x128xf32>
      %swap3A = arith.index_cast %add3A_426 : i32 to index
      %swap3A_452 = arith.constant 0 : index
      %swap3A_453 = vector.load %arg12[%swap3A, %swap3A_452] : memref<64x128xf32, #tpu.memory_space<vmem>>, vector<1x128xf32>
      tpu.vector_store %arg12[%swap3A, %swap3A_452], %max3A_451 {strides = array<i32>} : memref<64x128xf32, #tpu.memory_space<vmem>>, vector<1x128xf32>,
    } else {
    }
    %add3A_431 = arith.constant 63 : i32
    %add3A_432 = arith.addi %get3A_50, %add3A_431 : i32
    %le3A_433 = arith.cmpi sle, %add3A_432, %get3A_53 : i32
    %convert_element_type3A_434 = arith.extui %le3A_433 : i1 to i32
    %cond3A_435 = arith.constant 0 : i32
    %cond3A_436 = arith.cmpi ne, %convert_element_type3A_434, %cond3A_435 : i32
    scf.if %cond3A_436 {
      %eq3A_442 = vector.broadcast %add3A_432 : i32 to vector<1000x1xi32>
      %eq3A_443 = arith.cmpi eq, %get3A_47, %eq3A_442 : vector<1000x1xi32>
      %jit3A = arith.constant 0.000000e+00 : f32
      %broadcast_in_dim3A = vector.shape_cast %eq3A_443 : vector<1000x1xi1> to vector<1000x1xi1>
      %broadcast_in_dim3A_444 = vector.broadcast %broadcast_in_dim3A : vector<1000x1xi1> to vector<1000x128xi1>
      %broadcast_in_dim3A_445 = vector.broadcast %jit3A : f32 to vector<1000x128xf32>
      %select_n3A = arith.select %broadcast_in_dim3A_444, %add3A_42, %broadcast_in_dim3A_445 : vector<1000x128xi1>, vector<1000x128xf32>
      %reduce_max3A = arith.constant dense<0xFF800000> : vector<128xf32>
      %reduce_max3A_446 = vector.multi_reduction <maximumf>, %select_n3A, %reduce_max3A [0] : vector<1000x128xf32> to vector<128xf32>
      %broadcast_in_dim3A_447 = vector.shape_cast %reduce_max3A_446 : vector<128xf32> to vector<1x128xf32>
      %get3A_448 = arith.index_cast %add3A_432 : i32 to index
      %get3A_449 = arith.constant 0 : index
      %get3A_450 = vector.load %arg12[%get3A_448, %get3A_449] : memref<64x128xf32, #tpu.memory_space<vmem>>, vector<1x128xf32>
      %max3A_451 = arith.maximumf %get3A_450, %broadcast_in_dim3A_447 : vector<1x128xf32>
      %swap3A = arith.index_cast %add3A_432 : i32 to index
      %swap3A_452 = arith.constant 0 : index
      %swap3A_453 = vector.load %arg12[%swap3A, %swap3A_452] : memref<64x128xf32, #tpu.memory_space<vmem>>, vector<1x128xf32>
      tpu.vector_store %arg12[%swap3A, %swap3A_452], %max3A_451 {strides = array<i32>} : memref<64x128xf32, #tpu.memory_space<vmem>>, vector<1x128xf32>,
    } else {
    }
    %eq3A_437 = arith.constant 9 : i32
    %eq3A_438 = arith.cmpi eq, %arg0, %eq3A_437 : i32
    %convert_element_type3A_439 = arith.extui %eq3A_438 : i1 to i32
    %cond3A_440 = arith.constant 0 : i32
    %cond3A_441 = arith.cmpi ne, %convert_element_type3A_439, %cond3A_440 : i32
    scf.if %cond3A_441 {
      %get3A_442 = arith.constant 0 : index
      %get3A_443 = arith.constant 0 : index
      %get3A_444 = vector.load %arg12[%get3A_442, %get3A_443] : memref<64x128xf32, #tpu.memory_space<vmem>>, vector<64x128xf32>
      %get3A_445 = arith.constant 0 : index
      %get3A_446 = arith.constant 0 : index
      %get3A_447 = vector.load %arg9[%get3A_445, %get3A_446] : memref<128x8xf32, #tpu.memory_space<vmem>>, vector<128x8xf32>
      %dot_general3A_448 = arith.constant dense<0.000000e+00> : vector<64x8xf32>
      %dot_general3A_449 = tpu.matmul %get3A_444, %get3A_447, %dot_general3A_448 {dimension_numbers = #tpu.dot_dimension_numbers<[1], [0], [0], [1], [0, 0, 1, 1], [], []>, transpose_lhs_hint = false} : vector<64x128xf32>, vector<128x8xf32>, vector<64x8xf32> -> vector<64x8xf32>
      %get3A_450 = arith.constant 0 : index
      %get3A_451 = arith.constant 0 : index
      %get3A_452 = vector.load %arg10[%get3A_450, %get3A_451] : memref<1x8xf32, #tpu.memory_space<vmem>>, vector<1x8xf32>
      %add3A_453 = vector.broadcast %get3A_452 : vector<1x8xf32> to vector<64x8xf32>
      %add3A_454 = arith.addf %dot_general3A_449, %add3A_453 : vector<64x8xf32>
      %iota3A = tpu.iota {dimensions = array<i32: 1>} : vector<64x8xi32>
      %lt3A = arith.constant 2 : i32
      %lt3A_455 = vector.broadcast %lt3A : i32 to vector<64x8xi32>
      %lt3A_456 = arith.cmpi slt, %iota3A, %lt3A_455 : vector<64x8xi32>
      %jit3A = arith.constant 0xFF800000 : f32
      %broadcast_in_dim3A = vector.broadcast %jit3A : f32 to vector<64x8xf32>
      %select_n3A = arith.select %lt3A_456, %add3A_454, %broadcast_in_dim3A : vector<64x8xi1>, vector<64x8xf32>
      %reduce_max3A = arith.constant dense<0xFF800000> : vector<64xf32>
      %reduce_max3A_457 = vector.multi_reduction <maximumf>, %select_n3A, %reduce_max3A [1] : vector<64x8xf32> to vector<64xf32>
      %broadcast_in_dim3A_458 = vector.shape_cast %reduce_max3A_457 : vector<64xf32> to vector<64x1xf32>
      %sub3A = vector.broadcast %broadcast_in_dim3A_458 : vector<64x1xf32> to vector<64x8xf32>
      %sub3A_459 = arith.subf %select_n3A, %sub3A : vector<64x8xf32>
      %exp3A = math.exp %sub3A_459 : vector<64x8xf32>
      %reduce_sum3A = arith.constant dense<0.000000e+00> : vector<64xf32>
      %reduce_sum3A_460 = vector.multi_reduction <add>, %exp3A, %reduce_sum3A [1] : vector<64x8xf32> to vector<64xf32>
      %broadcast_in_dim3A_461 = vector.shape_cast %reduce_sum3A_460 : vector<64xf32> to vector<64x1xf32>
      %log3A = math.log %broadcast_in_dim3A_461 : vector<64x1xf32>
      %sub3A_462 = vector.broadcast %log3A : vector<64x1xf32> to vector<64x8xf32>
      %sub3A_463 = arith.subf %sub3A_459, %sub3A_462 : vector<64x8xf32>
      %slice3A_464 = vector.extract_strided_slice %sub3A_463 {offsets = [0, 0], sizes = [64, 2], strides = [1, 1]} : vector<64x8xf32> to vector<64x2xf32>
      %swap3A = arith.constant 0 : index
      %swap3A_465 = arith.constant 0 : index
      %swap3A_466 = vector.load %arg11[%swap3A, %swap3A_465] : memref<64x2xf32, #tpu.memory_space<vmem>>, vector<64x2xf32>
      tpu.vector_store %arg11[%swap3A, %swap3A_465], %slice3A_464 {strides = array<i32>} : memref<64x2xf32, #tpu.memory_space<vmem>>, vector<64x2xf32>,
    } else {
    }
    return
  }
  func.func @transform_0(%arg0: i32, %arg1: memref<2x10xi32, #tpu.memory_space<smem>>) -> (i32, i32, i32) {
    %c0_i32 = arith.constant 0 : i32
    %c0_i32_0 = arith.constant 0 : i32
    %c0_i32_1 = arith.constant 0 : i32
    return %c0_i32, %arg0, %c0_i32_0 : i32, i32, i32
  }
  func.func @transform_1(%arg0: i32, %arg1: memref<2x10xi32, #tpu.memory_space<smem>>) -> (i32, i32, i32) {
    %c0_i32 = arith.constant 0 : i32
    %c0_i32_0 = arith.constant 0 : i32
    %c0_i32_1 = arith.constant 0 : i32
    return %c0_i32, %arg0, %c0_i32_0 : i32, i32, i32
  }
  func.func @transform_2(%arg0: i32, %arg1: memref<2x10xi32, #tpu.memory_space<smem>>) -> (i32, i32) {
    %c0_i32 = arith.constant 0 : i32
    %c0_i32_0 = arith.constant 0 : i32
    return %arg0, %c0_i32 : i32, i32
  }
  func.func @transform_3(%arg0: i32, %arg1: memref<2x10xi32, #tpu.memory_space<smem>>) -> (i32, i32, i32) {
    %c0_i32 = arith.constant 0 : i32
    %c0_i32_0 = arith.constant 0 : i32
    %c0_i32_1 = arith.constant 0 : i32
    return %arg0, %c0_i32, %c0_i32_0 : i32, i32, i32
  }
  func.func @transform_4(%arg0: i32, %arg1: memref<2x10xi32, #tpu.memory_space<smem>>) -> (i32, i32) {
    %c0_i32 = arith.constant 0 : i32
    %c0_i32_0 = arith.constant 0 : i32
    %c0_i32_1 = arith.constant 0 : i32
    return %c0_i32, %c0_i32_0 : i32, i32
  }
  func.func @transform_5(%arg0: i32, %arg1: memref<2x10xi32, #tpu.memory_space<smem>>) -> (i32, i32) {
    %c0_i32 = arith.constant 0 : i32
    %c0_i32_0 = arith.constant 0 : i32
    %c0_i32_1 = arith.constant 0 : i32
    return %c0_i32, %c0_i32_0 : i32, i32
  }
  func.func @transform_6(%arg0: i32, %arg1: memref<2x10xi32, #tpu.memory_space<smem>>) -> (i32, i32) {
    %c0_i32 = arith.constant 0 : i32
    %c0_i32_0 = arith.constant 0 : i32
    %c0_i32_1 = arith.constant 0 : i32
    return %c0_i32, %c0_i32_0 : i32, i32
  }
  func.func @transform_7(%arg0: i32, %arg1: memref<2x10xi32, #tpu.memory_space<smem>>) -> (i32, i32) {
    %c0_i32 = arith.constant 0 : i32
    %c0_i32_0 = arith.constant 0 : i32
    %c0_i32_1 = arith.constant 0 : i32
    return %c0_i32, %c0_i32_0 : i32, i32
  }
  func.func @transform_8(%arg0: i32, %arg1: memref<2x10xi32, #tpu.memory_space<smem>>) -> (i32, i32) {
    %c0_i32 = arith.constant 0 : i32
    %c0_i32_0 = arith.constant 0 : i32
    %c0_i32_1 = arith.constant 0 : i32
    return %c0_i32, %c0_i32_0 : i32, i32
  }
  func.func @transform_9(%arg0: i32, %arg1: memref<2x10xi32, #tpu.memory_space<smem>>) -> (i32, i32) {
    %c0_i32 = arith.constant 0 : i32
    %c0_i32_0 = arith.constant 0 : i32
    %c0_i32_1 = arith.constant 0 : i32
    return %c0_i32, %c0_i32_0 : i32, i32
  }
}

</mosaic_0001>

<sc_bundles>
// kernel: kernel.4.cloned.1.call-start
scs
__scs_entry_jumppad:
0x0: {  	(pc) =	sbr.rel $0x88, $3  }
0x1: {  	(tag) =	ssettag $0x0;
	lr =	simm.s32 $0x1  }
0x2: {  	[smem:$0x3F99] =	sst lr;
	_ =	strace $0xD0000000  }
0x3: {  	_ = 	snop  }
0x4: {  	_ = 	snop  }
0x5: {  	_ = 	snop  }
0x6: {  	_ = 	snop  }
0x7: {  	_ = 	snop  }
__scs_overlays_trampoline_lowered:
0x8: {  	[smem:$0x3FA8] =	sst s0  }
0x9: {  	[smem:$0x3FA9] =	sst s1  }
0xa: {  	[smem:$0x3FAA] =	sst s2  }
0xb: {  	[smem:$0x3FAB] =	sst s3  }
0xc: {  	[smem:$0x3FAC] =	sst s4  }
0xd: {  	[smem:$0x3FAD] =	sst s5  }
0xe: {  	[smem:$0x3FAE] =	sst s6  }
0xf: {  	[smem:$0x3FAF] =	sst s7  }
0x10: {  	[smem:$0x3FB0] =	sst s8  }
0x11: {  	[smem:$0x3FB1] =	sst s9;
	s0 =	simm.s32 @!p0 $0x0  }
0x12: {  	s1 =	sld [smem:$0x3F97];
	s0 =	simm.s32 @p0 $0x1  }
0x13: {  	[smem:$0x3FB2] =	sst s0;
	s0 =	simm.s32 @!p1 $0x0  }
0x14: {  	s2 =	sld [smem:$0x3F96];
	s0 =	simm.s32 @p1 $0x1  }
0x15: {  	[smem:$0x3FB3] =	sst s0;
	s0 =	simm.s32 @!p2 $0x0  }
0x16: {  	s3 =	sld [smem:$0x3FDB];
	s0 =	simm.s32 @p2 $0x1  }
0x17: {  	s4 =	simm.s32 $0x1BF5;
	[smem:$0x3FB5] =	sst s0  }
0x18: {  	s0 =	sld [smem:$0x3F98];
	_ =	swait.ge [sflag:s4], $0x0  }
0x19: {  	s7 =	sld [smem:$0x3F99]  }
0x1a: {  	s8 =	sadd.s32 $0xFFFFE003, lr  }
0x1b: {  	s9 =	sadd.s32 $0xFFFFFEF7, lr;
	s5 =	simm.s32 $0xFFFFFFFF;
	p2 =	slt.u32 s8, $0xFFFFF086  }
0x1c: {  	p1 =	slt.u32 s9, $0xF7A;
	s5 =	simm.s32 @!p2 $0x0  }
0x1d: {  	s5 =	simm.s32 @p1 $0x1;
	p0 =	seq.s32 s7, s2  }
0x1e: {  	s7 =	smul.u32 @!p0 $0xF7A, s2;
	p2 =	seq.s32 @!p0 s5, $0x0  }
0x1f: {  	s9 =	smul.u32 $0xF7A, s1;
	s8 =	simm.s32 @!p0 $0x1BF5;
	p2 =	por !p2, p0  }
0x20: {  	[sflag:s8] =	ssyncset.s32 @!p0 $0xFFFFF086;
	s6 =	sadd.s32 @!p0 s3, s7;
	s7 =	simm.s32 @!p0 $0x108  }
0x21: {  	s3 =	sadd.s32 s3, s9;
	s6 =	sadd.s32 @!p0 $0x88, s6;
	s7 =	simm.s32 @p2 $0x1082  }
0x22: {  	[simem:s7], [sflag:s8] =	dma.local @!p0 [hbm:s6], $0xF7A  }
0x23: {  	s9 =	sor.u32 $0xD0000000, s2;
	s6 =	simm.s32 $0x108;
	_ =	swait.ge @!p0 [sflag:s8], $0x0  }
0x24: {  	s3 =	sadd.s32 $0x88, s3;
	s6 =	simm.s32 @!p1 $0x1082;
	[sflag:s4] =	ssyncset.s32 $0xFFFFF086  }
0x25: {  	[simem:s6], [sflag:s4] =	dma.local [hbm:s3], $0xF7A  }
0x26: {  	[smem:$0x3F99] =	sst s1;
	(tag) =	ssettag s2;
	_ =	strace s9  }
0x27: {  	s1 =	sld [smem:$0x3FA9]  }
0x28: {  	s2 =	sld [smem:$0x3FAA]  }
0x29: {  	s4 =	sld [smem:$0x3FAC]  }
0x2a: {  	p0 =	seq.s32 s5, $0x0;
	s5 =	sld [smem:$0x3FAD]  }
0x2b: {  	s6 =	sld [smem:$0x3FAE]  }
0x2c: {  	s7 =	sld [smem:$0x3FAF]  }
0x2d: {  	s3 =	simm.s32 $0x108;
	s8 =	sld [smem:$0x3FB0]  }
0x2e: {  	s3 =	simm.s32 @!p0 $0x1082;
	s9 =	sld [smem:$0x3FB1]  }
0x2f: {  	lr =	sadd.s32 s0, s3;
	s0 =	sld [smem:$0x3FA8]  }
0x30: {  	s3 =	sld [smem:$0x3FAB]  }
0x31: {  	[smem:$0x3FB4] =	sst s10  }
0x32: {  	s10 =	sld [smem:$0x3FB2];
	_ =	sdelay $0x3  }
0x33: {  	p0 =	seq.s32 s10, $0x1;
	s10 =	sld [smem:$0x3FB4];
	_ =	sdelay $0x3  }
0x34: {  	[smem:$0x3FB4] =	sst s10  }
0x35: {  	s10 =	sld [smem:$0x3FB3];
	_ =	sdelay $0x3  }
0x36: {  	p1 =	seq.s32 s10, $0x1;
	s10 =	sld [smem:$0x3FB4];
	_ =	sdelay $0x3  }
0x37: {  	[smem:$0x3FB4] =	sst s10  }
0x38: {  	s10 =	sld [smem:$0x3FB5]  }
0x39: {  	_ = 	snop;
	(pc) =	sbr.ind lr, $3  }
0x3a: {  	_ = 	snop  }
0x3b: {  	_ = 	snop  }
0x3c: {  	p2 =	seq.s32 s10, $0x1;
	s10 =	sld [smem:$0x3FB4]  }
0x3d: {  	_ =	shalt  }
0x3e: {  	_ =	shalt  }
0x3f: {  	_ =	shalt  }
0x40: {  	_ =	shalt  }
0x41: {  	_ =	shalt  }
0x42: {  	_ =	shalt  }
0x43: {  	_ =	shalt  }
0x44: {  	_ =	shalt  }
0x45: {  	_ =	shalt  }
0x46: {  	_ =	shalt  }
0x47: {  	_ =	shalt  }
0x48: {  	_ =	shalt  }
0x49: {  	_ =	shalt  }
0x4a: {  	_ =	shalt  }
0x4b: {  	_ =	shalt  }
0x4c: {  	_ =	shalt  }
0x4d: {  	_ =	shalt  }
0x4e: {  	_ =	shalt  }
0x4f: {  	_ =	shalt  }
0x50: {  	_ =	shalt  }
0x51: {  	_ =	shalt  }
0x52: {  	_ =	shalt  }
0x53: {  	_ =	shalt  }
0x54: {  	_ =	shalt  }
0x55: {  	_ =	shalt  }
0x56: {  	_ =	shalt  }
0x57: {  	_ =	shalt  }
0x58: {  	_ =	shalt  }
0x59: {  	_ =	shalt  }
0x5a: {  	_ =	shalt  }
0x5b: {  	_ =	shalt  }
0x5c: {  	_ =	shalt  }
0x5d: {  	_ =	shalt  }
0x5e: {  	_ =	shalt  }
0x5f: {  	_ =	shalt  }
0x60: {  	_ =	shalt  }
0x61: {  	_ =	shalt  }
0x62: {  	_ =	shalt  }
0x63: {  	_ =	shalt  }
0x64: {  	_ =	shalt  }
0x65: {  	_ =	shalt  }
0x66: {  	_ =	shalt  }
0x67: {  	_ =	shalt  }
0x68: {  	_ =	shalt  }
0x69: {  	_ =	shalt  }
0x6a: {  	_ =	shalt  }
0x6b: {  	_ =	shalt  }
0x6c: {  	_ =	shalt  }
0x6d: {  	_ =	shalt  }
0x6e: {  	_ =	shalt  }
0x6f: {  	_ =	shalt  }
0x70: {  	_ =	shalt  }
0x71: {  	_ =	shalt  }
0x72: {  	_ =	shalt  }
0x73: {  	_ =	shalt  }
0x74: {  	_ =	shalt  }
0x75: {  	_ =	shalt  }
0x76: {  	_ =	shalt  }
0x77: {  	_ =	shalt  }
0x78: {  	_ =	shalt  }
0x79: {  	_ =	shalt  }
0x7a: {  	_ =	shalt  }
0x7b: {  	_ =	shalt  }
0x7c: {  	_ =	shalt  }
0x7d: {  	_ =	shalt  }
0x7e: {  	_ =	shalt  }
0x7f: {  	_ =	shalt  }
0x80: {  	_ =	shalt  }
0x81: {  	_ =	shalt  }
0x82: {  	_ =	shalt  }
0x83: {  	_ =	shalt  }
0x84: {  	_ =	shalt  }
0x85: {  	_ =	shalt  }
0x86: {  	_ =	shalt  }
0x87: {  	_ =	shalt  }
.Lfunc_end0:
.L_simem_size_0:
called_computation_lowered:
.L_overlay_start_0:
0x88: {  	s2 =	sld [smem:$0x3FD9]  }
0x89: {  	s3 =	sld [smem:$0x3FFE];
	_ =	sdelay $0x1  }
0x8a: {  	s1 =	srdreg.scid  }
0x8b: {  	s0 =	sand.u32 $0x1, s1  }
0x8c: {  	s17 =	sshll.u32 s0, $0xA;
	s2 =	sadd.s32 s3, s2  }
0x8d: {  	s2 =	sadd.s32 s2, s17  }
0x8e: {  	[smem:$0x3FC0] =	sst s2  }
0x8f: {  	_ = 	snop  }
0x90: {  	s2 =	sld [smem:$0x3FC9];
	(tm) =	ssettm $0x1  }
0x91: {  	s18 =	sld [smem:$0x3FFB];
	_ =	sdelay $0x3  }
0x92: {  	_ =	strace s18  }
0x93: {  	s3 =	sld [smem:$0x3FFC];
	_ =	sdelay $0x3  }
0x94: {  	_ =	strace s3  }
0x95: {  	s3 =	sld [smem:$0x3FFD];
	_ =	sdelay $0x3  }
0x96: {  	_ =	strace s3  }
0x97: {  	_ =	strace $0x8FFFFFFF  }
0x98: {  	s19 =	sld [smem:$0x3FDB];
	_ =	sdelay $0x1  }
0x99: {  	s4 =	simm.s32 $_scs_section_size  }
0x9a: {  	s5 =	simm.s32 $_size__tile_overlayer_lowered;
	s6 =	simm.s32 $_tile_overlayer_lowered  }
0x9b: {  	s22 =	simm.s32 $0x1BFF;
	s21 =	sshll.u32 s6, $0x1;
	s3 =	sadd.s32 s4, s19  }
0x9c: {  	s7 =	simm.s32 $0x0;
	s20 =	sshll.u32 s5, $0x1;
	s5 =	sadd.s32 s21, s3  }
0x9d: {  	[timem:s7], [sflag:s22] =	dma.local [hbm:s5], s20  }
0x9e: {  	_ =	swait.ge [sflag:s22], s20  }
0x9f: {  	s4 =	ssub.s32 $0x0, s20;
	[sflag:s22] =	ssyncset.done $0x0  }
0xa0: {  	[sflag:s22] =	ssyncadd.s32 s4;
	_ =	sdelay $0x1  }
0xa1: {  	s23 =	simm.s32 $0x1B8B  }
0xa2: {  	_ =	swait.ge [sflag:s23], $0x1  }
0xa3: {  	[sflag:s23] =	ssyncset.done $0x0  }
0xa4: {  	s25 =	simm.s32 $0x1B8E;
	s24 =	sld [smem:$0x3FFE];
	[sflag:s23] =	ssyncadd.s32 $0xFFFFFFFF  }
0xa5: {  	s26 =	simm.s32 $execute0_lowered;
	[smem:$0x3FD2] =	sst s25  }
0xa6: {  	s5 =	sshll.u32 s26, $0x1;
	_ =	strace $0x80000046;
	[dreg:$0x1] =	wrdreg $0xFFFFFFFF  }
0xa7: {  	s28 =	simm.s32 $_size_execute0_lowered;
	s3 =	sadd.s32 s3, s5;
	[dreg:$0x0] =	wrdreg $0x0  }
0xa8: {  	s5 =	sshll.u32 s28, $0x1;
	[dreg:$0x2] =	wrdreg s3  }
0xa9: {  	[dreg:$0x3] =	wrdreg s5  }
0xaa: {  	[dreg:$0x4] =	wrdreg $0xC0  }
0xab: {  	_ =	task [dreg:s7], $0x5FFFF  }
0xac: {  	[dreg:$0x1] =	wrdreg $0xFFFFFFFF  }
0xad: {  	[dreg:$0x0] =	wrdreg $0x60  }
0xae: {  	[dreg:$0x2] =	wrdreg s2  }
0xaf: {  	[dreg:$0x3] =	wrdreg s24  }
0xb0: {  	[dreg:$0x4] =	wrdreg $0xA0A00  }
0xb1: {  	[dreg:$0x5] =	wrdreg $0x1E0A00  }
0xb2: {  	[dreg:$0x6] =	wrdreg $0x9  }
0xb3: {  	_ =	task.clear_ibuf [dreg:s7], $0x7FFFF;
	_ =	strace $0x90000046  }
0xb4: {  	s29 =	simm.s32 $0x9;
	_ =	strace $0x80000048  }
0xb5: {  	_ =	swait.ge [sflag:s29], $0x1  }
0xb6: {  	[sflag:s29] =	ssyncadd.s32 $0xFFFFFFFF  }
0xb7: {  	_ =	strace $0x90000048  }
0xb8: {  	_ =	sfence  }
0xb9: {  	s30 =	sld [smem:$0x0];
	_ =	sdelay $0x2  }
0xba: {  	s31 =	sshll.u32 s1, $0xD;
	s1 =	sshrl.u32 s1, $0x2  }
0xbb: {  	s3 =	sand.u32 $0x4000, s31;
	s1 =	sadd.s32 s1, s30  }
0xbc: {  	s0 =	sor.u32 s3, s0;
	s1 =	sshll.u32 s1, $0x11  }
0xbd: {  	s0 =	sor.u32 s1, s0  }
0xbe: {  	s0 =	sadd.s32 $0x8F2B, s0  }
0xbf: {  	[sflag:s0] =	ssyncadd.remote.s32 $0x1  }
0xc0: {  	_ =	sfence.sel $0xFFFF  }
0xc1: {  	[dreg:$0x0] =	wrdreg $0xFFFFFFFF;
	(pc) =	sbr.abs _section_cstart, $3  }
0xc2: {  	[dreg:$0x1] =	wrdreg $0xFFFFFFFF  }
0xc3: {  	_ =	task.clear_ibuf [dreg:s7], $0x2FFFF;
	_ =	strace $0x9FFFFFFF  }
0xc4: {  	(tm) =	ssettm $0x7FFFFFFF  }
0xc5: {  	_ =	shalt  }
tec
execute0_lowered:
.L_overlay_start_1:
0x0: {  	(tag) =	ssettag $0x1  }
0x1: {  	s0 =	rddreg [dreg:$0x0]  }
0x2: {  	s1 =	rddreg [dreg:$0x1];
	s2 =	srdreg.scid  }
0x3: {  	s3 =	rddreg [dreg:$0x2];
	s11 =	stileid.u32  }
0x4: {  	s4 =	rddreg [dreg:$0x3];
	s8 =	simm.s32 $0x0;
	s14 =	simm.s32 $0x9E20  }
0x5: {  	s15 =	simm.s32 $0x6;
	s16 =	simm.s32 $0x4E20;
	s6 =	smul.u32 $0x14000, s11  }
0x6: {  	s23 =	simm.s32 $0x8A20;
	s28 =	simm.s32 $0x9F60;
	s18 =	smul.u32 $0x1400, s11  }
0x7: {  	s29 =	simm.s32 $0x2;
	s30 =	simm.s32 $0x3;
	s20 =	smul.u32 $0x5000, s11  }
0x8: {  	s31 =	simm.s32 $0x4;
	s2 =	sand.u32 $0x1, s2;
	s21 =	smul.u32 $0x50000, s11  }
0x9: {  	s17 =	simm.s32 $0x4D58;
	[smem:$0x7FF] =	sst s8;
	s5 =	smul.u32 $0x140000, s2  }
0xa: {  	s9 =	sadd.s32 $0x13C00, s1;
	s8 =	simm.s32 $0x0;
	s7 =	smul.u32 $0x14000, s2  }
0xb: {  	_ =	strace $0x80000047;
	s19 =	sshll.u32 s2, $0x4;
	s2 =	ssub.s32 $0x2, s2  }
0xc: {  	[dreg:$0x5] =	wrdreg s9;
	s9 =	sor.u32 s11, s19;
	s10 =	sshrl.u32 s2, $0x1  }
0xd: {  	s22 =	sadd.s32 s6, s3;
	s25 =	sadd.s32 s18, s4;
	s26 =	sshrl.u32 s21, $0x2  }
0xe: {  	s19 =	simm.s32 $0x6220;
	s21 =	simm.s32 $0x7620;
	s5 =	sadd.s32 s6, s5  }
0xf: {  	s7 =	sadd.s32 s18, s7;
	s9 =	smul.u32 $0x4E2, s9;
	s2 =	ssub.s32 s2, s10  }
0x10: {  	s13 =	sadd.s32 s26, s3;
	s18 =	simm.s32 $0x28;
	s25 =	sshrl.u32 s25, $0x3  }
0x11: {  	s26 =	simm.s32 $0x1;
	s6 =	simm.s32 $0x5;
	s5 =	sshrl.u32 s5, $0x3  }
0x12: {  	s7 =	sshrl.u32 s7, $0x3;
	s2 =	smax.u32 s2, $0x1;
	s5 =	sadd.s32 s5, s1  }
0x13: {  	s7 =	sadd.s32 s7, s1;
	s9 =	sadd.s32 s1, s9;
	[dreg:$0xa] =	wrdreg s2  }
0x14: {  	s1 =	sshrl.u32 s20, $0x2;
	[dreg:$0x6] =	wrdreg s9;
	s9 =	sadd.s32 $0x9E00, s9  }
0x15: {  	s2 =	simm.s32 $0x4D30;
	s5 =	sadd.s32 $0x18E00, s5;
	[dreg:$0x7] =	wrdreg s9  }
0x16: {  	s20 =	simm.s32 $0x4DF8;
	s24 =	sadd.s32 $0x13E00, s7;
	[dreg:$0x8] =	wrdreg s5  }
0x17: {  	s12 =	sadd.s32 s1, s4;
	s1 =	simm.s32 $0x4DD0;
	[dreg:$0x9] =	wrdreg s24  }
0x18: {  	v0 =	vimm.f32 $0.0e+00;
	s24 =	sshrl.u32 s22, $0x3;
	s22 =	simm.s32 $0x4D80;
	s5 =	simm.s32 $0x4DA8  }
.LBB2_1:
0x19: {  	s7 =	simm.s32 $0x0;
	s9 =	rddreg [dreg:$0x5]  }
0x1a: {  	[tilespmem:s14], [sflag:$0x6] =	stream.linear.gather [hbm4b:s9+s7], $0x280, $0x38;
	[tilespmem:$0x1F4A0] =	vst v63  }
0x1b: {  	_ =	swait.ge [sflag:s15], $0x280  }
0x1c: {  	[sflag:s15] =	ssyncset.done $0x0  }
0x1d: {  	s7 =	simm.s32 $0x0;
	s9 =	simm.s32 $0x0;
	[sflag:s15] =	ssyncadd.s32 $0xFFFFFD80  }
.LBB2_2:
0x1e: {  	p0 =	sne.s32 s9, $0x4FC0  }
.Ltmp0:
0x1f: {  	_ = 	snop;
	(pc) =	sbr.rel @p0 .LBB2_2-.Ltmp0, $4  }
0x20: {  	s10 =	sand.u32 $0x7E00, s9  }
0x21: {  	s11 =	sand.u32 $0x70, s7;
	s10 =	sshrl.u32 s10, $0x2  }
0x22: {  	s10 =	sor.u32 s11, s10  }
0x23: {  	s7 =	sadd.s32 $0x10, s7;
	s9 =	sadd.s32 $0x40, s9;
	[tilespmem:s10+$0x4E20] =	vst v0  }
0x24: {  	[spmem:s13] =	stream.linear.scatter [tilespmem:s16], [sflag:$0x6], $0x1400, $0x38;
	[tilespmem:$0x1F4A0] =	vst v63  }
0x25: {  	_ =	swait.ge [sflag:s15], $0x1400  }
0x26: {  	[sflag:s15] =	ssyncset.done $0x0  }
0x27: {  	s7 =	sadd.s32 $0x0, s12;
	[sflag:s15] =	ssyncadd.s32 $0xFFFFEC00  }
0x28: {  	[spmem:s7] =	stream.linear.scatter [tilespmem:s14], [sflag:$0x6], $0x140, $0x38;
	[tilespmem:$0x1F4A0] =	vst v63  }
0x29: {  	_ =	swait.ge [sflag:s15], $0x140  }
0x2a: {  	s9 =	simm.s32 $0x500;
	s10 =	smov.u32 s13;
	[sflag:s15] =	ssyncset.done $0x0  }
.LBB2_4:
0x2b: {  	p0 =	sne.s32 s9, $0x4B00;
	[sflag:s15] =	ssyncadd.s32 $0xFFFFFEC0;
	s10 =	sadd.s32 $0x1400, s10  }
0x2c: {  	[spmem:s10] =	stream.linear.scatter [tilespmem:s16], [sflag:$0x6], $0x1400, $0x38;
	[tilespmem:$0x1F4A0] =	vst v63  }
0x2d: {  	s7 =	smov.u32 s9;
	s9 =	sadd.s32 $0x500, s9;
	_ =	swait.ge [sflag:s15], $0x1400  }
.Ltmp1:
0x2e: {  	s7 =	sshra.s32 s7, $0x2;
	[sflag:s15] =	ssyncset.done $0x0;
	(pc) =	sbr.rel @p0 .LBB2_4-.Ltmp1, $4  }
0x2f: {  	s7 =	sadd.s32 s7, s12;
	[sflag:s15] =	ssyncadd.s32 $0xFFFFEC00  }
0x30: {  	[spmem:s7] =	stream.linear.scatter [tilespmem:s14], [sflag:$0x6], $0x140, $0x38;
	[tilespmem:$0x1F4A0] =	vst v63  }
0x31: {  	_ =	swait.ge [sflag:s15], $0x140  }
0x32: {  	[sflag:s15] =	ssyncset.done $0x0  }
0x33: {  	[sflag:s15] =	ssyncadd.s32 $0xFFFFFEC0;
	s7 =	simm.s32 $0x0;
	s9 =	rddreg [dreg:$0x7]  }
0x34: {  	[tilespmem:s7], [sflag:$0x6] =	stream.linear.gather [hbm4b:s9+s7], $0x2710, $0x38;
	[tilespmem:$0x1F4A0] =	vst v63  }
0x35: {  	_ =	swait.ge [sflag:s15], $0x2710  }
0x36: {  	[sflag:s15] =	ssyncset.done $0x0  }
0x37: {  	s10 =	simm.s32 $0x2710;
	s11 =	rddreg [dreg:$0x6];
	[sflag:s15] =	ssyncadd.s32 $0xFFFFD8F0  }
0x38: {  	[tilespmem:s10], [sflag:$0x6] =	stream.linear.gather [hbm4b:s11+s7], $0x2710, $0x38;
	[tilespmem:$0x1F4A0] =	vst v63  }
0x39: {  	_ =	swait.ge [sflag:s15], $0x2710  }
0x3a: {  	[sflag:s15] =	ssyncset.done $0x0  }
0x3b: {  	[sflag:s15] =	ssyncadd.s32 $0xFFFFD8F0  }
0x3c: {  	[bflag:$0x0] =	sbarrier.arrive $0xFFFF  }
0x3d: {  	[tilespmem:s16], [sflag:$0x1] =	stream.indirect.gather [hbm4b:s0+s18], $0x80, s7, s18, $0xb8;
	[tilespmem:$0x1F4A0] =	vst v63  }
0x3e: {  	_ = 	snop  }
0x3f: {  	[tilespmem:s19], [sflag:$0x2] =	stream.indirect.gather [hbm4b:s0+s18], $0x80, s18, s18, $0xb8;
	[tilespmem:$0x1F4A0] =	vst v63  }
0x40: {  	s9 =	simm.s32 $0x50  }
0x41: {  	[tilespmem:s21], [sflag:$0x3] =	stream.indirect.gather [hbm4b:s0+s18], $0x80, s9, s18, $0xb8;
	[tilespmem:$0x1F4A0] =	vst v63  }
0x42: {  	s10 =	simm.s32 $0x78  }
0x43: {  	[tilespmem:s23], [sflag:$0x4] =	stream.indirect.gather [hbm4b:s0+s18], $0x80, s10, s18, $0xb8;
	[tilespmem:$0x1F4A0] =	vst v63  }
0x44: {  	_ =	swait.ge [sflag:s26], $0x1400  }
0x45: {  	[sflag:s26] =	ssyncset.done $0x0  }
0x46: {  	s11 =	simm.s32 $0x2710;
	[sflag:s26] =	ssyncadd.s32 $0xFFFFEC00  }
0x47: {  	[spmem:s3] =	stream.indirect.scatter.add.f32 [tilespmem:s16], [sflag:$0x6], $0x80, s11, s18, $0xb8;
	[tilespmem:$0x1F4A0] =	vst v63  }
0x48: {  	_ =	swait.ge [sflag:s15], $0x1400  }
0x49: {  	[sflag:s15] =	ssyncset.done $0x0  }
0x4a: {  	s10 =	simm.s32 $0xA0;
	[sflag:s15] =	ssyncadd.s32 $0xFFFFEC00  }
0x4b: {  	[tilespmem:s16], [sflag:$0x1] =	stream.indirect.gather [hbm4b:s0+s18], $0x80, s10, s18, $0xb8;
	[tilespmem:$0x1F4A0] =	vst v63  }
0x4c: {  	_ = 	snop  }
0x4d: {  	[spmem:s4] =	stream.indirect.scatter.add.f32 [tilespmem:s28], [sflag:$0x5], $0x8, s11, s18, $0xb8;
	[tilespmem:$0x1F4A0] =	vst v63  }
0x4e: {  	_ =	swait.ge [sflag:s29], $0x1400  }
0x4f: {  	[sflag:s29] =	ssyncset.done $0x0  }
0x50: {  	s11 =	simm.s32 $0x2738;
	[sflag:s29] =	ssyncadd.s32 $0xFFFFEC00  }
0x51: {  	[spmem:s3] =	stream.indirect.scatter.add.f32 [tilespmem:s19], [sflag:$0x6], $0x80, s11, s18, $0xb8;
	[tilespmem:$0x1F4A0] =	vst v63  }
0x52: {  	_ =	swait.ge [sflag:s15], $0x1400  }
0x53: {  	[sflag:s15] =	ssyncset.done $0x0  }
0x54: {  	s10 =	simm.s32 $0xC8;
	[sflag:s15] =	ssyncadd.s32 $0xFFFFEC00  }
0x55: {  	[tilespmem:s19], [sflag:$0x2] =	stream.indirect.gather [hbm4b:s0+s18], $0x80, s10, s18, $0xb8;
	[tilespmem:$0x1F4A0] =	vst v63  }
0x56: {  	_ = 	snop  }
0x57: {  	[spmem:s4] =	stream.indirect.scatter.add.f32 [tilespmem:s28], [sflag:$0x5], $0x8, s11, s18, $0xb8;
	[tilespmem:$0x1F4A0] =	vst v63  }
0x58: {  	_ =	swait.ge [sflag:s30], $0x1400  }
0x59: {  	[sflag:s30] =	ssyncset.done $0x0  }
0x5a: {  	s11 =	simm.s32 $0x2760;
	[sflag:s30] =	ssyncadd.s32 $0xFFFFEC00  }
0x5b: {  	[spmem:s3] =	stream.indirect.scatter.add.f32 [tilespmem:s21], [sflag:$0x6], $0x80, s11, s18, $0xb8;
	[tilespmem:$0x1F4A0] =	vst v63  }
0x5c: {  	_ =	swait.ge [sflag:s15], $0x1400  }
0x5d: {  	[sflag:s15] =	ssyncset.done $0x0  }
0x5e: {  	s10 =	simm.s32 $0xF0;
	[sflag:s15] =	ssyncadd.s32 $0xFFFFEC00  }
0x5f: {  	[tilespmem:s21], [sflag:$0x3] =	stream.indirect.gather [hbm4b:s0+s18], $0x80, s10, s18, $0xb8;
	[tilespmem:$0x1F4A0] =	vst v63  }
0x60: {  	_ = 	snop  }
0x61: {  	[spmem:s4] =	stream.indirect.scatter.add.f32 [tilespmem:s28], [sflag:$0x5], $0x8, s11, s18, $0xb8;
	[tilespmem:$0x1F4A0] =	vst v63  }
0x62: {  	_ =	swait.ge [sflag:s31], $0x1400  }
0x63: {  	[sflag:s31] =	ssyncset.done $0x0  }
0x64: {  	s7 =	simm.s32 $0x2788;
	[sflag:s31] =	ssyncadd.s32 $0xFFFFEC00  }
0x65: {  	[spmem:s3] =	stream.indirect.scatter.add.f32 [tilespmem:s23], [sflag:$0x6], $0x80, s7, s18, $0xb8;
	[tilespmem:$0x1F4A0] =	vst v63  }
0x66: {  	_ =	swait.ge [sflag:s15], $0x1400  }
0x67: {  	[sflag:s15] =	ssyncset.done $0x0  }
0x68: {  	s9 =	simm.s32 $0x280;
	s11 =	simm.s32 $0x118;
	[sflag:s15] =	ssyncadd.s32 $0xFFFFEC00  }
0x69: {  	[tilespmem:s23], [sflag:$0x4] =	stream.indirect.gather [hbm4b:s0+s18], $0x80, s11, s18, $0xb8;
	[tilespmem:$0x1F4A0] =	vst v63  }
.LBB2_6:
0x6a: {  	[spmem:s4] =	stream.indirect.scatter.add.f32 [tilespmem:s28], [sflag:$0x5], $0x8, s7, s18, $0xb8;
	[tilespmem:$0x1F4A0] =	vst v63  }
0x6b: {  	s7 =	smov.u32 s9  }
0x6c: {  	p0 =	sne.s32 s9, $0x9600;
	s9 =	sadd.s32 $0x280, s9;
	_ =	swait.ge [sflag:s26], $0x1400  }
0x6d: {  	s10 =	sshra.s32 s7, $0x2;
	[sflag:s26] =	ssyncset.done $0x0  }
0x6e: {  	s7 =	sadd.s32 $0x2710, s10;
	[sflag:s26] =	ssyncadd.s32 $0xFFFFEC00  }
0x6f: {  	[spmem:s3] =	stream.indirect.scatter.add.f32 [tilespmem:s16], [sflag:$0x6], $0x80, s7, s18, $0xb8;
	[tilespmem:$0x1F4A0] =	vst v63  }
0x70: {  	_ =	swait.ge [sflag:s15], $0x1400  }
0x71: {  	[sflag:s15] =	ssyncset.done $0x0  }
0x72: {  	s11 =	sadd.s32 $0xA0, s10;
	[sflag:s15] =	ssyncadd.s32 $0xFFFFEC00  }
0x73: {  	[tilespmem:s16], [sflag:$0x1] =	stream.indirect.gather [hbm4b:s0+s18], $0x80, s11, s18, $0xb8;
	[tilespmem:$0x1F4A0] =	vst v63  }
0x74: {  	_ = 	snop  }
0x75: {  	[spmem:s4] =	stream.indirect.scatter.add.f32 [tilespmem:s28], [sflag:$0x5], $0x8, s7, s18, $0xb8;
	[tilespmem:$0x1F4A0] =	vst v63  }
0x76: {  	_ =	swait.ge [sflag:s29], $0x1400  }
0x77: {  	[sflag:s29] =	ssyncset.done $0x0  }
0x78: {  	s7 =	sadd.s32 $0x2738, s10;
	[sflag:s29] =	ssyncadd.s32 $0xFFFFEC00  }
0x79: {  	[spmem:s3] =	stream.indirect.scatter.add.f32 [tilespmem:s19], [sflag:$0x6], $0x80, s7, s18, $0xb8;
	[tilespmem:$0x1F4A0] =	vst v63  }
0x7a: {  	_ =	swait.ge [sflag:s15], $0x1400  }
0x7b: {  	[sflag:s15] =	ssyncset.done $0x0  }
0x7c: {  	s11 =	sadd.s32 $0xC8, s10;
	[sflag:s15] =	ssyncadd.s32 $0xFFFFEC00  }
0x7d: {  	[tilespmem:s19], [sflag:$0x2] =	stream.indirect.gather [hbm4b:s0+s18], $0x80, s11, s18, $0xb8;
	[tilespmem:$0x1F4A0] =	vst v63  }
0x7e: {  	_ = 	snop  }
0x7f: {  	[spmem:s4] =	stream.indirect.scatter.add.f32 [tilespmem:s28], [sflag:$0x5], $0x8, s7, s18, $0xb8;
	[tilespmem:$0x1F4A0] =	vst v63  }
0x80: {  	_ =	swait.ge [sflag:s30], $0x1400  }
0x81: {  	[sflag:s30] =	ssyncset.done $0x0  }
0x82: {  	s7 =	sadd.s32 $0x2760, s10;
	[sflag:s30] =	ssyncadd.s32 $0xFFFFEC00  }
0x83: {  	[spmem:s3] =	stream.indirect.scatter.add.f32 [tilespmem:s21], [sflag:$0x6], $0x80, s7, s18, $0xb8;
	[tilespmem:$0x1F4A0] =	vst v63  }
0x84: {  	_ =	swait.ge [sflag:s15], $0x1400  }
0x85: {  	[sflag:s15] =	ssyncset.done $0x0  }
0x86: {  	s11 =	sadd.s32 $0xF0, s10;
	[sflag:s15] =	ssyncadd.s32 $0xFFFFEC00  }
0x87: {  	[tilespmem:s21], [sflag:$0x3] =	stream.indirect.gather [hbm4b:s0+s18], $0x80, s11, s18, $0xb8;
	[tilespmem:$0x1F4A0] =	vst v63  }
0x88: {  	_ = 	snop  }
0x89: {  	[spmem:s4] =	stream.indirect.scatter.add.f32 [tilespmem:s28], [sflag:$0x5], $0x8, s7, s18, $0xb8;
	[tilespmem:$0x1F4A0] =	vst v63  }
0x8a: {  	_ =	swait.ge [sflag:s31], $0x1400  }
0x8b: {  	[sflag:s31] =	ssyncset.done $0x0  }
0x8c: {  	s7 =	sadd.s32 $0x2788, s10;
	[sflag:s31] =	ssyncadd.s32 $0xFFFFEC00  }
0x8d: {  	[spmem:s3] =	stream.indirect.scatter.add.f32 [tilespmem:s23], [sflag:$0x6], $0x80, s7, s18, $0xb8;
	[tilespmem:$0x1F4A0] =	vst v63  }
.Ltmp2:
0x8e: {  	_ = 	snop;
	(pc) =	sbr.rel @p0 .LBB2_6-.Ltmp2, $4  }
0x8f: {  	_ =	swait.ge [sflag:s15], $0x1400  }
0x90: {  	[sflag:s15] =	ssyncset.done $0x0  }
0x91: {  	s10 =	sadd.s32 $0x118, s10;
	[sflag:s15] =	ssyncadd.s32 $0xFFFFEC00  }
0x92: {  	[tilespmem:s23], [sflag:$0x4] =	stream.indirect.gather [hbm4b:s0+s18], $0x80, s10, s18, $0xb8;
	[tilespmem:$0x1F4A0] =	vst v63  }
0x93: {  	[spmem:s4] =	stream.indirect.scatter.add.f32 [tilespmem:s28], [sflag:$0x5], $0x8, s7, s18, $0xb8;
	[tilespmem:$0x1F4A0] =	vst v63  }
0x94: {  	_ =	swait.ge [sflag:s26], $0x1400  }
0x95: {  	[sflag:s26] =	ssyncset.done $0x0  }
0x96: {  	[sflag:s26] =	ssyncadd.s32 $0xFFFFEC00  }
0x97: {  	[spmem:s3] =	stream.indirect.scatter.add.f32 [tilespmem:s16], [sflag:$0x6], $0x80, s2, s18, $0xb8;
	[tilespmem:$0x1F4A0] =	vst v63  }
0x98: {  	_ =	swait.ge [sflag:s15], $0x1400  }
0x99: {  	[sflag:s15] =	ssyncset.done $0x0  }
0x9a: {  	s10 =	simm.s32 $0x26C0;
	[sflag:s15] =	ssyncadd.s32 $0xFFFFEC00  }
0x9b: {  	[tilespmem:s16], [sflag:$0x1] =	stream.indirect.gather [hbm4b:s0+s18], $0x80, s10, s18, $0xb8;
	[tilespmem:$0x1F4A0] =	vst v63  }
0x9c: {  	_ = 	snop  }
0x9d: {  	[spmem:s4] =	stream.indirect.scatter.add.f32 [tilespmem:s28], [sflag:$0x5], $0x8, s2, s18, $0xb8;
	[tilespmem:$0x1F4A0] =	vst v63  }
0x9e: {  	_ =	swait.ge [sflag:s29], $0x1400  }
0x9f: {  	[sflag:s29] =	ssyncset.done $0x0  }
0xa0: {  	[sflag:s29] =	ssyncadd.s32 $0xFFFFEC00  }
0xa1: {  	[spmem:s3] =	stream.indirect.scatter.add.f32 [tilespmem:s19], [sflag:$0x6], $0x80, s17, s18, $0xb8;
	[tilespmem:$0x1F4A0] =	vst v63  }
0xa2: {  	_ =	swait.ge [sflag:s15], $0x1400  }
0xa3: {  	[sflag:s15] =	ssyncset.done $0x0  }
0xa4: {  	s11 =	simm.s32 $0x26E8;
	[sflag:s15] =	ssyncadd.s32 $0xFFFFEC00  }
0xa5: {  	[tilespmem:s19], [sflag:$0x2] =	stream.indirect.gather [hbm4b:s0+s18], $0x80, s11, s18, $0xb8;
	[tilespmem:$0x1F4A0] =	vst v63  }
0xa6: {  	_ = 	snop  }
0xa7: {  	[spmem:s4] =	stream.indirect.scatter.add.f32 [tilespmem:s28], [sflag:$0x5], $0x8, s17, s18, $0xb8;
	[tilespmem:$0x1F4A0] =	vst v63  }
0xa8: {  	_ =	swait.ge [sflag:s30], $0x1400  }
0xa9: {  	[sflag:s30] =	ssyncset.done $0x0  }
0xaa: {  	[sflag:s30] =	ssyncadd.s32 $0xFFFFEC00  }
0xab: {  	[spmem:s3] =	stream.indirect.scatter.add.f32 [tilespmem:s21], [sflag:$0x6], $0x80, s22, s18, $0xb8;
	[tilespmem:$0x1F4A0] =	vst v63  }
0xac: {  	_ =	swait.ge [sflag:s15], $0x1400  }
0xad: {  	[sflag:s15] =	ssyncset.done $0x0  }
0xae: {  	[sflag:s15] =	ssyncadd.s32 $0xFFFFEC00  }
0xaf: {  	[spmem:s4] =	stream.indirect.scatter.add.f32 [tilespmem:s28], [sflag:$0x5], $0x8, s22, s18, $0xb8;
	[tilespmem:$0x1F4A0] =	vst v63  }
0xb0: {  	_ =	swait.ge [sflag:s31], $0x1400  }
0xb1: {  	[sflag:s31] =	ssyncset.done $0x0  }
0xb2: {  	[sflag:s31] =	ssyncadd.s32 $0xFFFFEC00  }
0xb3: {  	[spmem:s3] =	stream.indirect.scatter.add.f32 [tilespmem:s23], [sflag:$0x6], $0x80, s5, s18, $0xb8;
	[tilespmem:$0x1F4A0] =	vst v63  }
0xb4: {  	_ =	swait.ge [sflag:s15], $0x1400  }
0xb5: {  	[sflag:s15] =	ssyncset.done $0x0  }
0xb6: {  	[sflag:s15] =	ssyncadd.s32 $0xFFFFEC00  }
0xb7: {  	[spmem:s4] =	stream.indirect.scatter.add.f32 [tilespmem:s28], [sflag:$0x5], $0x8, s5, s18, $0xb8;
	[tilespmem:$0x1F4A0] =	vst v63  }
0xb8: {  	_ =	swait.ge [sflag:s26], $0x1400  }
0xb9: {  	[sflag:s26] =	ssyncset.done $0x0  }
0xba: {  	[sflag:s26] =	ssyncadd.s32 $0xFFFFEC00  }
0xbb: {  	[spmem:s3] =	stream.indirect.scatter.add.f32 [tilespmem:s16], [sflag:$0x6], $0x80, s1, s18, $0xb8;
	[tilespmem:$0x1F4A0] =	vst v63  }
0xbc: {  	_ =	swait.ge [sflag:s15], $0x1400  }
0xbd: {  	[sflag:s15] =	ssyncset.done $0x0  }
0xbe: {  	[sflag:s15] =	ssyncadd.s32 $0xFFFFEC00  }
0xbf: {  	[spmem:s4] =	stream.indirect.scatter.add.f32 [tilespmem:s28], [sflag:$0x5], $0x8, s1, s18, $0xb8;
	[tilespmem:$0x1F4A0] =	vst v63  }
0xc0: {  	_ =	swait.ge [sflag:s29], $0x1400  }
0xc1: {  	[sflag:s29] =	ssyncset.done $0x0  }
0xc2: {  	[sflag:s29] =	ssyncadd.s32 $0xFFFFEC00  }
0xc3: {  	[spmem:s3] =	stream.indirect.scatter.add.f32 [tilespmem:s19], [sflag:$0x6], $0x80, s20, s18, $0xb8;
	[tilespmem:$0x1F4A0] =	vst v63  }
0xc4: {  	_ =	swait.ge [sflag:s15], $0x1400  }
0xc5: {  	[sflag:s15] =	ssyncset.done $0x0  }
0xc6: {  	[sflag:s15] =	ssyncadd.s32 $0xFFFFEC00  }
0xc7: {  	[spmem:s4] =	stream.indirect.scatter.add.f32 [tilespmem:s28], [sflag:$0x5], $0x8, s20, s18, $0xb8;
	[tilespmem:$0x1F4A0] =	vst v63  }
0xc8: {  	_ =	swait.ge [sflag:s6], $0x140  }
0xc9: {  	s7 =	simm.s32 $0xF9;
	[sflag:s6] =	ssyncset.done $0x0  }
.LBB2_8:
0xca: {  	p0 =	sne.s32 s7, $0x1;
	s7 =	sadd.s32 $0xFFFFFFFF, s7;
	[sflag:s6] =	ssyncadd.s32 $0xFFFFFEC0  }
.Ltmp3:
0xcb: {  	(pc) =	sbr.rel @p0 .LBB2_8-.Ltmp3, $3  }
0xcc: {  	_ =	sdelay $0x1  }
0xcd: {  	_ =	swait.ge [sflag:s6], $0x140  }
0xce: {  	[sflag:s6] =	ssyncset.done $0x0  }
0xcf: {  	[sflag:s6] =	ssyncadd.s32 $0xFFFFFEC0;
	s7 =	stileid.u32  }
0xd0: {  	s7 =	sshll.u32 s7, $0x6;
	[bflag:$0x0] =	sbarrier.arrive $0xFFFF  }
0xd1: {  	s7 =	sor.u32 $0x1C06, s7;
	s9 =	rddreg [dreg:$0x8]  }
0xd2: {  	[hbm:s9], [sflag:s7] =	dma.local [spmem:s24], $0x2800  }
0xd3: {  	_ =	swait.ge [sflag:s15], $0x2800  }
0xd4: {  	[sflag:s15] =	ssyncset.done $0x0  }
0xd5: {  	s10 =	rddreg [dreg:$0x9];
	[sflag:s15] =	ssyncadd.s32 $0xFFFFD800  }
0xd6: {  	[hbm:s10], [sflag:s7] =	dma.local [spmem:s25], $0x280  }
0xd7: {  	_ =	swait.ge [sflag:s15], $0x280  }
0xd8: {  	s8 =	sadd.s32 $0x1, s8;
	s11 =	rddreg [dreg:$0xa]  }
0xd9: {  	p0 =	sne.s32 s8, s11  }
.Ltmp4:
0xda: {  	_ = 	snop;
	(pc) =	sbr.rel @p0 .LBB2_1-.Ltmp4, $3  }
0xdb: {  	_ =	sdelay $0x1  }
0xdc: {  	[sflag:s15] =	ssyncset.done $0x0  }
0xdd: {  	[sflag:s15] =	ssyncadd.s32 $0xFFFFFD80  }
0xde: {  	_ =	sfence.sel $0x180000  }
0xdf: {  	[bflag:$0x0] =	sbarrier.arrive $0xFFFF  }
0xe0: {  	_ =	strace $0x90000047  }
0xe1: {  	s0 =	stileid.u32;
	[bflag:$0x2] =	sbarrier.arrive $0xFFFF  }
0xe2: {  	p0 =	sne.s32 s0, $0x0;
	s0 =	rddreg [dreg:$0x4]  }
0xe3: {  	s0 =	sadd.s32 @!p0 $0x100000, s0  }
0xe4: {  	[sflag:s0] =	ssyncadd.tile.s32 @!p0 $0x1;
	_ =	shalt  }
.Lfunc_end2:
_tile_overlayer_lowered:
.L_overlay_start_2:
0xe5: {  	(tag) =	ssettag $0x2  }
0xe6: {  	s0 =	rddreg [dreg:$0x0];
	s2 =	stileid.u32  }
0xe7: {  	s1 =	rddreg [dreg:$0x1];
	p0 =	sne.s32 s2, $0x0  }
0xe8: {  	s3 =	rddreg [dreg:$0x2];
	[bflag:$0x3] =	sbarrier.arrive $0xFFFF;
	s2 =	simm.s32 @!p0 $0x1C06  }
0xe9: {  	[timem:s3], [sflag:s2] =	dma.local @!p0 [hbm:s0], s1  }
0xea: {  	s0 =	simm.s32 @!p0 $0x6  }
0xeb: {  	_ =	swait.ge @!p0 [sflag:s0], s1  }
0xec: {  	s1 =	ssub.s32 @!p0 $0x0, s1;
	[sflag:s0] =	ssyncset.done @!p0 $0x0  }
0xed: {  	[sflag:s0] =	ssyncadd.s32 @!p0 s1  }
0xee: {  	[bflag:$0x3] =	sbarrier.arrive $0xFFFF  }
0xef: {  	_ =	shalt  }

</sc_bundles>
